<compile_context>
chip_gen: v7x
topology: tpu7x:2x2x1
jax: 0.10.2.dev20260603
libtpu: 0.0.44.dev20260713+nightly
codegen_flags: <defaults>
</compile_context>

<pallas_src>
import functools
import jax
import jax.numpy as jnp
from jax import lax
from jax.experimental import pallas as pl
from jax.experimental.pallas import tpu as pltpu
from jax.experimental.pallas import tpu_sc as plsc

VEC_DIM = 256
QUERY_DIM = 512
POOL_N = 65536
SCALE = 1.0 / (VEC_DIM ** 0.5)

NC, NS = 2, 16
NW = NC * NS
NG = VEC_DIM // 16
NEG_BIG = -3.0e38

SC_CHUNK = 128
SC_ROWS = 16384
TC_ROWS = POOL_N - SC_ROWS
TC_BLOCK = 4096


def _make_sc_attn(n_rows, chunk):
    rows_per_w = n_rows // NW
    n_chunks = rows_per_w // chunk

    mesh = plsc.VectorSubcoreMesh(core_axis_name="c", subcore_axis_name="s",
                                  num_cores=NC, num_subcores=NS)

    @functools.partial(
        pl.kernel,
        out_type=(jax.ShapeDtypeStruct((NW, VEC_DIM), jnp.float32),
                  jax.ShapeDtypeStruct((NW, 16), jnp.float32)),
        mesh=mesh,
        scratch_types=[
            pltpu.VMEM((VEC_DIM,), jnp.float32),
            pltpu.VMEM((chunk, VEC_DIM), jnp.float32),
            pltpu.VMEM((chunk, VEC_DIM), jnp.float32),
            pltpu.VMEM((chunk,), jnp.float32),
            pltpu.VMEM((VEC_DIM,), jnp.float32),
            pltpu.VMEM((16,), jnp.float32),
            pltpu.SemaphoreType.DMA,
            pltpu.SemaphoreType.DMA,
        ],
    )
    def sc_attn(q_hbm, pool_hbm, acc_out, stats_out,
                q_v, buf_a, buf_b, lp, acc_v, st_v, sem_a, sem_b):
        wid = lax.axis_index("s") * NC + lax.axis_index("c")
        row0 = wid * rows_per_w
        pltpu.sync_copy(q_hbm, q_v)
        q_regs = tuple(q_v[pl.ds(16 * j, 16)] for j in range(NG))

        def dma(ci, buf, sem):
            return pltpu.make_async_copy(
                pool_hbm.at[pl.ds(row0 + ci * chunk, chunk)], buf, sem)

        lane = lax.iota(jnp.int32, 16)

        dnums = lax.GatherDimensionNumbers(
            offset_dims=(), collapsed_slice_dims=(0,), start_index_map=(0,))

        def lane_shuffle(v, idx):
            return lax.gather(v, idx[:, None], dnums, slice_sizes=(1,),
                              mode=lax.GatherScatterMode.PROMISE_IN_BOUNDS)

        def splat_sum(v):
            for k in (1, 2, 4, 8):
                v = v + lane_shuffle(v, lane ^ k)
            return v

        def process(buf, carry):
            m_vec = carry[0]
            s_vec = carry[1]
            accs = carry[2:]

            def rowA(r, lmerge):
                prods = [buf[r, pl.ds(16 * j, 16)] * q_regs[j]
                         for j in range(NG)]
                while len(prods) > 1:
                    prods = [prods[k] + prods[k + 1]
                             for k in range(0, len(prods) - 1, 2)] + (
                        [prods[-1]] if len(prods) % 2 else [])
                l_vec = splat_sum(prods[0]) * SCALE
                lmerge = jnp.where(lane == (r & 15), l_vec, lmerge)

                @pl.when((r & 15) == 15)
                def _():
                    lp[pl.ds((r & ~15), 16)] = lmerge
                return lmerge
            lax.fori_loop(0, chunk, rowA, jnp.zeros((16,), jnp.float32),
                          unroll=4)

            lvecs = [lp[pl.ds(16 * g, 16)] for g in range(chunk // 16)]
            m_c = lvecs[0]
            for g in range(1, chunk // 16):
                m_c = jnp.maximum(m_c, lvecs[g])
            for k in (1, 2, 4, 8):
                m_c = jnp.maximum(m_c, lane_shuffle(m_c, lane ^ k))
            m_new = jnp.maximum(m_vec, m_c)
            c_vec = jnp.exp(m_vec - m_new)
            psum = jnp.zeros((16,), jnp.float32)
            for g in range(chunk // 16):
                pg = jnp.exp(lvecs[g] - m_new)
                lp[pl.ds(16 * g, 16)] = pg
                psum = psum + pg
            s_vec = s_vec * c_vec + splat_sum(psum)
            accs = tuple(a * c_vec for a in accs)

            def rowC(r, accs2):
                pg = lp[pl.ds(r & ~15, 16)]
                p_vec = lane_shuffle(pg, jnp.full((16,), r & 15, jnp.int32))
                return tuple(a + p_vec * buf[r, pl.ds(16 * j, 16)]
                             for j, a in enumerate(accs2))
            accs = lax.fori_loop(0, chunk, rowC, accs, unroll=2)
            return (m_new, s_vec) + accs

        init = (jnp.full((16,), NEG_BIG, jnp.float32),
                jnp.zeros((16,), jnp.float32)) + tuple(
            jnp.zeros((16,), jnp.float32) for _ in range(NG))

        if n_chunks == 1:
            dma(0, buf_a, sem_a).start()
            dma(0, buf_a, sem_a).wait()
            final = process(buf_a, init)
        else:
            def pair_body(k, carry):
                ci = 2 * k
                dma(ci + 1, buf_b, sem_b).start()
                dma(ci, buf_a, sem_a).wait()
                carry = process(buf_a, carry)

                @pl.when(ci + 2 < n_chunks)
                def _():
                    dma(ci + 2, buf_a, sem_a).start()
                dma(ci + 1, buf_b, sem_b).wait()
                carry = process(buf_b, carry)
                return carry

            dma(0, buf_a, sem_a).start()
            final = lax.fori_loop(0, n_chunks // 2, pair_body, init)
        m_vec = final[0]
        s_vec = final[1]
        accs = final[2:]

        for j in range(NG):
            acc_v[pl.ds(16 * j, 16)] = accs[j]
        st_v[...] = jnp.where(lane == 0, m_vec,
                              jnp.where(lane == 1, s_vec,
                                        jnp.zeros((16,), jnp.float32)))
        pltpu.sync_copy(acc_v, acc_out.at[wid])
        pltpu.sync_copy(st_v, stats_out.at[wid])

    return sc_attn


def _q_body(query_ref, W_ref, b_ref, q_out):
    q_out[...] = query_ref[...] @ W_ref[...] + b_ref[...]


def _merge_body(acc_ref, stats_ref, tacc_ref, tstats_ref, out_ref):
    m_w = stats_ref[:, 0:1]
    s_w = stats_ref[:, 1:2]
    t_m = tstats_ref[0, 0]
    t_s = tstats_ref[0, 1]
    m_star = jnp.maximum(jnp.max(m_w), t_m)
    w = jnp.exp(m_w - m_star)
    w_t = jnp.exp(t_m - m_star)
    out = (jnp.sum(w * acc_ref[...], axis=0, keepdims=True)
           + w_t * tacc_ref[...])
    denom = jnp.sum(w * s_w) + w_t * t_s
    out_ref[...] = out / denom


def _tc_flash_body(q_ref, pool_ref, acc_out, stats_out, m_ref, s_ref, acc_ref):
    i = pl.program_id(0)

    @pl.when(i == 0)
    def _():
        m_ref[0, 0] = -jnp.inf
        s_ref[0, 0] = 0.0
        acc_ref[...] = jnp.zeros_like(acc_ref)

    x = pool_ref[...]
    l = jnp.sum(x * q_ref[...], axis=1, keepdims=True) * SCALE
    m_blk = jnp.max(l)
    m_old = m_ref[0, 0]
    m_new = jnp.maximum(m_old, m_blk)
    corr = jnp.exp(m_old - m_new)
    p = jnp.exp(l - m_new)
    s_ref[0, 0] = s_ref[0, 0] * corr + jnp.sum(p)
    acc_ref[...] = acc_ref[...] * corr + jnp.sum(
        p * x, axis=0, keepdims=True)
    m_ref[0, 0] = m_new

    @pl.when(i == pl.num_programs(0) - 1)
    def _():
        acc_out[...] = acc_ref[...]
        idx = lax.broadcasted_iota(jnp.int32, (1, 16), 1)
        stats_out[...] = jnp.where(
            idx == 0, m_ref[0, 0],
            jnp.where(idx == 1, s_ref[0, 0], 0.0))


def kernel(query, pool, W_q, b_q):
    q = pl.pallas_call(
        _q_body,
        out_shape=jax.ShapeDtypeStruct((1, VEC_DIM), jnp.float32),
    )(query.reshape(1, QUERY_DIM), W_q, b_q.reshape(1, VEC_DIM))

    sc_attn = _make_sc_attn(SC_ROWS, SC_CHUNK)
    sc_acc, sc_stats = sc_attn(q.reshape(VEC_DIM), pool)

    tc_row0 = SC_ROWS // TC_BLOCK
    tc_acc, tc_stats = pl.pallas_call(
        _tc_flash_body,
        grid=(TC_ROWS // TC_BLOCK,),
        in_specs=[
            pl.BlockSpec((1, VEC_DIM), lambda i: (0, 0)),
            pl.BlockSpec((TC_BLOCK, VEC_DIM), lambda i: (tc_row0 + i, 0)),
        ],
        out_specs=(pl.BlockSpec((1, VEC_DIM), lambda i: (0, 0)),
                   pl.BlockSpec((1, 16), lambda i: (0, 0))),
        out_shape=(jax.ShapeDtypeStruct((1, VEC_DIM), jnp.float32),
                   jax.ShapeDtypeStruct((1, 16), jnp.float32)),
        scratch_shapes=[
            pltpu.SMEM((1, 1), jnp.float32),
            pltpu.SMEM((1, 1), jnp.float32),
            pltpu.VMEM((1, VEC_DIM), jnp.float32),
        ],
    )(q, pool)

    out = pl.pallas_call(
        _merge_body,
        out_shape=jax.ShapeDtypeStruct((1, VEC_DIM), jnp.float32),
    )(sc_acc, sc_stats, tc_acc, tc_stats)
    return out.reshape(VEC_DIM)

# --- scband reference (transcript-rebuilt; emitter-appended) ---
"""Pipeline reference for scband-growable-state-space-15745350107618 (READ-ONLY COPY).

The authoritative reference and input builder live on the scoring server;
editing this copy changes nothing except your own understanding.
"""

import jax, jax.numpy as jnp
import numpy as np

VEC_DIM = 256
QUERY_DIM = 512
POOL_N = 65536

def setup_inputs(seed: int = 0) -> dict:
    key = jax.random.key(seed)
    k1, k2, k3, k4 = jax.random.split(key, 4)
    query = jax.random.normal(k1, (QUERY_DIM,), dtype=jnp.float32)
    pool = jax.random.normal(k2, (POOL_N, VEC_DIM), dtype=jnp.float32)
    # query_proj: nn.Linear(query_dim, vec_dim)
    bound = 1.0 / np.sqrt(QUERY_DIM)
    W_q = jax.random.uniform(k3, (QUERY_DIM, VEC_DIM), dtype=jnp.float32, minval=-bound, maxval=bound)
    b_q = jax.random.uniform(k4, (VEC_DIM,), dtype=jnp.float32, minval=-bound, maxval=bound)
    return {"query": query, "pool": pool, "W_q": W_q, "b_q": b_q}

def reference(query, pool, W_q, b_q):
    # GrowableStateSpace.read(query, pool)
    q = query @ W_q + b_q                      # [vec_dim]
    logits = pool @ q / jnp.sqrt(jnp.asarray(VEC_DIM, jnp.float32))  # [N]
    attn = jax.nn.softmax(logits, axis=0)      # [N]
    out = (attn[:, None] * pool).sum(axis=0)   # [vec_dim]
    return out

if __name__ == "__main__":
    import jax
    _d = setup_inputs()
    print(jax.jit(kernel)(*tuple(_d.values())))

</pallas_src>

<mosaic_0001>
#map = affine_map<(d0, d1) -> (0)>
#map1 = affine_map<(d0, d1) -> (0, 0)>
module attributes {stable_mosaic.version = 14 : i64} {
  func.func @sc_attn(%arg0: i32, %arg1: i32, %arg2: memref<256xf32, #tpu.memory_space<hbm>>, %arg3: memref<65536x256xf32, #tpu.memory_space<hbm>>, %arg4: memref<32x256xf32, #tpu.memory_space<hbm>>, %arg5: memref<32x16xf32, #tpu.memory_space<hbm>>, %arg6: memref<256xf32, #tpu.memory_space<vmem>>, %arg7: memref<128x256xf32, #tpu.memory_space<vmem>>, %arg8: memref<128x256xf32, #tpu.memory_space<vmem>>, %arg9: memref<128xf32, #tpu.memory_space<vmem>>, %arg10: memref<256xf32, #tpu.memory_space<vmem>>, %arg11: memref<16xf32, #tpu.memory_space<vmem>>, %arg12: memref<!tpu.dma_semaphore, #tpu.memory_space<semaphore_mem>>, %arg13: memref<!tpu.dma_semaphore, #tpu.memory_space<semaphore_mem>>) attributes {dimension_semantics = [#tpu.dimension_semantics<core_parallel>, #tpu.dimension_semantics<subcore_parallel>], iteration_bounds = array<i64: 2, 16>, scalar_prefetch = 0 : i64, scratch_operands = 8 : i64, tpu.core_type = #tpu.core_type<sc_vector_subcore>, window_params = [{transform_indices = #map}, {transform_indices = #map1}, {transform_indices = #map1}, {transform_indices = #map1}]} {
    %mul3A = arith.constant 2 : i32
    %mul3A_0 = arith.muli %arg1, %mul3A : i32
    %add3A = arith.addi %mul3A_0, %arg0 : i32
    %mul3A_1 = arith.constant 512 : i32
    %mul3A_2 = arith.muli %add3A, %mul3A_1 : i32
    "tpu.region"() ({
      %run_scoped3A = tpu.sem_alloc : memref<!tpu.dma_semaphore, #tpu.memory_space<semaphore_mem>>
      tpu.enqueue_dma source(%arg2 : memref<256xf32, #tpu.memory_space<hbm>>) target(%arg6 : memref<256xf32, #tpu.memory_space<vmem>>) target_semaphore(%run_scoped3A : memref<!tpu.dma_semaphore, #tpu.memory_space<semaphore_mem>>)
      tpu.wait_dma2 semaphore(%run_scoped3A : memref<!tpu.dma_semaphore, #tpu.memory_space<semaphore_mem>>) src(%arg2 : memref<256xf32, #tpu.memory_space<hbm>>) dst(%arg6 : memref<256xf32, #tpu.memory_space<vmem>>)
      tpu.yield
    }) : () -> ()
    %get3A = arith.constant 0 : index
    %get3A_3 = tpu.vector_load %arg6[%get3A] {strides = array<i32>} : memref<256xf32, #tpu.memory_space<vmem>>, vector<16xf32>,
    %get3A_4 = vector.shape_cast %get3A_3 : vector<16xf32> to vector<16xf32>
    %get3A_5 = arith.constant 16 : index
    %get3A_6 = tpu.vector_load %arg6[%get3A_5] {strides = array<i32>} : memref<256xf32, #tpu.memory_space<vmem>>, vector<16xf32>,
    %get3A_7 = vector.shape_cast %get3A_6 : vector<16xf32> to vector<16xf32>
    %get3A_8 = arith.constant 32 : index
    %get3A_9 = tpu.vector_load %arg6[%get3A_8] {strides = array<i32>} : memref<256xf32, #tpu.memory_space<vmem>>, vector<16xf32>,
    %get3A_10 = vector.shape_cast %get3A_9 : vector<16xf32> to vector<16xf32>
    %get3A_11 = arith.constant 48 : index
    %get3A_12 = tpu.vector_load %arg6[%get3A_11] {strides = array<i32>} : memref<256xf32, #tpu.memory_space<vmem>>, vector<16xf32>,
    %get3A_13 = vector.shape_cast %get3A_12 : vector<16xf32> to vector<16xf32>
    %get3A_14 = arith.constant 64 : index
    %get3A_15 = tpu.vector_load %arg6[%get3A_14] {strides = array<i32>} : memref<256xf32, #tpu.memory_space<vmem>>, vector<16xf32>,
    %get3A_16 = vector.shape_cast %get3A_15 : vector<16xf32> to vector<16xf32>
    %get3A_17 = arith.constant 80 : index
    %get3A_18 = tpu.vector_load %arg6[%get3A_17] {strides = array<i32>} : memref<256xf32, #tpu.memory_space<vmem>>, vector<16xf32>,
    %get3A_19 = vector.shape_cast %get3A_18 : vector<16xf32> to vector<16xf32>
    %get3A_20 = arith.constant 96 : index
    %get3A_21 = tpu.vector_load %arg6[%get3A_20] {strides = array<i32>} : memref<256xf32, #tpu.memory_space<vmem>>, vector<16xf32>,
    %get3A_22 = vector.shape_cast %get3A_21 : vector<16xf32> to vector<16xf32>
    %get3A_23 = arith.constant 112 : index
    %get3A_24 = tpu.vector_load %arg6[%get3A_23] {strides = array<i32>} : memref<256xf32, #tpu.memory_space<vmem>>, vector<16xf32>,
    %get3A_25 = vector.shape_cast %get3A_24 : vector<16xf32> to vector<16xf32>
    %get3A_26 = arith.constant 128 : index
    %get3A_27 = tpu.vector_load %arg6[%get3A_26] {strides = array<i32>} : memref<256xf32, #tpu.memory_space<vmem>>, vector<16xf32>,
    %get3A_28 = vector.shape_cast %get3A_27 : vector<16xf32> to vector<16xf32>
    %get3A_29 = arith.constant 144 : index
    %get3A_30 = tpu.vector_load %arg6[%get3A_29] {strides = array<i32>} : memref<256xf32, #tpu.memory_space<vmem>>, vector<16xf32>,
    %get3A_31 = vector.shape_cast %get3A_30 : vector<16xf32> to vector<16xf32>
    %get3A_32 = arith.constant 160 : index
    %get3A_33 = tpu.vector_load %arg6[%get3A_32] {strides = array<i32>} : memref<256xf32, #tpu.memory_space<vmem>>, vector<16xf32>,
    %get3A_34 = vector.shape_cast %get3A_33 : vector<16xf32> to vector<16xf32>
    %get3A_35 = arith.constant 176 : index
    %get3A_36 = tpu.vector_load %arg6[%get3A_35] {strides = array<i32>} : memref<256xf32, #tpu.memory_space<vmem>>, vector<16xf32>,
    %get3A_37 = vector.shape_cast %get3A_36 : vector<16xf32> to vector<16xf32>
    %get3A_38 = arith.constant 192 : index
    %get3A_39 = tpu.vector_load %arg6[%get3A_38] {strides = array<i32>} : memref<256xf32, #tpu.memory_space<vmem>>, vector<16xf32>,
    %get3A_40 = vector.shape_cast %get3A_39 : vector<16xf32> to vector<16xf32>
    %get3A_41 = arith.constant 208 : index
    %get3A_42 = tpu.vector_load %arg6[%get3A_41] {strides = array<i32>} : memref<256xf32, #tpu.memory_space<vmem>>, vector<16xf32>,
    %get3A_43 = vector.shape_cast %get3A_42 : vector<16xf32> to vector<16xf32>
    %get3A_44 = arith.constant 224 : index
    %get3A_45 = tpu.vector_load %arg6[%get3A_44] {strides = array<i32>} : memref<256xf32, #tpu.memory_space<vmem>>, vector<16xf32>,
    %get3A_46 = vector.shape_cast %get3A_45 : vector<16xf32> to vector<16xf32>
    %get3A_47 = arith.constant 240 : index
    %get3A_48 = tpu.vector_load %arg6[%get3A_47] {strides = array<i32>} : memref<256xf32, #tpu.memory_space<vmem>>, vector<16xf32>,
    %get3A_49 = vector.shape_cast %get3A_48 : vector<16xf32> to vector<16xf32>
    %iota3A = tpu.iota {dimensions = array<i32: 0>} : vector<16xi32>
    %broadcast_in_dim3A = arith.constant -3.000000e+38 : f32
    %broadcast_in_dim3A_50 = vector.broadcast %broadcast_in_dim3A : f32 to vector<16xf32>
    %broadcast_in_dim3A_51 = arith.constant 0.000000e+00 : f32
    %broadcast_in_dim3A_52 = vector.broadcast %broadcast_in_dim3A_51 : f32 to vector<16xf32>
    %broadcast_in_dim3A_53 = arith.constant 0.000000e+00 : f32
    %broadcast_in_dim3A_54 = vector.broadcast %broadcast_in_dim3A_53 : f32 to vector<16xf32>
    %broadcast_in_dim3A_55 = arith.constant 0.000000e+00 : f32
    %broadcast_in_dim3A_56 = vector.broadcast %broadcast_in_dim3A_55 : f32 to vector<16xf32>
    %broadcast_in_dim3A_57 = arith.constant 0.000000e+00 : f32
    %broadcast_in_dim3A_58 = vector.broadcast %broadcast_in_dim3A_57 : f32 to vector<16xf32>
    %broadcast_in_dim3A_59 = arith.constant 0.000000e+00 : f32
    %broadcast_in_dim3A_60 = vector.broadcast %broadcast_in_dim3A_59 : f32 to vector<16xf32>
    %broadcast_in_dim3A_61 = arith.constant 0.000000e+00 : f32
    %broadcast_in_dim3A_62 = vector.broadcast %broadcast_in_dim3A_61 : f32 to vector<16xf32>
    %broadcast_in_dim3A_63 = arith.constant 0.000000e+00 : f32
    %broadcast_in_dim3A_64 = vector.broadcast %broadcast_in_dim3A_63 : f32 to vector<16xf32>
    %broadcast_in_dim3A_65 = arith.constant 0.000000e+00 : f32
    %broadcast_in_dim3A_66 = vector.broadcast %broadcast_in_dim3A_65 : f32 to vector<16xf32>
    %broadcast_in_dim3A_67 = arith.constant 0.000000e+00 : f32
    %broadcast_in_dim3A_68 = vector.broadcast %broadcast_in_dim3A_67 : f32 to vector<16xf32>
    %broadcast_in_dim3A_69 = arith.constant 0.000000e+00 : f32
    %broadcast_in_dim3A_70 = vector.broadcast %broadcast_in_dim3A_69 : f32 to vector<16xf32>
    %broadcast_in_dim3A_71 = arith.constant 0.000000e+00 : f32
    %broadcast_in_dim3A_72 = vector.broadcast %broadcast_in_dim3A_71 : f32 to vector<16xf32>
    %broadcast_in_dim3A_73 = arith.constant 0.000000e+00 : f32
    %broadcast_in_dim3A_74 = vector.broadcast %broadcast_in_dim3A_73 : f32 to vector<16xf32>
    %broadcast_in_dim3A_75 = arith.constant 0.000000e+00 : f32
    %broadcast_in_dim3A_76 = vector.broadcast %broadcast_in_dim3A_75 : f32 to vector<16xf32>
    %broadcast_in_dim3A_77 = arith.constant 0.000000e+00 : f32
    %broadcast_in_dim3A_78 = vector.broadcast %broadcast_in_dim3A_77 : f32 to vector<16xf32>
    %broadcast_in_dim3A_79 = arith.constant 0.000000e+00 : f32
    %broadcast_in_dim3A_80 = vector.broadcast %broadcast_in_dim3A_79 : f32 to vector<16xf32>
    %broadcast_in_dim3A_81 = arith.constant 0.000000e+00 : f32
    %broadcast_in_dim3A_82 = vector.broadcast %broadcast_in_dim3A_81 : f32 to vector<16xf32>
    %broadcast_in_dim3A_83 = arith.constant 0.000000e+00 : f32
    %broadcast_in_dim3A_84 = vector.broadcast %broadcast_in_dim3A_83 : f32 to vector<16xf32>
    %add3A_85 = arith.constant 0 : i32
    %add3A_86 = arith.addi %mul3A_2, %add3A_85 : i32
    %dma_start3A = arith.constant 0 : i32
    %dma_start3A_87 = tpu.memref_slice %arg3[%add3A_86, %dma_start3A] : memref<65536x256xf32, #tpu.memory_space<hbm>> -> memref<128x256xf32, #tpu.memory_space<hbm>>
    %dma_start3A_88 = arith.constant 0 : i32
    %dma_start3A_89 = tpu.memref_slice %arg3[%add3A_86, %dma_start3A_88] : memref<65536x256xf32, #tpu.memory_space<hbm>> -> memref<128x256xf32, #tpu.memory_space<hbm>>
    tpu.enqueue_dma source(%dma_start3A_89 : memref<128x256xf32, #tpu.memory_space<hbm>>) target(%arg7 : memref<128x256xf32, #tpu.memory_space<vmem>>) target_semaphore(%arg12 : memref<!tpu.dma_semaphore, #tpu.memory_space<semaphore_mem>>)
    %scan3A = arith.constant 0 : i32
    %scan3A_90 = arith.constant 2 : i32
    %scan3A_91 = arith.addi %scan3A, %scan3A_90 : i32
    %scan3A_92 = arith.constant 1 : i32
    %scan3A_93:18 = scf.for %scan3A_170 = %scan3A to %scan3A_91 step %scan3A_92 iter_args(%scan3A_171 = %broadcast_in_dim3A_50, %scan3A_172 = %broadcast_in_dim3A_52, %scan3A_173 = %broadcast_in_dim3A_54, %scan3A_174 = %broadcast_in_dim3A_56, %scan3A_175 = %broadcast_in_dim3A_58, %scan3A_176 = %broadcast_in_dim3A_60, %scan3A_177 = %broadcast_in_dim3A_62, %scan3A_178 = %broadcast_in_dim3A_64, %scan3A_179 = %broadcast_in_dim3A_66, %scan3A_180 = %broadcast_in_dim3A_68, %scan3A_181 = %broadcast_in_dim3A_70, %scan3A_182 = %broadcast_in_dim3A_72, %scan3A_183 = %broadcast_in_dim3A_74, %scan3A_184 = %broadcast_in_dim3A_76, %scan3A_185 = %broadcast_in_dim3A_78, %scan3A_186 = %broadcast_in_dim3A_80, %scan3A_187 = %broadcast_in_dim3A_82, %scan3A_188 = %broadcast_in_dim3A_84) -> (vector<16xf32>, vector<16xf32>, vector<16xf32>, vector<16xf32>, vector<16xf32>, vector<16xf32>, vector<16xf32>, vector<16xf32>, vector<16xf32>, vector<16xf32>, vector<16xf32>, vector<16xf32>, vector<16xf32>, vector<16xf32>, vector<16xf32>, vector<16xf32>, vector<16xf32>, vector<16xf32>)  : i32 {
      %mul3A_189 = arith.constant 2 : i32
      %mul3A_190 = arith.muli %mul3A_189, %scan3A_170 : i32
      %add3A_191 = arith.constant 1 : i32
      %add3A_192 = arith.addi %mul3A_190, %add3A_191 : i32
      %mul3A_193 = arith.constant 128 : i32
      %mul3A_194 = arith.muli %add3A_192, %mul3A_193 : i32
      %add3A_195 = arith.addi %mul3A_2, %mul3A_194 : i32
      %dma_start3A_196 = arith.constant 0 : i32
      %dma_start3A_197 = tpu.memref_slice %arg3[%add3A_195, %dma_start3A_196] : memref<65536x256xf32, #tpu.memory_space<hbm>> -> memref<128x256xf32, #tpu.memory_space<hbm>>
      %dma_start3A_198 = arith.constant 0 : i32
      %dma_start3A_199 = tpu.memref_slice %arg3[%add3A_195, %dma_start3A_198] : memref<65536x256xf32, #tpu.memory_space<hbm>> -> memref<128x256xf32, #tpu.memory_space<hbm>>
      tpu.enqueue_dma source(%dma_start3A_199 : memref<128x256xf32, #tpu.memory_space<hbm>>) target(%arg8 : memref<128x256xf32, #tpu.memory_space<vmem>>) target_semaphore(%arg13 : memref<!tpu.dma_semaphore, #tpu.memory_space<semaphore_mem>>)
      %mul3A_200 = arith.constant 128 : i32
      %mul3A_201 = arith.muli %mul3A_190, %mul3A_200 : i32
      %add3A_202 = arith.addi %mul3A_2, %mul3A_201 : i32
      %dma_wait3A = arith.constant 0 : i32
      %dma_wait3A_203 = tpu.memref_slice %arg3[%add3A_202, %dma_wait3A] : memref<65536x256xf32, #tpu.memory_space<hbm>> -> memref<128x256xf32, #tpu.memory_space<hbm>>
      %dma_wait3A_204 = arith.constant 0 : i32
      %dma_wait3A_205 = tpu.memref_slice %arg3[%add3A_202, %dma_wait3A_204] : memref<65536x256xf32, #tpu.memory_space<hbm>> -> memref<128x256xf32, #tpu.memory_space<hbm>>
      tpu.wait_dma2 semaphore(%arg12 : memref<!tpu.dma_semaphore, #tpu.memory_space<semaphore_mem>>) src(%dma_wait3A_205 : memref<128x256xf32, #tpu.memory_space<hbm>>) dst(%arg7 : memref<128x256xf32, #tpu.memory_space<vmem>>)
      %broadcast_in_dim3A_206 = arith.constant 0.000000e+00 : f32
      %broadcast_in_dim3A_207 = vector.broadcast %broadcast_in_dim3A_206 : f32 to vector<16xf32>
      %scan3A_208 = arith.constant 0 : i32
      %scan3A_209 = arith.constant 128 : i32
      %scan3A_210 = arith.addi %scan3A_208, %scan3A_209 : i32
      %scan3A_211 = arith.constant 4 : i32
      %scan3A_212 = scf.for %scan3A_574 = %scan3A_208 to %scan3A_210 step %scan3A_211 iter_args(%scan3A_575 = %broadcast_in_dim3A_207) -> (vector<16xf32>)  : i32 {
        %get3A_576 = arith.index_cast %scan3A_574 : i32 to index
        %get3A_577 = arith.constant 0 : index
        %get3A_578 = tpu.vector_load %arg7[%get3A_576, %get3A_577] {strides = array<i32>} : memref<128x256xf32, #tpu.memory_space<vmem>>, vector<1x16xf32>,
        %get3A_579 = vector.shape_cast %get3A_578 : vector<1x16xf32> to vector<16xf32>
        %mul3A_580 = arith.mulf %get3A_579, %get3A_4 : vector<16xf32>
        %get3A_581 = arith.index_cast %scan3A_574 : i32 to index
        %get3A_582 = arith.constant 16 : index
        %get3A_583 = tpu.vector_load %arg7[%get3A_581, %get3A_582] {strides = array<i32>} : memref<128x256xf32, #tpu.memory_space<vmem>>, vector<1x16xf32>,
        %get3A_584 = vector.shape_cast %get3A_583 : vector<1x16xf32> to vector<16xf32>
        %mul3A_585 = arith.mulf %get3A_584, %get3A_7 : vector<16xf32>
        %get3A_586 = arith.index_cast %scan3A_574 : i32 to index
        %get3A_587 = arith.constant 32 : index
        %get3A_588 = tpu.vector_load %arg7[%get3A_586, %get3A_587] {strides = array<i32>} : memref<128x256xf32, #tpu.memory_space<vmem>>, vector<1x16xf32>,
        %get3A_589 = vector.shape_cast %get3A_588 : vector<1x16xf32> to vector<16xf32>
        %mul3A_590 = arith.mulf %get3A_589, %get3A_10 : vector<16xf32>
        %get3A_591 = arith.index_cast %scan3A_574 : i32 to index
        %get3A_592 = arith.constant 48 : index
        %get3A_593 = tpu.vector_load %arg7[%get3A_591, %get3A_592] {strides = array<i32>} : memref<128x256xf32, #tpu.memory_space<vmem>>, vector<1x16xf32>,
        %get3A_594 = vector.shape_cast %get3A_593 : vector<1x16xf32> to vector<16xf32>
        %mul3A_595 = arith.mulf %get3A_594, %get3A_13 : vector<16xf32>
        %get3A_596 = arith.index_cast %scan3A_574 : i32 to index
        %get3A_597 = arith.constant 64 : index
        %get3A_598 = tpu.vector_load %arg7[%get3A_596, %get3A_597] {strides = array<i32>} : memref<128x256xf32, #tpu.memory_space<vmem>>, vector<1x16xf32>,
        %get3A_599 = vector.shape_cast %get3A_598 : vector<1x16xf32> to vector<16xf32>
        %mul3A_600 = arith.mulf %get3A_599, %get3A_16 : vector<16xf32>
        %get3A_601 = arith.index_cast %scan3A_574 : i32 to index
        %get3A_602 = arith.constant 80 : index
        %get3A_603 = tpu.vector_load %arg7[%get3A_601, %get3A_602] {strides = array<i32>} : memref<128x256xf32, #tpu.memory_space<vmem>>, vector<1x16xf32>,
        %get3A_604 = vector.shape_cast %get3A_603 : vector<1x16xf32> to vector<16xf32>
        %mul3A_605 = arith.mulf %get3A_604, %get3A_19 : vector<16xf32>
        %get3A_606 = arith.index_cast %scan3A_574 : i32 to index
        %get3A_607 = arith.constant 96 : index
        %get3A_608 = tpu.vector_load %arg7[%get3A_606, %get3A_607] {strides = array<i32>} : memref<128x256xf32, #tpu.memory_space<vmem>>, vector<1x16xf32>,
        %get3A_609 = vector.shape_cast %get3A_608 : vector<1x16xf32> to vector<16xf32>
        %mul3A_610 = arith.mulf %get3A_609, %get3A_22 : vector<16xf32>
        %get3A_611 = arith.index_cast %scan3A_574 : i32 to index
        %get3A_612 = arith.constant 112 : index
        %get3A_613 = tpu.vector_load %arg7[%get3A_611, %get3A_612] {strides = array<i32>} : memref<128x256xf32, #tpu.memory_space<vmem>>, vector<1x16xf32>,
        %get3A_614 = vector.shape_cast %get3A_613 : vector<1x16xf32> to vector<16xf32>
        %mul3A_615 = arith.mulf %get3A_614, %get3A_25 : vector<16xf32>
        %get3A_616 = arith.index_cast %scan3A_574 : i32 to index
        %get3A_617 = arith.constant 128 : index
        %get3A_618 = tpu.vector_load %arg7[%get3A_616, %get3A_617] {strides = array<i32>} : memref<128x256xf32, #tpu.memory_space<vmem>>, vector<1x16xf32>,
        %get3A_619 = vector.shape_cast %get3A_618 : vector<1x16xf32> to vector<16xf32>
        %mul3A_620 = arith.mulf %get3A_619, %get3A_28 : vector<16xf32>
        %get3A_621 = arith.index_cast %scan3A_574 : i32 to index
        %get3A_622 = arith.constant 144 : index
        %get3A_623 = tpu.vector_load %arg7[%get3A_621, %get3A_622] {strides = array<i32>} : memref<128x256xf32, #tpu.memory_space<vmem>>, vector<1x16xf32>,
        %get3A_624 = vector.shape_cast %get3A_623 : vector<1x16xf32> to vector<16xf32>
        %mul3A_625 = arith.mulf %get3A_624, %get3A_31 : vector<16xf32>
        %get3A_626 = arith.index_cast %scan3A_574 : i32 to index
        %get3A_627 = arith.constant 160 : index
        %get3A_628 = tpu.vector_load %arg7[%get3A_626, %get3A_627] {strides = array<i32>} : memref<128x256xf32, #tpu.memory_space<vmem>>, vector<1x16xf32>,
        %get3A_629 = vector.shape_cast %get3A_628 : vector<1x16xf32> to vector<16xf32>
        %mul3A_630 = arith.mulf %get3A_629, %get3A_34 : vector<16xf32>
        %get3A_631 = arith.index_cast %scan3A_574 : i32 to index
        %get3A_632 = arith.constant 176 : index
        %get3A_633 = tpu.vector_load %arg7[%get3A_631, %get3A_632] {strides = array<i32>} : memref<128x256xf32, #tpu.memory_space<vmem>>, vector<1x16xf32>,
        %get3A_634 = vector.shape_cast %get3A_633 : vector<1x16xf32> to vector<16xf32>
        %mul3A_635 = arith.mulf %get3A_634, %get3A_37 : vector<16xf32>
        %get3A_636 = arith.index_cast %scan3A_574 : i32 to index
        %get3A_637 = arith.constant 192 : index
        %get3A_638 = tpu.vector_load %arg7[%get3A_636, %get3A_637] {strides = array<i32>} : memref<128x256xf32, #tpu.memory_space<vmem>>, vector<1x16xf32>,
        %get3A_639 = vector.shape_cast %get3A_638 : vector<1x16xf32> to vector<16xf32>
        %mul3A_640 = arith.mulf %get3A_639, %get3A_40 : vector<16xf32>
        %get3A_641 = arith.index_cast %scan3A_574 : i32 to index
        %get3A_642 = arith.constant 208 : index
        %get3A_643 = tpu.vector_load %arg7[%get3A_641, %get3A_642] {strides = array<i32>} : memref<128x256xf32, #tpu.memory_space<vmem>>, vector<1x16xf32>,
        %get3A_644 = vector.shape_cast %get3A_643 : vector<1x16xf32> to vector<16xf32>
        %mul3A_645 = arith.mulf %get3A_644, %get3A_43 : vector<16xf32>
        %get3A_646 = arith.index_cast %scan3A_574 : i32 to index
        %get3A_647 = arith.constant 224 : index
        %get3A_648 = tpu.vector_load %arg7[%get3A_646, %get3A_647] {strides = array<i32>} : memref<128x256xf32, #tpu.memory_space<vmem>>, vector<1x16xf32>,
        %get3A_649 = vector.shape_cast %get3A_648 : vector<1x16xf32> to vector<16xf32>
        %mul3A_650 = arith.mulf %get3A_649, %get3A_46 : vector<16xf32>
        %get3A_651 = arith.index_cast %scan3A_574 : i32 to index
        %get3A_652 = arith.constant 240 : index
        %get3A_653 = tpu.vector_load %arg7[%get3A_651, %get3A_652] {strides = array<i32>} : memref<128x256xf32, #tpu.memory_space<vmem>>, vector<1x16xf32>,
        %get3A_654 = vector.shape_cast %get3A_653 : vector<1x16xf32> to vector<16xf32>
        %mul3A_655 = arith.mulf %get3A_654, %get3A_49 : vector<16xf32>
        %add3A_656 = arith.addf %mul3A_580, %mul3A_585 : vector<16xf32>
        %add3A_657 = arith.addf %mul3A_590, %mul3A_595 : vector<16xf32>
        %add3A_658 = arith.addf %mul3A_600, %mul3A_605 : vector<16xf32>
        %add3A_659 = arith.addf %mul3A_610, %mul3A_615 : vector<16xf32>
        %add3A_660 = arith.addf %mul3A_620, %mul3A_625 : vector<16xf32>
        %add3A_661 = arith.addf %mul3A_630, %mul3A_635 : vector<16xf32>
        %add3A_662 = arith.addf %mul3A_640, %mul3A_645 : vector<16xf32>
        %add3A_663 = arith.addf %mul3A_650, %mul3A_655 : vector<16xf32>
        %add3A_664 = arith.addf %add3A_656, %add3A_657 : vector<16xf32>
        %add3A_665 = arith.addf %add3A_658, %add3A_659 : vector<16xf32>
        %add3A_666 = arith.addf %add3A_660, %add3A_661 : vector<16xf32>
        %add3A_667 = arith.addf %add3A_662, %add3A_663 : vector<16xf32>
        %add3A_668 = arith.addf %add3A_664, %add3A_665 : vector<16xf32>
        %add3A_669 = arith.addf %add3A_666, %add3A_667 : vector<16xf32>
        %add3A_670 = arith.addf %add3A_668, %add3A_669 : vector<16xf32>
        %xor3A_671 = arith.constant 1 : i32
        %xor3A_672 = vector.broadcast %xor3A_671 : i32 to vector<16xi32>
        %xor3A_673 = arith.xori %iota3A, %xor3A_672 : vector<16xi32>
        %broadcast_in_dim3A_674 = vector.shape_cast %xor3A_673 : vector<16xi32> to vector<16x1xi32>
        %gather3A_675 = vector.shape_cast %broadcast_in_dim3A_674 : vector<16x1xi32> to vector<16xi32>
        %gather3A_676 = tpu.dynamic_gather %add3A_670[%gather3A_675] in [0] : vector<16xf32>, vector<16xi32> -> vector<16xf32>
        %add3A_677 = arith.addf %add3A_670, %gather3A_676 : vector<16xf32>
        %xor3A_678 = arith.constant 2 : i32
        %xor3A_679 = vector.broadcast %xor3A_678 : i32 to vector<16xi32>
        %xor3A_680 = arith.xori %iota3A, %xor3A_679 : vector<16xi32>
        %broadcast_in_dim3A_681 = vector.shape_cast %xor3A_680 : vector<16xi32> to vector<16x1xi32>
        %gather3A_682 = vector.shape_cast %broadcast_in_dim3A_681 : vector<16x1xi32> to vector<16xi32>
        %gather3A_683 = tpu.dynamic_gather %add3A_677[%gather3A_682] in [0] : vector<16xf32>, vector<16xi32> -> vector<16xf32>
        %add3A_684 = arith.addf %add3A_677, %gather3A_683 : vector<16xf32>
        %xor3A_685 = arith.constant 4 : i32
        %xor3A_686 = vector.broadcast %xor3A_685 : i32 to vector<16xi32>
        %xor3A_687 = arith.xori %iota3A, %xor3A_686 : vector<16xi32>
        %broadcast_in_dim3A_688 = vector.shape_cast %xor3A_687 : vector<16xi32> to vector<16x1xi32>
        %gather3A_689 = vector.shape_cast %broadcast_in_dim3A_688 : vector<16x1xi32> to vector<16xi32>
        %gather3A_690 = tpu.dynamic_gather %add3A_684[%gather3A_689] in [0] : vector<16xf32>, vector<16xi32> -> vector<16xf32>
        %add3A_691 = arith.addf %add3A_684, %gather3A_690 : vector<16xf32>
        %xor3A_692 = arith.constant 8 : i32
        %xor3A_693 = vector.broadcast %xor3A_692 : i32 to vector<16xi32>
        %xor3A_694 = arith.xori %iota3A, %xor3A_693 : vector<16xi32>
        %broadcast_in_dim3A_695 = vector.shape_cast %xor3A_694 : vector<16xi32> to vector<16x1xi32>
        %gather3A_696 = vector.shape_cast %broadcast_in_dim3A_695 : vector<16x1xi32> to vector<16xi32>
        %gather3A_697 = tpu.dynamic_gather %add3A_691[%gather3A_696] in [0] : vector<16xf32>, vector<16xi32> -> vector<16xf32>
        %add3A_698 = arith.addf %add3A_691, %gather3A_697 : vector<16xf32>
        %mul3A_699 = arith.constant 6.250000e-02 : f32
        %mul3A_700 = vector.broadcast %mul3A_699 : f32 to vector<16xf32>
        %mul3A_701 = arith.mulf %add3A_698, %mul3A_700 : vector<16xf32>
        %and3A = arith.constant 15 : i32
        %and3A_702 = arith.andi %scan3A_574, %and3A : i32
        %eq3A_703 = vector.broadcast %and3A_702 : i32 to vector<16xi32>
        %eq3A_704 = arith.cmpi eq, %iota3A, %eq3A_703 : vector<16xi32>
        %select_n3A_705 = arith.select %eq3A_704, %mul3A_701, %scan3A_575 : vector<16xi1>, vector<16xf32>
        %and3A_706 = arith.constant 15 : i32
        %and3A_707 = arith.andi %scan3A_574, %and3A_706 : i32
        %eq3A_708 = arith.constant 15 : i32
        %eq3A_709 = arith.cmpi eq, %and3A_707, %eq3A_708 : i32
        %convert_element_type3A_710 = arith.extui %eq3A_709 : i1 to i32
        %cond3A_711 = arith.constant 0 : i32
        %cond3A_712 = arith.cmpi ne, %convert_element_type3A_710, %cond3A_711 : i32
        scf.if %cond3A_712 {
          %and3A_1133 = arith.constant -16 : i32
          %and3A_1134 = arith.andi %scan3A_574, %and3A_1133 : i32
          %swap3A_1135 = arith.index_cast %and3A_1134 : i32 to index
          %swap3A_1136 = tpu.vector_load %arg9[%swap3A_1135] {strides = array<i32>} : memref<128xf32, #tpu.memory_space<vmem>>, vector<16xf32>,
          %swap3A_1137 = vector.shape_cast %swap3A_1136 : vector<16xf32> to vector<16xf32>
          %swap3A_1138 = vector.shape_cast %select_n3A_705 : vector<16xf32> to vector<16xf32>
          tpu.vector_store %arg9[%swap3A_1135], %swap3A_1138 {strides = array<i32>} : memref<128xf32, #tpu.memory_space<vmem>>, vector<16xf32>,
        } else {
        }
        %scan3A_713 = arith.constant 1 : i32
        %scan3A_714 = arith.addi %scan3A_574, %scan3A_713 : i32
        %get3A_715 = arith.index_cast %scan3A_714 : i32 to index
        %get3A_716 = arith.constant 0 : index
        %get3A_717 = tpu.vector_load %arg7[%get3A_715, %get3A_716] {strides = array<i32>} : memref<128x256xf32, #tpu.memory_space<vmem>>, vector<1x16xf32>,
        %get3A_718 = vector.shape_cast %get3A_717 : vector<1x16xf32> to vector<16xf32>
        %mul3A_719 = arith.mulf %get3A_718, %get3A_4 : vector<16xf32>
        %get3A_720 = arith.index_cast %scan3A_714 : i32 to index
        %get3A_721 = arith.constant 16 : index
        %get3A_722 = tpu.vector_load %arg7[%get3A_720, %get3A_721] {strides = array<i32>} : memref<128x256xf32, #tpu.memory_space<vmem>>, vector<1x16xf32>,
        %get3A_723 = vector.shape_cast %get3A_722 : vector<1x16xf32> to vector<16xf32>
        %mul3A_724 = arith.mulf %get3A_723, %get3A_7 : vector<16xf32>
        %get3A_725 = arith.index_cast %scan3A_714 : i32 to index
        %get3A_726 = arith.constant 32 : index
        %get3A_727 = tpu.vector_load %arg7[%get3A_725, %get3A_726] {strides = array<i32>} : memref<128x256xf32, #tpu.memory_space<vmem>>, vector<1x16xf32>,
        %get3A_728 = vector.shape_cast %get3A_727 : vector<1x16xf32> to vector<16xf32>
        %mul3A_729 = arith.mulf %get3A_728, %get3A_10 : vector<16xf32>
        %get3A_730 = arith.index_cast %scan3A_714 : i32 to index
        %get3A_731 = arith.constant 48 : index
        %get3A_732 = tpu.vector_load %arg7[%get3A_730, %get3A_731] {strides = array<i32>} : memref<128x256xf32, #tpu.memory_space<vmem>>, vector<1x16xf32>,
        %get3A_733 = vector.shape_cast %get3A_732 : vector<1x16xf32> to vector<16xf32>
        %mul3A_734 = arith.mulf %get3A_733, %get3A_13 : vector<16xf32>
        %get3A_735 = arith.index_cast %scan3A_714 : i32 to index
        %get3A_736 = arith.constant 64 : index
        %get3A_737 = tpu.vector_load %arg7[%get3A_735, %get3A_736] {strides = array<i32>} : memref<128x256xf32, #tpu.memory_space<vmem>>, vector<1x16xf32>,
        %get3A_738 = vector.shape_cast %get3A_737 : vector<1x16xf32> to vector<16xf32>
        %mul3A_739 = arith.mulf %get3A_738, %get3A_16 : vector<16xf32>
        %get3A_740 = arith.index_cast %scan3A_714 : i32 to index
        %get3A_741 = arith.constant 80 : index
        %get3A_742 = tpu.vector_load %arg7[%get3A_740, %get3A_741] {strides = array<i32>} : memref<128x256xf32, #tpu.memory_space<vmem>>, vector<1x16xf32>,
        %get3A_743 = vector.shape_cast %get3A_742 : vector<1x16xf32> to vector<16xf32>
        %mul3A_744 = arith.mulf %get3A_743, %get3A_19 : vector<16xf32>
        %get3A_745 = arith.index_cast %scan3A_714 : i32 to index
        %get3A_746 = arith.constant 96 : index
        %get3A_747 = tpu.vector_load %arg7[%get3A_745, %get3A_746] {strides = array<i32>} : memref<128x256xf32, #tpu.memory_space<vmem>>, vector<1x16xf32>,
        %get3A_748 = vector.shape_cast %get3A_747 : vector<1x16xf32> to vector<16xf32>
        %mul3A_749 = arith.mulf %get3A_748, %get3A_22 : vector<16xf32>
        %get3A_750 = arith.index_cast %scan3A_714 : i32 to index
        %get3A_751 = arith.constant 112 : index
        %get3A_752 = tpu.vector_load %arg7[%get3A_750, %get3A_751] {strides = array<i32>} : memref<128x256xf32, #tpu.memory_space<vmem>>, vector<1x16xf32>,
        %get3A_753 = vector.shape_cast %get3A_752 : vector<1x16xf32> to vector<16xf32>
        %mul3A_754 = arith.mulf %get3A_753, %get3A_25 : vector<16xf32>
        %get3A_755 = arith.index_cast %scan3A_714 : i32 to index
        %get3A_756 = arith.constant 128 : index
        %get3A_757 = tpu.vector_load %arg7[%get3A_755, %get3A_756] {strides = array<i32>} : memref<128x256xf32, #tpu.memory_space<vmem>>, vector<1x16xf32>,
        %get3A_758 = vector.shape_cast %get3A_757 : vector<1x16xf32> to vector<16xf32>
        %mul3A_759 = arith.mulf %get3A_758, %get3A_28 : vector<16xf32>
        %get3A_760 = arith.index_cast %scan3A_714 : i32 to index
        %get3A_761 = arith.constant 144 : index
        %get3A_762 = tpu.vector_load %arg7[%get3A_760, %get3A_761] {strides = array<i32>} : memref<128x256xf32, #tpu.memory_space<vmem>>, vector<1x16xf32>,
        %get3A_763 = vector.shape_cast %get3A_762 : vector<1x16xf32> to vector<16xf32>
        %mul3A_764 = arith.mulf %get3A_763, %get3A_31 : vector<16xf32>
        %get3A_765 = arith.index_cast %scan3A_714 : i32 to index
        %get3A_766 = arith.constant 160 : index
        %get3A_767 = tpu.vector_load %arg7[%get3A_765, %get3A_766] {strides = array<i32>} : memref<128x256xf32, #tpu.memory_space<vmem>>, vector<1x16xf32>,
        %get3A_768 = vector.shape_cast %get3A_767 : vector<1x16xf32> to vector<16xf32>
        %mul3A_769 = arith.mulf %get3A_768, %get3A_34 : vector<16xf32>
        %get3A_770 = arith.index_cast %scan3A_714 : i32 to index
        %get3A_771 = arith.constant 176 : index
        %get3A_772 = tpu.vector_load %arg7[%get3A_770, %get3A_771] {strides = array<i32>} : memref<128x256xf32, #tpu.memory_space<vmem>>, vector<1x16xf32>,
        %get3A_773 = vector.shape_cast %get3A_772 : vector<1x16xf32> to vector<16xf32>
        %mul3A_774 = arith.mulf %get3A_773, %get3A_37 : vector<16xf32>
        %get3A_775 = arith.index_cast %scan3A_714 : i32 to index
        %get3A_776 = arith.constant 192 : index
        %get3A_777 = tpu.vector_load %arg7[%get3A_775, %get3A_776] {strides = array<i32>} : memref<128x256xf32, #tpu.memory_space<vmem>>, vector<1x16xf32>,
        %get3A_778 = vector.shape_cast %get3A_777 : vector<1x16xf32> to vector<16xf32>
        %mul3A_779 = arith.mulf %get3A_778, %get3A_40 : vector<16xf32>
        %get3A_780 = arith.index_cast %scan3A_714 : i32 to index
        %get3A_781 = arith.constant 208 : index
        %get3A_782 = tpu.vector_load %arg7[%get3A_780, %get3A_781] {strides = array<i32>} : memref<128x256xf32, #tpu.memory_space<vmem>>, vector<1x16xf32>,
        %get3A_783 = vector.shape_cast %get3A_782 : vector<1x16xf32> to vector<16xf32>
        %mul3A_784 = arith.mulf %get3A_783, %get3A_43 : vector<16xf32>
        %get3A_785 = arith.index_cast %scan3A_714 : i32 to index
        %get3A_786 = arith.constant 224 : index
        %get3A_787 = tpu.vector_load %arg7[%get3A_785, %get3A_786] {strides = array<i32>} : memref<128x256xf32, #tpu.memory_space<vmem>>, vector<1x16xf32>,
        %get3A_788 = vector.shape_cast %get3A_787 : vector<1x16xf32> to vector<16xf32>
        %mul3A_789 = arith.mulf %get3A_788, %get3A_46 : vector<16xf32>
        %get3A_790 = arith.index_cast %scan3A_714 : i32 to index
        %get3A_791 = arith.constant 240 : index
        %get3A_792 = tpu.vector_load %arg7[%get3A_790, %get3A_791] {strides = array<i32>} : memref<128x256xf32, #tpu.memory_space<vmem>>, vector<1x16xf32>,
        %get3A_793 = vector.shape_cast %get3A_792 : vector<1x16xf32> to vector<16xf32>
        %mul3A_794 = arith.mulf %get3A_793, %get3A_49 : vector<16xf32>
        %add3A_795 = arith.addf %mul3A_719, %mul3A_724 : vector<16xf32>
        %add3A_796 = arith.addf %mul3A_729, %mul3A_734 : vector<16xf32>
        %add3A_797 = arith.addf %mul3A_739, %mul3A_744 : vector<16xf32>
        %add3A_798 = arith.addf %mul3A_749, %mul3A_754 : vector<16xf32>
        %add3A_799 = arith.addf %mul3A_759, %mul3A_764 : vector<16xf32>
        %add3A_800 = arith.addf %mul3A_769, %mul3A_774 : vector<16xf32>
        %add3A_801 = arith.addf %mul3A_779, %mul3A_784 : vector<16xf32>
        %add3A_802 = arith.addf %mul3A_789, %mul3A_794 : vector<16xf32>
        %add3A_803 = arith.addf %add3A_795, %add3A_796 : vector<16xf32>
        %add3A_804 = arith.addf %add3A_797, %add3A_798 : vector<16xf32>
        %add3A_805 = arith.addf %add3A_799, %add3A_800 : vector<16xf32>
        %add3A_806 = arith.addf %add3A_801, %add3A_802 : vector<16xf32>
        %add3A_807 = arith.addf %add3A_803, %add3A_804 : vector<16xf32>
        %add3A_808 = arith.addf %add3A_805, %add3A_806 : vector<16xf32>
        %add3A_809 = arith.addf %add3A_807, %add3A_808 : vector<16xf32>
        %xor3A_810 = arith.constant 1 : i32
        %xor3A_811 = vector.broadcast %xor3A_810 : i32 to vector<16xi32>
        %xor3A_812 = arith.xori %iota3A, %xor3A_811 : vector<16xi32>
        %broadcast_in_dim3A_813 = vector.shape_cast %xor3A_812 : vector<16xi32> to vector<16x1xi32>
        %gather3A_814 = vector.shape_cast %broadcast_in_dim3A_813 : vector<16x1xi32> to vector<16xi32>
        %gather3A_815 = tpu.dynamic_gather %add3A_809[%gather3A_814] in [0] : vector<16xf32>, vector<16xi32> -> vector<16xf32>
        %add3A_816 = arith.addf %add3A_809, %gather3A_815 : vector<16xf32>
        %xor3A_817 = arith.constant 2 : i32
        %xor3A_818 = vector.broadcast %xor3A_817 : i32 to vector<16xi32>
        %xor3A_819 = arith.xori %iota3A, %xor3A_818 : vector<16xi32>
        %broadcast_in_dim3A_820 = vector.shape_cast %xor3A_819 : vector<16xi32> to vector<16x1xi32>
        %gather3A_821 = vector.shape_cast %broadcast_in_dim3A_820 : vector<16x1xi32> to vector<16xi32>
        %gather3A_822 = tpu.dynamic_gather %add3A_816[%gather3A_821] in [0] : vector<16xf32>, vector<16xi32> -> vector<16xf32>
        %add3A_823 = arith.addf %add3A_816, %gather3A_822 : vector<16xf32>
        %xor3A_824 = arith.constant 4 : i32
        %xor3A_825 = vector.broadcast %xor3A_824 : i32 to vector<16xi32>
        %xor3A_826 = arith.xori %iota3A, %xor3A_825 : vector<16xi32>
        %broadcast_in_dim3A_827 = vector.shape_cast %xor3A_826 : vector<16xi32> to vector<16x1xi32>
        %gather3A_828 = vector.shape_cast %broadcast_in_dim3A_827 : vector<16x1xi32> to vector<16xi32>
        %gather3A_829 = tpu.dynamic_gather %add3A_823[%gather3A_828] in [0] : vector<16xf32>, vector<16xi32> -> vector<16xf32>
        %add3A_830 = arith.addf %add3A_823, %gather3A_829 : vector<16xf32>
        %xor3A_831 = arith.constant 8 : i32
        %xor3A_832 = vector.broadcast %xor3A_831 : i32 to vector<16xi32>
        %xor3A_833 = arith.xori %iota3A, %xor3A_832 : vector<16xi32>
        %broadcast_in_dim3A_834 = vector.shape_cast %xor3A_833 : vector<16xi32> to vector<16x1xi32>
        %gather3A_835 = vector.shape_cast %broadcast_in_dim3A_834 : vector<16x1xi32> to vector<16xi32>
        %gather3A_836 = tpu.dynamic_gather %add3A_830[%gather3A_835] in [0] : vector<16xf32>, vector<16xi32> -> vector<16xf32>
        %add3A_837 = arith.addf %add3A_830, %gather3A_836 : vector<16xf32>
        %mul3A_838 = arith.constant 6.250000e-02 : f32
        %mul3A_839 = vector.broadcast %mul3A_838 : f32 to vector<16xf32>
        %mul3A_840 = arith.mulf %add3A_837, %mul3A_839 : vector<16xf32>
        %and3A_841 = arith.constant 15 : i32
        %and3A_842 = arith.andi %scan3A_714, %and3A_841 : i32
        %eq3A_843 = vector.broadcast %and3A_842 : i32 to vector<16xi32>
        %eq3A_844 = arith.cmpi eq, %iota3A, %eq3A_843 : vector<16xi32>
        %select_n3A_845 = arith.select %eq3A_844, %mul3A_840, %select_n3A_705 : vector<16xi1>, vector<16xf32>
        %and3A_846 = arith.constant 15 : i32
        %and3A_847 = arith.andi %scan3A_714, %and3A_846 : i32
        %eq3A_848 = arith.constant 15 : i32
        %eq3A_849 = arith.cmpi eq, %and3A_847, %eq3A_848 : i32
        %convert_element_type3A_850 = arith.extui %eq3A_849 : i1 to i32
        %cond3A_851 = arith.constant 0 : i32
        %cond3A_852 = arith.cmpi ne, %convert_element_type3A_850, %cond3A_851 : i32
        scf.if %cond3A_852 {
          %and3A_1133 = arith.constant -16 : i32
          %and3A_1134 = arith.andi %scan3A_714, %and3A_1133 : i32
          %swap3A_1135 = arith.index_cast %and3A_1134 : i32 to index
          %swap3A_1136 = tpu.vector_load %arg9[%swap3A_1135] {strides = array<i32>} : memref<128xf32, #tpu.memory_space<vmem>>, vector<16xf32>,
          %swap3A_1137 = vector.shape_cast %swap3A_1136 : vector<16xf32> to vector<16xf32>
          %swap3A_1138 = vector.shape_cast %select_n3A_845 : vector<16xf32> to vector<16xf32>
          tpu.vector_store %arg9[%swap3A_1135], %swap3A_1138 {strides = array<i32>} : memref<128xf32, #tpu.memory_space<vmem>>, vector<16xf32>,
        } else {
        }
        %scan3A_853 = arith.constant 2 : i32
        %scan3A_854 = arith.addi %scan3A_574, %scan3A_853 : i32
        %get3A_855 = arith.index_cast %scan3A_854 : i32 to index
        %get3A_856 = arith.constant 0 : index
        %get3A_857 = tpu.vector_load %arg7[%get3A_855, %get3A_856] {strides = array<i32>} : memref<128x256xf32, #tpu.memory_space<vmem>>, vector<1x16xf32>,
        %get3A_858 = vector.shape_cast %get3A_857 : vector<1x16xf32> to vector<16xf32>
        %mul3A_859 = arith.mulf %get3A_858, %get3A_4 : vector<16xf32>
        %get3A_860 = arith.index_cast %scan3A_854 : i32 to index
        %get3A_861 = arith.constant 16 : index
        %get3A_862 = tpu.vector_load %arg7[%get3A_860, %get3A_861] {strides = array<i32>} : memref<128x256xf32, #tpu.memory_space<vmem>>, vector<1x16xf32>,
        %get3A_863 = vector.shape_cast %get3A_862 : vector<1x16xf32> to vector<16xf32>
        %mul3A_864 = arith.mulf %get3A_863, %get3A_7 : vector<16xf32>
        %get3A_865 = arith.index_cast %scan3A_854 : i32 to index
        %get3A_866 = arith.constant 32 : index
        %get3A_867 = tpu.vector_load %arg7[%get3A_865, %get3A_866] {strides = array<i32>} : memref<128x256xf32, #tpu.memory_space<vmem>>, vector<1x16xf32>,
        %get3A_868 = vector.shape_cast %get3A_867 : vector<1x16xf32> to vector<16xf32>
        %mul3A_869 = arith.mulf %get3A_868, %get3A_10 : vector<16xf32>
        %get3A_870 = arith.index_cast %scan3A_854 : i32 to index
        %get3A_871 = arith.constant 48 : index
        %get3A_872 = tpu.vector_load %arg7[%get3A_870, %get3A_871] {strides = array<i32>} : memref<128x256xf32, #tpu.memory_space<vmem>>, vector<1x16xf32>,
        %get3A_873 = vector.shape_cast %get3A_872 : vector<1x16xf32> to vector<16xf32>
        %mul3A_874 = arith.mulf %get3A_873, %get3A_13 : vector<16xf32>
        %get3A_875 = arith.index_cast %scan3A_854 : i32 to index
        %get3A_876 = arith.constant 64 : index
        %get3A_877 = tpu.vector_load %arg7[%get3A_875, %get3A_876] {strides = array<i32>} : memref<128x256xf32, #tpu.memory_space<vmem>>, vector<1x16xf32>,
        %get3A_878 = vector.shape_cast %get3A_877 : vector<1x16xf32> to vector<16xf32>
        %mul3A_879 = arith.mulf %get3A_878, %get3A_16 : vector<16xf32>
        %get3A_880 = arith.index_cast %scan3A_854 : i32 to index
        %get3A_881 = arith.constant 80 : index
        %get3A_882 = tpu.vector_load %arg7[%get3A_880, %get3A_881] {strides = array<i32>} : memref<128x256xf32, #tpu.memory_space<vmem>>, vector<1x16xf32>,
        %get3A_883 = vector.shape_cast %get3A_882 : vector<1x16xf32> to vector<16xf32>
        %mul3A_884 = arith.mulf %get3A_883, %get3A_19 : vector<16xf32>
        %get3A_885 = arith.index_cast %scan3A_854 : i32 to index
        %get3A_886 = arith.constant 96 : index
        %get3A_887 = tpu.vector_load %arg7[%get3A_885, %get3A_886] {strides = array<i32>} : memref<128x256xf32, #tpu.memory_space<vmem>>, vector<1x16xf32>,
        %get3A_888 = vector.shape_cast %get3A_887 : vector<1x16xf32> to vector<16xf32>
        %mul3A_889 = arith.mulf %get3A_888, %get3A_22 : vector<16xf32>
        %get3A_890 = arith.index_cast %scan3A_854 : i32 to index
        %get3A_891 = arith.constant 112 : index
        %get3A_892 = tpu.vector_load %arg7[%get3A_890, %get3A_891] {strides = array<i32>} : memref<128x256xf32, #tpu.memory_space<vmem>>, vector<1x16xf32>,
        %get3A_893 = vector.shape_cast %get3A_892 : vector<1x16xf32> to vector<16xf32>
        %mul3A_894 = arith.mulf %get3A_893, %get3A_25 : vector<16xf32>
        %get3A_895 = arith.index_cast %scan3A_854 : i32 to index
        %get3A_896 = arith.constant 128 : index
        %get3A_897 = tpu.vector_load %arg7[%get3A_895, %get3A_896] {strides = array<i32>} : memref<128x256xf32, #tpu.memory_space<vmem>>, vector<1x16xf32>,
        %get3A_898 = vector.shape_cast %get3A_897 : vector<1x16xf32> to vector<16xf32>
        %mul3A_899 = arith.mulf %get3A_898, %get3A_28 : vector<16xf32>
        %get3A_900 = arith.index_cast %scan3A_854 : i32 to index
        %get3A_901 = arith.constant 144 : index
        %get3A_902 = tpu.vector_load %arg7[%get3A_900, %get3A_901] {strides = array<i32>} : memref<128x256xf32, #tpu.memory_space<vmem>>, vector<1x16xf32>,
        %get3A_903 = vector.shape_cast %get3A_902 : vector<1x16xf32> to vector<16xf32>
        %mul3A_904 = arith.mulf %get3A_903, %get3A_31 : vector<16xf32>
        %get3A_905 = arith.index_cast %scan3A_854 : i32 to index
        %get3A_906 = arith.constant 160 : index
        %get3A_907 = tpu.vector_load %arg7[%get3A_905, %get3A_906] {strides = array<i32>} : memref<128x256xf32, #tpu.memory_space<vmem>>, vector<1x16xf32>,
        %get3A_908 = vector.shape_cast %get3A_907 : vector<1x16xf32> to vector<16xf32>
        %mul3A_909 = arith.mulf %get3A_908, %get3A_34 : vector<16xf32>
        %get3A_910 = arith.index_cast %scan3A_854 : i32 to index
        %get3A_911 = arith.constant 176 : index
        %get3A_912 = tpu.vector_load %arg7[%get3A_910, %get3A_911] {strides = array<i32>} : memref<128x256xf32, #tpu.memory_space<vmem>>, vector<1x16xf32>,
        %get3A_913 = vector.shape_cast %get3A_912 : vector<1x16xf32> to vector<16xf32>
        %mul3A_914 = arith.mulf %get3A_913, %get3A_37 : vector<16xf32>
        %get3A_915 = arith.index_cast %scan3A_854 : i32 to index
        %get3A_916 = arith.constant 192 : index
        %get3A_917 = tpu.vector_load %arg7[%get3A_915, %get3A_916] {strides = array<i32>} : memref<128x256xf32, #tpu.memory_space<vmem>>, vector<1x16xf32>,
        %get3A_918 = vector.shape_cast %get3A_917 : vector<1x16xf32> to vector<16xf32>
        %mul3A_919 = arith.mulf %get3A_918, %get3A_40 : vector<16xf32>
        %get3A_920 = arith.index_cast %scan3A_854 : i32 to index
        %get3A_921 = arith.constant 208 : index
        %get3A_922 = tpu.vector_load %arg7[%get3A_920, %get3A_921] {strides = array<i32>} : memref<128x256xf32, #tpu.memory_space<vmem>>, vector<1x16xf32>,
        %get3A_923 = vector.shape_cast %get3A_922 : vector<1x16xf32> to vector<16xf32>
        %mul3A_924 = arith.mulf %get3A_923, %get3A_43 : vector<16xf32>
        %get3A_925 = arith.index_cast %scan3A_854 : i32 to index
        %get3A_926 = arith.constant 224 : index
        %get3A_927 = tpu.vector_load %arg7[%get3A_925, %get3A_926] {strides = array<i32>} : memref<128x256xf32, #tpu.memory_space<vmem>>, vector<1x16xf32>,
        %get3A_928 = vector.shape_cast %get3A_927 : vector<1x16xf32> to vector<16xf32>
        %mul3A_929 = arith.mulf %get3A_928, %get3A_46 : vector<16xf32>
        %get3A_930 = arith.index_cast %scan3A_854 : i32 to index
        %get3A_931 = arith.constant 240 : index
        %get3A_932 = tpu.vector_load %arg7[%get3A_930, %get3A_931] {strides = array<i32>} : memref<128x256xf32, #tpu.memory_space<vmem>>, vector<1x16xf32>,
        %get3A_933 = vector.shape_cast %get3A_932 : vector<1x16xf32> to vector<16xf32>
        %mul3A_934 = arith.mulf %get3A_933, %get3A_49 : vector<16xf32>
        %add3A_935 = arith.addf %mul3A_859, %mul3A_864 : vector<16xf32>
        %add3A_936 = arith.addf %mul3A_869, %mul3A_874 : vector<16xf32>
        %add3A_937 = arith.addf %mul3A_879, %mul3A_884 : vector<16xf32>
        %add3A_938 = arith.addf %mul3A_889, %mul3A_894 : vector<16xf32>
        %add3A_939 = arith.addf %mul3A_899, %mul3A_904 : vector<16xf32>
        %add3A_940 = arith.addf %mul3A_909, %mul3A_914 : vector<16xf32>
        %add3A_941 = arith.addf %mul3A_919, %mul3A_924 : vector<16xf32>
        %add3A_942 = arith.addf %mul3A_929, %mul3A_934 : vector<16xf32>
        %add3A_943 = arith.addf %add3A_935, %add3A_936 : vector<16xf32>
        %add3A_944 = arith.addf %add3A_937, %add3A_938 : vector<16xf32>
        %add3A_945 = arith.addf %add3A_939, %add3A_940 : vector<16xf32>
        %add3A_946 = arith.addf %add3A_941, %add3A_942 : vector<16xf32>
        %add3A_947 = arith.addf %add3A_943, %add3A_944 : vector<16xf32>
        %add3A_948 = arith.addf %add3A_945, %add3A_946 : vector<16xf32>
        %add3A_949 = arith.addf %add3A_947, %add3A_948 : vector<16xf32>
        %xor3A_950 = arith.constant 1 : i32
        %xor3A_951 = vector.broadcast %xor3A_950 : i32 to vector<16xi32>
        %xor3A_952 = arith.xori %iota3A, %xor3A_951 : vector<16xi32>
        %broadcast_in_dim3A_953 = vector.shape_cast %xor3A_952 : vector<16xi32> to vector<16x1xi32>
        %gather3A_954 = vector.shape_cast %broadcast_in_dim3A_953 : vector<16x1xi32> to vector<16xi32>
        %gather3A_955 = tpu.dynamic_gather %add3A_949[%gather3A_954] in [0] : vector<16xf32>, vector<16xi32> -> vector<16xf32>
        %add3A_956 = arith.addf %add3A_949, %gather3A_955 : vector<16xf32>
        %xor3A_957 = arith.constant 2 : i32
        %xor3A_958 = vector.broadcast %xor3A_957 : i32 to vector<16xi32>
        %xor3A_959 = arith.xori %iota3A, %xor3A_958 : vector<16xi32>
        %broadcast_in_dim3A_960 = vector.shape_cast %xor3A_959 : vector<16xi32> to vector<16x1xi32>
        %gather3A_961 = vector.shape_cast %broadcast_in_dim3A_960 : vector<16x1xi32> to vector<16xi32>
        %gather3A_962 = tpu.dynamic_gather %add3A_956[%gather3A_961] in [0] : vector<16xf32>, vector<16xi32> -> vector<16xf32>
        %add3A_963 = arith.addf %add3A_956, %gather3A_962 : vector<16xf32>
        %xor3A_964 = arith.constant 4 : i32
        %xor3A_965 = vector.broadcast %xor3A_964 : i32 to vector<16xi32>
        %xor3A_966 = arith.xori %iota3A, %xor3A_965 : vector<16xi32>
        %broadcast_in_dim3A_967 = vector.shape_cast %xor3A_966 : vector<16xi32> to vector<16x1xi32>
        %gather3A_968 = vector.shape_cast %broadcast_in_dim3A_967 : vector<16x1xi32> to vector<16xi32>
        %gather3A_969 = tpu.dynamic_gather %add3A_963[%gather3A_968] in [0] : vector<16xf32>, vector<16xi32> -> vector<16xf32>
        %add3A_970 = arith.addf %add3A_963, %gather3A_969 : vector<16xf32>
        %xor3A_971 = arith.constant 8 : i32
        %xor3A_972 = vector.broadcast %xor3A_971 : i32 to vector<16xi32>
        %xor3A_973 = arith.xori %iota3A, %xor3A_972 : vector<16xi32>
        %broadcast_in_dim3A_974 = vector.shape_cast %xor3A_973 : vector<16xi32> to vector<16x1xi32>
        %gather3A_975 = vector.shape_cast %broadcast_in_dim3A_974 : vector<16x1xi32> to vector<16xi32>
        %gather3A_976 = tpu.dynamic_gather %add3A_970[%gather3A_975] in [0] : vector<16xf32>, vector<16xi32> -> vector<16xf32>
        %add3A_977 = arith.addf %add3A_970, %gather3A_976 : vector<16xf32>
        %mul3A_978 = arith.constant 6.250000e-02 : f32
        %mul3A_979 = vector.broadcast %mul3A_978 : f32 to vector<16xf32>
        %mul3A_980 = arith.mulf %add3A_977, %mul3A_979 : vector<16xf32>
        %and3A_981 = arith.constant 15 : i32
        %and3A_982 = arith.andi %scan3A_854, %and3A_981 : i32
        %eq3A_983 = vector.broadcast %and3A_982 : i32 to vector<16xi32>
        %eq3A_984 = arith.cmpi eq, %iota3A, %eq3A_983 : vector<16xi32>
        %select_n3A_985 = arith.select %eq3A_984, %mul3A_980, %select_n3A_845 : vector<16xi1>, vector<16xf32>
        %and3A_986 = arith.constant 15 : i32
        %and3A_987 = arith.andi %scan3A_854, %and3A_986 : i32
        %eq3A_988 = arith.constant 15 : i32
        %eq3A_989 = arith.cmpi eq, %and3A_987, %eq3A_988 : i32
        %convert_element_type3A_990 = arith.extui %eq3A_989 : i1 to i32
        %cond3A_991 = arith.constant 0 : i32
        %cond3A_992 = arith.cmpi ne, %convert_element_type3A_990, %cond3A_991 : i32
        scf.if %cond3A_992 {
          %and3A_1133 = arith.constant -16 : i32
          %and3A_1134 = arith.andi %scan3A_854, %and3A_1133 : i32
          %swap3A_1135 = arith.index_cast %and3A_1134 : i32 to index
          %swap3A_1136 = tpu.vector_load %arg9[%swap3A_1135] {strides = array<i32>} : memref<128xf32, #tpu.memory_space<vmem>>, vector<16xf32>,
          %swap3A_1137 = vector.shape_cast %swap3A_1136 : vector<16xf32> to vector<16xf32>
          %swap3A_1138 = vector.shape_cast %select_n3A_985 : vector<16xf32> to vector<16xf32>
          tpu.vector_store %arg9[%swap3A_1135], %swap3A_1138 {strides = array<i32>} : memref<128xf32, #tpu.memory_space<vmem>>, vector<16xf32>,
        } else {
        }
        %scan3A_993 = arith.constant 3 : i32
        %scan3A_994 = arith.addi %scan3A_574, %scan3A_993 : i32
        %get3A_995 = arith.index_cast %scan3A_994 : i32 to index
        %get3A_996 = arith.constant 0 : index
        %get3A_997 = tpu.vector_load %arg7[%get3A_995, %get3A_996] {strides = array<i32>} : memref<128x256xf32, #tpu.memory_space<vmem>>, vector<1x16xf32>,
        %get3A_998 = vector.shape_cast %get3A_997 : vector<1x16xf32> to vector<16xf32>
        %mul3A_999 = arith.mulf %get3A_998, %get3A_4 : vector<16xf32>
        %get3A_1000 = arith.index_cast %scan3A_994 : i32 to index
        %get3A_1001 = arith.constant 16 : index
        %get3A_1002 = tpu.vector_load %arg7[%get3A_1000, %get3A_1001] {strides = array<i32>} : memref<128x256xf32, #tpu.memory_space<vmem>>, vector<1x16xf32>,
        %get3A_1003 = vector.shape_cast %get3A_1002 : vector<1x16xf32> to vector<16xf32>
        %mul3A_1004 = arith.mulf %get3A_1003, %get3A_7 : vector<16xf32>
        %get3A_1005 = arith.index_cast %scan3A_994 : i32 to index
        %get3A_1006 = arith.constant 32 : index
        %get3A_1007 = tpu.vector_load %arg7[%get3A_1005, %get3A_1006] {strides = array<i32>} : memref<128x256xf32, #tpu.memory_space<vmem>>, vector<1x16xf32>,
        %get3A_1008 = vector.shape_cast %get3A_1007 : vector<1x16xf32> to vector<16xf32>
        %mul3A_1009 = arith.mulf %get3A_1008, %get3A_10 : vector<16xf32>
        %get3A_1010 = arith.index_cast %scan3A_994 : i32 to index
        %get3A_1011 = arith.constant 48 : index
        %get3A_1012 = tpu.vector_load %arg7[%get3A_1010, %get3A_1011] {strides = array<i32>} : memref<128x256xf32, #tpu.memory_space<vmem>>, vector<1x16xf32>,
        %get3A_1013 = vector.shape_cast %get3A_1012 : vector<1x16xf32> to vector<16xf32>
        %mul3A_1014 = arith.mulf %get3A_1013, %get3A_13 : vector<16xf32>
        %get3A_1015 = arith.index_cast %scan3A_994 : i32 to index
        %get3A_1016 = arith.constant 64 : index
        %get3A_1017 = tpu.vector_load %arg7[%get3A_1015, %get3A_1016] {strides = array<i32>} : memref<128x256xf32, #tpu.memory_space<vmem>>, vector<1x16xf32>,
        %get3A_1018 = vector.shape_cast %get3A_1017 : vector<1x16xf32> to vector<16xf32>
        %mul3A_1019 = arith.mulf %get3A_1018, %get3A_16 : vector<16xf32>
        %get3A_1020 = arith.index_cast %scan3A_994 : i32 to index
        %get3A_1021 = arith.constant 80 : index
        %get3A_1022 = tpu.vector_load %arg7[%get3A_1020, %get3A_1021] {strides = array<i32>} : memref<128x256xf32, #tpu.memory_space<vmem>>, vector<1x16xf32>,
        %get3A_1023 = vector.shape_cast %get3A_1022 : vector<1x16xf32> to vector<16xf32>
        %mul3A_1024 = arith.mulf %get3A_1023, %get3A_19 : vector<16xf32>
        %get3A_1025 = arith.index_cast %scan3A_994 : i32 to index
        %get3A_1026 = arith.constant 96 : index
        %get3A_1027 = tpu.vector_load %arg7[%get3A_1025, %get3A_1026] {strides = array<i32>} : memref<128x256xf32, #tpu.memory_space<vmem>>, vector<1x16xf32>,
        %get3A_1028 = vector.shape_cast %get3A_1027 : vector<1x16xf32> to vector<16xf32>
        %mul3A_1029 = arith.mulf %get3A_1028, %get3A_22 : vector<16xf32>
        %get3A_1030 = arith.index_cast %scan3A_994 : i32 to index
        %get3A_1031 = arith.constant 112 : index
        %get3A_1032 = tpu.vector_load %arg7[%get3A_1030, %get3A_1031] {strides = array<i32>} : memref<128x256xf32, #tpu.memory_space<vmem>>, vector<1x16xf32>,
        %get3A_1033 = vector.shape_cast %get3A_1032 : vector<1x16xf32> to vector<16xf32>
        %mul3A_1034 = arith.mulf %get3A_1033, %get3A_25 : vector<16xf32>
        %get3A_1035 = arith.index_cast %scan3A_994 : i32 to index
        %get3A_1036 = arith.constant 128 : index
        %get3A_1037 = tpu.vector_load %arg7[%get3A_1035, %get3A_1036] {strides = array<i32>} : memref<128x256xf32, #tpu.memory_space<vmem>>, vector<1x16xf32>,
        %get3A_1038 = vector.shape_cast %get3A_1037 : vector<1x16xf32> to vector<16xf32>
        %mul3A_1039 = arith.mulf %get3A_1038, %get3A_28 : vector<16xf32>
        %get3A_1040 = arith.index_cast %scan3A_994 : i32 to index
        %get3A_1041 = arith.constant 144 : index
        %get3A_1042 = tpu.vector_load %arg7[%get3A_1040, %get3A_1041] {strides = array<i32>} : memref<128x256xf32, #tpu.memory_space<vmem>>, vector<1x16xf32>,
        %get3A_1043 = vector.shape_cast %get3A_1042 : vector<1x16xf32> to vector<16xf32>
        %mul3A_1044 = arith.mulf %get3A_1043, %get3A_31 : vector<16xf32>
        %get3A_1045 = arith.index_cast %scan3A_994 : i32 to index
        %get3A_1046 = arith.constant 160 : index
        %get3A_1047 = tpu.vector_load %arg7[%get3A_1045, %get3A_1046] {strides = array<i32>} : memref<128x256xf32, #tpu.memory_space<vmem>>, vector<1x16xf32>,
        %get3A_1048 = vector.shape_cast %get3A_1047 : vector<1x16xf32> to vector<16xf32>
        %mul3A_1049 = arith.mulf %get3A_1048, %get3A_34 : vector<16xf32>
        %get3A_1050 = arith.index_cast %scan3A_994 : i32 to index
        %get3A_1051 = arith.constant 176 : index
        %get3A_1052 = tpu.vector_load %arg7[%get3A_1050, %get3A_1051] {strides = array<i32>} : memref<128x256xf32, #tpu.memory_space<vmem>>, vector<1x16xf32>,
        %get3A_1053 = vector.shape_cast %get3A_1052 : vector<1x16xf32> to vector<16xf32>
        %mul3A_1054 = arith.mulf %get3A_1053, %get3A_37 : vector<16xf32>
        %get3A_1055 = arith.index_cast %scan3A_994 : i32 to index
        %get3A_1056 = arith.constant 192 : index
        %get3A_1057 = tpu.vector_load %arg7[%get3A_1055, %get3A_1056] {strides = array<i32>} : memref<128x256xf32, #tpu.memory_space<vmem>>, vector<1x16xf32>,
        %get3A_1058 = vector.shape_cast %get3A_1057 : vector<1x16xf32> to vector<16xf32>
        %mul3A_1059 = arith.mulf %get3A_1058, %get3A_40 : vector<16xf32>
        %get3A_1060 = arith.index_cast %scan3A_994 : i32 to index
        %get3A_1061 = arith.constant 208 : index
        %get3A_1062 = tpu.vector_load %arg7[%get3A_1060, %get3A_1061] {strides = array<i32>} : memref<128x256xf32, #tpu.memory_space<vmem>>, vector<1x16xf32>,
        %get3A_1063 = vector.shape_cast %get3A_1062 : vector<1x16xf32> to vector<16xf32>
        %mul3A_1064 = arith.mulf %get3A_1063, %get3A_43 : vector<16xf32>
        %get3A_1065 = arith.index_cast %scan3A_994 : i32 to index
        %get3A_1066 = arith.constant 224 : index
        %get3A_1067 = tpu.vector_load %arg7[%get3A_1065, %get3A_1066] {strides = array<i32>} : memref<128x256xf32, #tpu.memory_space<vmem>>, vector<1x16xf32>,
        %get3A_1068 = vector.shape_cast %get3A_1067 : vector<1x16xf32> to vector<16xf32>
        %mul3A_1069 = arith.mulf %get3A_1068, %get3A_46 : vector<16xf32>
        %get3A_1070 = arith.index_cast %scan3A_994 : i32 to index
        %get3A_1071 = arith.constant 240 : index
        %get3A_1072 = tpu.vector_load %arg7[%get3A_1070, %get3A_1071] {strides = array<i32>} : memref<128x256xf32, #tpu.memory_space<vmem>>, vector<1x16xf32>,
        %get3A_1073 = vector.shape_cast %get3A_1072 : vector<1x16xf32> to vector<16xf32>
        %mul3A_1074 = arith.mulf %get3A_1073, %get3A_49 : vector<16xf32>
        %add3A_1075 = arith.addf %mul3A_999, %mul3A_1004 : vector<16xf32>
        %add3A_1076 = arith.addf %mul3A_1009, %mul3A_1014 : vector<16xf32>
        %add3A_1077 = arith.addf %mul3A_1019, %mul3A_1024 : vector<16xf32>
        %add3A_1078 = arith.addf %mul3A_1029, %mul3A_1034 : vector<16xf32>
        %add3A_1079 = arith.addf %mul3A_1039, %mul3A_1044 : vector<16xf32>
        %add3A_1080 = arith.addf %mul3A_1049, %mul3A_1054 : vector<16xf32>
        %add3A_1081 = arith.addf %mul3A_1059, %mul3A_1064 : vector<16xf32>
        %add3A_1082 = arith.addf %mul3A_1069, %mul3A_1074 : vector<16xf32>
        %add3A_1083 = arith.addf %add3A_1075, %add3A_1076 : vector<16xf32>
        %add3A_1084 = arith.addf %add3A_1077, %add3A_1078 : vector<16xf32>
        %add3A_1085 = arith.addf %add3A_1079, %add3A_1080 : vector<16xf32>
        %add3A_1086 = arith.addf %add3A_1081, %add3A_1082 : vector<16xf32>
        %add3A_1087 = arith.addf %add3A_1083, %add3A_1084 : vector<16xf32>
        %add3A_1088 = arith.addf %add3A_1085, %add3A_1086 : vector<16xf32>
        %add3A_1089 = arith.addf %add3A_1087, %add3A_1088 : vector<16xf32>
        %xor3A_1090 = arith.constant 1 : i32
        %xor3A_1091 = vector.broadcast %xor3A_1090 : i32 to vector<16xi32>
        %xor3A_1092 = arith.xori %iota3A, %xor3A_1091 : vector<16xi32>
        %broadcast_in_dim3A_1093 = vector.shape_cast %xor3A_1092 : vector<16xi32> to vector<16x1xi32>
        %gather3A_1094 = vector.shape_cast %broadcast_in_dim3A_1093 : vector<16x1xi32> to vector<16xi32>
        %gather3A_1095 = tpu.dynamic_gather %add3A_1089[%gather3A_1094] in [0] : vector<16xf32>, vector<16xi32> -> vector<16xf32>
        %add3A_1096 = arith.addf %add3A_1089, %gather3A_1095 : vector<16xf32>
        %xor3A_1097 = arith.constant 2 : i32
        %xor3A_1098 = vector.broadcast %xor3A_1097 : i32 to vector<16xi32>
        %xor3A_1099 = arith.xori %iota3A, %xor3A_1098 : vector<16xi32>
        %broadcast_in_dim3A_1100 = vector.shape_cast %xor3A_1099 : vector<16xi32> to vector<16x1xi32>
        %gather3A_1101 = vector.shape_cast %broadcast_in_dim3A_1100 : vector<16x1xi32> to vector<16xi32>
        %gather3A_1102 = tpu.dynamic_gather %add3A_1096[%gather3A_1101] in [0] : vector<16xf32>, vector<16xi32> -> vector<16xf32>
        %add3A_1103 = arith.addf %add3A_1096, %gather3A_1102 : vector<16xf32>
        %xor3A_1104 = arith.constant 4 : i32
        %xor3A_1105 = vector.broadcast %xor3A_1104 : i32 to vector<16xi32>
        %xor3A_1106 = arith.xori %iota3A, %xor3A_1105 : vector<16xi32>
        %broadcast_in_dim3A_1107 = vector.shape_cast %xor3A_1106 : vector<16xi32> to vector<16x1xi32>
        %gather3A_1108 = vector.shape_cast %broadcast_in_dim3A_1107 : vector<16x1xi32> to vector<16xi32>
        %gather3A_1109 = tpu.dynamic_gather %add3A_1103[%gather3A_1108] in [0] : vector<16xf32>, vector<16xi32> -> vector<16xf32>
        %add3A_1110 = arith.addf %add3A_1103, %gather3A_1109 : vector<16xf32>
        %xor3A_1111 = arith.constant 8 : i32
        %xor3A_1112 = vector.broadcast %xor3A_1111 : i32 to vector<16xi32>
        %xor3A_1113 = arith.xori %iota3A, %xor3A_1112 : vector<16xi32>
        %broadcast_in_dim3A_1114 = vector.shape_cast %xor3A_1113 : vector<16xi32> to vector<16x1xi32>
        %gather3A_1115 = vector.shape_cast %broadcast_in_dim3A_1114 : vector<16x1xi32> to vector<16xi32>
        %gather3A_1116 = tpu.dynamic_gather %add3A_1110[%gather3A_1115] in [0] : vector<16xf32>, vector<16xi32> -> vector<16xf32>
        %add3A_1117 = arith.addf %add3A_1110, %gather3A_1116 : vector<16xf32>
        %mul3A_1118 = arith.constant 6.250000e-02 : f32
        %mul3A_1119 = vector.broadcast %mul3A_1118 : f32 to vector<16xf32>
        %mul3A_1120 = arith.mulf %add3A_1117, %mul3A_1119 : vector<16xf32>
        %and3A_1121 = arith.constant 15 : i32
        %and3A_1122 = arith.andi %scan3A_994, %and3A_1121 : i32
        %eq3A_1123 = vector.broadcast %and3A_1122 : i32 to vector<16xi32>
        %eq3A_1124 = arith.cmpi eq, %iota3A, %eq3A_1123 : vector<16xi32>
        %select_n3A_1125 = arith.select %eq3A_1124, %mul3A_1120, %select_n3A_985 : vector<16xi1>, vector<16xf32>
        %and3A_1126 = arith.constant 15 : i32
        %and3A_1127 = arith.andi %scan3A_994, %and3A_1126 : i32
        %eq3A_1128 = arith.constant 15 : i32
        %eq3A_1129 = arith.cmpi eq, %and3A_1127, %eq3A_1128 : i32
        %convert_element_type3A_1130 = arith.extui %eq3A_1129 : i1 to i32
        %cond3A_1131 = arith.constant 0 : i32
        %cond3A_1132 = arith.cmpi ne, %convert_element_type3A_1130, %cond3A_1131 : i32
        scf.if %cond3A_1132 {
          %and3A_1133 = arith.constant -16 : i32
          %and3A_1134 = arith.andi %scan3A_994, %and3A_1133 : i32
          %swap3A_1135 = arith.index_cast %and3A_1134 : i32 to index
          %swap3A_1136 = tpu.vector_load %arg9[%swap3A_1135] {strides = array<i32>} : memref<128xf32, #tpu.memory_space<vmem>>, vector<16xf32>,
          %swap3A_1137 = vector.shape_cast %swap3A_1136 : vector<16xf32> to vector<16xf32>
          %swap3A_1138 = vector.shape_cast %select_n3A_1125 : vector<16xf32> to vector<16xf32>
          tpu.vector_store %arg9[%swap3A_1135], %swap3A_1138 {strides = array<i32>} : memref<128xf32, #tpu.memory_space<vmem>>, vector<16xf32>,
        } else {
        }
        scf.yield %select_n3A_1125 : vector<16xf32>
      }
      %scan3A_213 = arith.constant 128 : i32
      %get3A_214 = arith.constant 0 : index
      %get3A_215 = tpu.vector_load %arg9[%get3A_214] {strides = array<i32>} : memref<128xf32, #tpu.memory_space<vmem>>, vector<16xf32>,
      %get3A_216 = vector.shape_cast %get3A_215 : vector<16xf32> to vector<16xf32>
      %get3A_217 = arith.constant 16 : index
      %get3A_218 = tpu.vector_load %arg9[%get3A_217] {strides = array<i32>} : memref<128xf32, #tpu.memory_space<vmem>>, vector<16xf32>,
      %get3A_219 = vector.shape_cast %get3A_218 : vector<16xf32> to vector<16xf32>
      %get3A_220 = arith.constant 32 : index
      %get3A_221 = tpu.vector_load %arg9[%get3A_220] {strides = array<i32>} : memref<128xf32, #tpu.memory_space<vmem>>, vector<16xf32>,
      %get3A_222 = vector.shape_cast %get3A_221 : vector<16xf32> to vector<16xf32>
      %get3A_223 = arith.constant 48 : index
      %get3A_224 = tpu.vector_load %arg9[%get3A_223] {strides = array<i32>} : memref<128xf32, #tpu.memory_space<vmem>>, vector<16xf32>,
      %get3A_225 = vector.shape_cast %get3A_224 : vector<16xf32> to vector<16xf32>
      %get3A_226 = arith.constant 64 : index
      %get3A_227 = tpu.vector_load %arg9[%get3A_226] {strides = array<i32>} : memref<128xf32, #tpu.memory_space<vmem>>, vector<16xf32>,
      %get3A_228 = vector.shape_cast %get3A_227 : vector<16xf32> to vector<16xf32>
      %get3A_229 = arith.constant 80 : index
      %get3A_230 = tpu.vector_load %arg9[%get3A_229] {strides = array<i32>} : memref<128xf32, #tpu.memory_space<vmem>>, vector<16xf32>,
      %get3A_231 = vector.shape_cast %get3A_230 : vector<16xf32> to vector<16xf32>
      %get3A_232 = arith.constant 96 : index
      %get3A_233 = tpu.vector_load %arg9[%get3A_232] {strides = array<i32>} : memref<128xf32, #tpu.memory_space<vmem>>, vector<16xf32>,
      %get3A_234 = vector.shape_cast %get3A_233 : vector<16xf32> to vector<16xf32>
      %get3A_235 = arith.constant 112 : index
      %get3A_236 = tpu.vector_load %arg9[%get3A_235] {strides = array<i32>} : memref<128xf32, #tpu.memory_space<vmem>>, vector<16xf32>,
      %get3A_237 = vector.shape_cast %get3A_236 : vector<16xf32> to vector<16xf32>
      %max3A = arith.maximumf %get3A_216, %get3A_219 : vector<16xf32>
      %max3A_238 = arith.maximumf %max3A, %get3A_222 : vector<16xf32>
      %max3A_239 = arith.maximumf %max3A_238, %get3A_225 : vector<16xf32>
      %max3A_240 = arith.maximumf %max3A_239, %get3A_228 : vector<16xf32>
      %max3A_241 = arith.maximumf %max3A_240, %get3A_231 : vector<16xf32>
      %max3A_242 = arith.maximumf %max3A_241, %get3A_234 : vector<16xf32>
      %max3A_243 = arith.maximumf %max3A_242, %get3A_237 : vector<16xf32>
      %xor3A = arith.constant 1 : i32
      %xor3A_244 = vector.broadcast %xor3A : i32 to vector<16xi32>
      %xor3A_245 = arith.xori %iota3A, %xor3A_244 : vector<16xi32>
      %broadcast_in_dim3A_246 = vector.shape_cast %xor3A_245 : vector<16xi32> to vector<16x1xi32>
      %gather3A = vector.shape_cast %broadcast_in_dim3A_246 : vector<16x1xi32> to vector<16xi32>
      %gather3A_247 = tpu.dynamic_gather %max3A_243[%gather3A] in [0] : vector<16xf32>, vector<16xi32> -> vector<16xf32>
      %max3A_248 = arith.maximumf %max3A_243, %gather3A_247 : vector<16xf32>
      %xor3A_249 = arith.constant 2 : i32
      %xor3A_250 = vector.broadcast %xor3A_249 : i32 to vector<16xi32>
      %xor3A_251 = arith.xori %iota3A, %xor3A_250 : vector<16xi32>
      %broadcast_in_dim3A_252 = vector.shape_cast %xor3A_251 : vector<16xi32> to vector<16x1xi32>
      %gather3A_253 = vector.shape_cast %broadcast_in_dim3A_252 : vector<16x1xi32> to vector<16xi32>
      %gather3A_254 = tpu.dynamic_gather %max3A_248[%gather3A_253] in [0] : vector<16xf32>, vector<16xi32> -> vector<16xf32>
      %max3A_255 = arith.maximumf %max3A_248, %gather3A_254 : vector<16xf32>
      %xor3A_256 = arith.constant 4 : i32
      %xor3A_257 = vector.broadcast %xor3A_256 : i32 to vector<16xi32>
      %xor3A_258 = arith.xori %iota3A, %xor3A_257 : vector<16xi32>
      %broadcast_in_dim3A_259 = vector.shape_cast %xor3A_258 : vector<16xi32> to vector<16x1xi32>
      %gather3A_260 = vector.shape_cast %broadcast_in_dim3A_259 : vector<16x1xi32> to vector<16xi32>
      %gather3A_261 = tpu.dynamic_gather %max3A_255[%gather3A_260] in [0] : vector<16xf32>, vector<16xi32> -> vector<16xf32>
      %max3A_262 = arith.maximumf %max3A_255, %gather3A_261 : vector<16xf32>
      %xor3A_263 = arith.constant 8 : i32
      %xor3A_264 = vector.broadcast %xor3A_263 : i32 to vector<16xi32>
      %xor3A_265 = arith.xori %iota3A, %xor3A_264 : vector<16xi32>
      %broadcast_in_dim3A_266 = vector.shape_cast %xor3A_265 : vector<16xi32> to vector<16x1xi32>
      %gather3A_267 = vector.shape_cast %broadcast_in_dim3A_266 : vector<16x1xi32> to vector<16xi32>
      %gather3A_268 = tpu.dynamic_gather %max3A_262[%gather3A_267] in [0] : vector<16xf32>, vector<16xi32> -> vector<16xf32>
      %max3A_269 = arith.maximumf %max3A_262, %gather3A_268 : vector<16xf32>
      %max3A_270 = arith.maximumf %scan3A_171, %max3A_269 : vector<16xf32>
      %sub3A = arith.subf %scan3A_171, %max3A_270 : vector<16xf32>
      %exp3A = math.exp %sub3A : vector<16xf32>
      %broadcast_in_dim3A_271 = arith.constant 0.000000e+00 : f32
      %broadcast_in_dim3A_272 = vector.broadcast %broadcast_in_dim3A_271 : f32 to vector<16xf32>
      %sub3A_273 = arith.subf %get3A_216, %max3A_270 : vector<16xf32>
      %exp3A_274 = math.exp %sub3A_273 : vector<16xf32>
      %swap3A_275 = arith.constant 0 : index
      %swap3A_276 = tpu.vector_load %arg9[%swap3A_275] {strides = array<i32>} : memref<128xf32, #tpu.memory_space<vmem>>, vector<16xf32>,
      %swap3A_277 = vector.shape_cast %swap3A_276 : vector<16xf32> to vector<16xf32>
      %swap3A_278 = vector.shape_cast %exp3A_274 : vector<16xf32> to vector<16xf32>
      tpu.vector_store %arg9[%swap3A_275], %swap3A_278 {strides = array<i32>} : memref<128xf32, #tpu.memory_space<vmem>>, vector<16xf32>,
      %add3A_279 = arith.addf %broadcast_in_dim3A_272, %exp3A_274 : vector<16xf32>
      %sub3A_280 = arith.subf %get3A_219, %max3A_270 : vector<16xf32>
      %exp3A_281 = math.exp %sub3A_280 : vector<16xf32>
      %swap3A_282 = arith.constant 16 : index
      %swap3A_283 = tpu.vector_load %arg9[%swap3A_282] {strides = array<i32>} : memref<128xf32, #tpu.memory_space<vmem>>, vector<16xf32>,
      %swap3A_284 = vector.shape_cast %swap3A_283 : vector<16xf32> to vector<16xf32>
      %swap3A_285 = vector.shape_cast %exp3A_281 : vector<16xf32> to vector<16xf32>
      tpu.vector_store %arg9[%swap3A_282], %swap3A_285 {strides = array<i32>} : memref<128xf32, #tpu.memory_space<vmem>>, vector<16xf32>,
      %add3A_286 = arith.addf %add3A_279, %exp3A_281 : vector<16xf32>
      %sub3A_287 = arith.subf %get3A_222, %max3A_270 : vector<16xf32>
      %exp3A_288 = math.exp %sub3A_287 : vector<16xf32>
      %swap3A_289 = arith.constant 32 : index
      %swap3A_290 = tpu.vector_load %arg9[%swap3A_289] {strides = array<i32>} : memref<128xf32, #tpu.memory_space<vmem>>, vector<16xf32>,
      %swap3A_291 = vector.shape_cast %swap3A_290 : vector<16xf32> to vector<16xf32>
      %swap3A_292 = vector.shape_cast %exp3A_288 : vector<16xf32> to vector<16xf32>
      tpu.vector_store %arg9[%swap3A_289], %swap3A_292 {strides = array<i32>} : memref<128xf32, #tpu.memory_space<vmem>>, vector<16xf32>,
      %add3A_293 = arith.addf %add3A_286, %exp3A_288 : vector<16xf32>
      %sub3A_294 = arith.subf %get3A_225, %max3A_270 : vector<16xf32>
      %exp3A_295 = math.exp %sub3A_294 : vector<16xf32>
      %swap3A_296 = arith.constant 48 : index
      %swap3A_297 = tpu.vector_load %arg9[%swap3A_296] {strides = array<i32>} : memref<128xf32, #tpu.memory_space<vmem>>, vector<16xf32>,
      %swap3A_298 = vector.shape_cast %swap3A_297 : vector<16xf32> to vector<16xf32>
      %swap3A_299 = vector.shape_cast %exp3A_295 : vector<16xf32> to vector<16xf32>
      tpu.vector_store %arg9[%swap3A_296], %swap3A_299 {strides = array<i32>} : memref<128xf32, #tpu.memory_space<vmem>>, vector<16xf32>,
      %add3A_300 = arith.addf %add3A_293, %exp3A_295 : vector<16xf32>
      %sub3A_301 = arith.subf %get3A_228, %max3A_270 : vector<16xf32>
      %exp3A_302 = math.exp %sub3A_301 : vector<16xf32>
      %swap3A_303 = arith.constant 64 : index
      %swap3A_304 = tpu.vector_load %arg9[%swap3A_303] {strides = array<i32>} : memref<128xf32, #tpu.memory_space<vmem>>, vector<16xf32>,
      %swap3A_305 = vector.shape_cast %swap3A_304 : vector<16xf32> to vector<16xf32>
      %swap3A_306 = vector.shape_cast %exp3A_302 : vector<16xf32> to vector<16xf32>
      tpu.vector_store %arg9[%swap3A_303], %swap3A_306 {strides = array<i32>} : memref<128xf32, #tpu.memory_space<vmem>>, vector<16xf32>,
      %add3A_307 = arith.addf %add3A_300, %exp3A_302 : vector<16xf32>
      %sub3A_308 = arith.subf %get3A_231, %max3A_270 : vector<16xf32>
      %exp3A_309 = math.exp %sub3A_308 : vector<16xf32>
      %swap3A_310 = arith.constant 80 : index
      %swap3A_311 = tpu.vector_load %arg9[%swap3A_310] {strides = array<i32>} : memref<128xf32, #tpu.memory_space<vmem>>, vector<16xf32>,
      %swap3A_312 = vector.shape_cast %swap3A_311 : vector<16xf32> to vector<16xf32>
      %swap3A_313 = vector.shape_cast %exp3A_309 : vector<16xf32> to vector<16xf32>
      tpu.vector_store %arg9[%swap3A_310], %swap3A_313 {strides = array<i32>} : memref<128xf32, #tpu.memory_space<vmem>>, vector<16xf32>,
      %add3A_314 = arith.addf %add3A_307, %exp3A_309 : vector<16xf32>
      %sub3A_315 = arith.subf %get3A_234, %max3A_270 : vector<16xf32>
      %exp3A_316 = math.exp %sub3A_315 : vector<16xf32>
      %swap3A_317 = arith.constant 96 : index
      %swap3A_318 = tpu.vector_load %arg9[%swap3A_317] {strides = array<i32>} : memref<128xf32, #tpu.memory_space<vmem>>, vector<16xf32>,
      %swap3A_319 = vector.shape_cast %swap3A_318 : vector<16xf32> to vector<16xf32>
      %swap3A_320 = vector.shape_cast %exp3A_316 : vector<16xf32> to vector<16xf32>
      tpu.vector_store %arg9[%swap3A_317], %swap3A_320 {strides = array<i32>} : memref<128xf32, #tpu.memory_space<vmem>>, vector<16xf32>,
      %add3A_321 = arith.addf %add3A_314, %exp3A_316 : vector<16xf32>
      %sub3A_322 = arith.subf %get3A_237, %max3A_270 : vector<16xf32>
      %exp3A_323 = math.exp %sub3A_322 : vector<16xf32>
      %swap3A_324 = arith.constant 112 : index
      %swap3A_325 = tpu.vector_load %arg9[%swap3A_324] {strides = array<i32>} : memref<128xf32, #tpu.memory_space<vmem>>, vector<16xf32>,
      %swap3A_326 = vector.shape_cast %swap3A_325 : vector<16xf32> to vector<16xf32>
      %swap3A_327 = vector.shape_cast %exp3A_323 : vector<16xf32> to vector<16xf32>
      tpu.vector_store %arg9[%swap3A_324], %swap3A_327 {strides = array<i32>} : memref<128xf32, #tpu.memory_space<vmem>>, vector<16xf32>,
      %add3A_328 = arith.addf %add3A_321, %exp3A_323 : vector<16xf32>
      %mul3A_329 = arith.mulf %scan3A_172, %exp3A : vector<16xf32>
      %xor3A_330 = arith.constant 1 : i32
      %xor3A_331 = vector.broadcast %xor3A_330 : i32 to vector<16xi32>
      %xor3A_332 = arith.xori %iota3A, %xor3A_331 : vector<16xi32>
      %broadcast_in_dim3A_333 = vector.shape_cast %xor3A_332 : vector<16xi32> to vector<16x1xi32>
      %gather3A_334 = vector.shape_cast %broadcast_in_dim3A_333 : vector<16x1xi32> to vector<16xi32>
      %gather3A_335 = tpu.dynamic_gather %add3A_328[%gather3A_334] in [0] : vector<16xf32>, vector<16xi32> -> vector<16xf32>
      %add3A_336 = arith.addf %add3A_328, %gather3A_335 : vector<16xf32>
      %xor3A_337 = arith.constant 2 : i32
      %xor3A_338 = vector.broadcast %xor3A_337 : i32 to vector<16xi32>
      %xor3A_339 = arith.xori %iota3A, %xor3A_338 : vector<16xi32>
      %broadcast_in_dim3A_340 = vector.shape_cast %xor3A_339 : vector<16xi32> to vector<16x1xi32>
      %gather3A_341 = vector.shape_cast %broadcast_in_dim3A_340 : vector<16x1xi32> to vector<16xi32>
      %gather3A_342 = tpu.dynamic_gather %add3A_336[%gather3A_341] in [0] : vector<16xf32>, vector<16xi32> -> vector<16xf32>
      %add3A_343 = arith.addf %add3A_336, %gather3A_342 : vector<16xf32>
      %xor3A_344 = arith.constant 4 : i32
      %xor3A_345 = vector.broadcast %xor3A_344 : i32 to vector<16xi32>
      %xor3A_346 = arith.xori %iota3A, %xor3A_345 : vector<16xi32>
      %broadcast_in_dim3A_347 = vector.shape_cast %xor3A_346 : vector<16xi32> to vector<16x1xi32>
      %gather3A_348 = vector.shape_cast %broadcast_in_dim3A_347 : vector<16x1xi32> to vector<16xi32>
      %gather3A_349 = tpu.dynamic_gather %add3A_343[%gather3A_348] in [0] : vector<16xf32>, vector<16xi32> -> vector<16xf32>
      %add3A_350 = arith.addf %add3A_343, %gather3A_349 : vector<16xf32>
      %xor3A_351 = arith.constant 8 : i32
      %xor3A_352 = vector.broadcast %xor3A_351 : i32 to vector<16xi32>
      %xor3A_353 = arith.xori %iota3A, %xor3A_352 : vector<16xi32>
      %broadcast_in_dim3A_354 = vector.shape_cast %xor3A_353 : vector<16xi32> to vector<16x1xi32>
      %gather3A_355 = vector.shape_cast %broadcast_in_dim3A_354 : vector<16x1xi32> to vector<16xi32>
      %gather3A_356 = tpu.dynamic_gather %add3A_350[%gather3A_355] in [0] : vector<16xf32>, vector<16xi32> -> vector<16xf32>
      %add3A_357 = arith.addf %add3A_350, %gather3A_356 : vector<16xf32>
      %add3A_358 = arith.addf %mul3A_329, %add3A_357 : vector<16xf32>
      %mul3A_359 = arith.mulf %scan3A_173, %exp3A : vector<16xf32>
      %mul3A_360 = arith.mulf %scan3A_174, %exp3A : vector<16xf32>
      %mul3A_361 = arith.mulf %scan3A_175, %exp3A : vector<16xf32>
      %mul3A_362 = arith.mulf %scan3A_176, %exp3A : vector<16xf32>
      %mul3A_363 = arith.mulf %scan3A_177, %exp3A : vector<16xf32>
      %mul3A_364 = arith.mulf %scan3A_178, %exp3A : vector<16xf32>
      %mul3A_365 = arith.mulf %scan3A_179, %exp3A : vector<16xf32>
      %mul3A_366 = arith.mulf %scan3A_180, %exp3A : vector<16xf32>
      %mul3A_367 = arith.mulf %scan3A_181, %exp3A : vector<16xf32>
      %mul3A_368 = arith.mulf %scan3A_182, %exp3A : vector<16xf32>
      %mul3A_369 = arith.mulf %scan3A_183, %exp3A : vector<16xf32>
      %mul3A_370 = arith.mulf %scan3A_184, %exp3A : vector<16xf32>
      %mul3A_371 = arith.mulf %scan3A_185, %exp3A : vector<16xf32>
      %mul3A_372 = arith.mulf %scan3A_186, %exp3A : vector<16xf32>
      %mul3A_373 = arith.mulf %scan3A_187, %exp3A : vector<16xf32>
      %mul3A_374 = arith.mulf %scan3A_188, %exp3A : vector<16xf32>
      %scan3A_375 = arith.constant 0 : i32
      %scan3A_376 = arith.constant 128 : i32
      %scan3A_377 = arith.addi %scan3A_375, %scan3A_376 : i32
      %scan3A_378 = arith.constant 2 : i32
      %scan3A_379:16 = scf.for %scan3A_574 = %scan3A_375 to %scan3A_377 step %scan3A_378 iter_args(%scan3A_575 = %mul3A_359, %scan3A_576 = %mul3A_360, %scan3A_577 = %mul3A_361, %scan3A_578 = %mul3A_362, %scan3A_579 = %mul3A_363, %scan3A_580 = %mul3A_364, %scan3A_581 = %mul3A_365, %scan3A_582 = %mul3A_366, %scan3A_583 = %mul3A_367, %scan3A_584 = %mul3A_368, %scan3A_585 = %mul3A_369, %scan3A_586 = %mul3A_370, %scan3A_587 = %mul3A_371, %scan3A_588 = %mul3A_372, %scan3A_589 = %mul3A_373, %scan3A_590 = %mul3A_374) -> (vector<16xf32>, vector<16xf32>, vector<16xf32>, vector<16xf32>, vector<16xf32>, vector<16xf32>, vector<16xf32>, vector<16xf32>, vector<16xf32>, vector<16xf32>, vector<16xf32>, vector<16xf32>, vector<16xf32>, vector<16xf32>, vector<16xf32>, vector<16xf32>)  : i32 {
        %and3A = arith.constant -16 : i32
        %and3A_591 = arith.andi %scan3A_574, %and3A : i32
        %get3A_592 = arith.index_cast %and3A_591 : i32 to index
        %get3A_593 = tpu.vector_load %arg9[%get3A_592] {strides = array<i32>} : memref<128xf32, #tpu.memory_space<vmem>>, vector<16xf32>,
        %get3A_594 = vector.shape_cast %get3A_593 : vector<16xf32> to vector<16xf32>
        %and3A_595 = arith.constant 15 : i32
        %and3A_596 = arith.andi %scan3A_574, %and3A_595 : i32
        %broadcast_in_dim3A_597 = vector.broadcast %and3A_596 : i32 to vector<16xi32>
        %broadcast_in_dim3A_598 = vector.shape_cast %broadcast_in_dim3A_597 : vector<16xi32> to vector<16x1xi32>
        %gather3A_599 = vector.shape_cast %broadcast_in_dim3A_598 : vector<16x1xi32> to vector<16xi32>
        %gather3A_600 = tpu.dynamic_gather %get3A_594[%gather3A_599] in [0] : vector<16xf32>, vector<16xi32> -> vector<16xf32>
        %get3A_601 = arith.index_cast %scan3A_574 : i32 to index
        %get3A_602 = arith.constant 0 : index
        %get3A_603 = tpu.vector_load %arg7[%get3A_601, %get3A_602] {strides = array<i32>} : memref<128x256xf32, #tpu.memory_space<vmem>>, vector<1x16xf32>,
        %get3A_604 = vector.shape_cast %get3A_603 : vector<1x16xf32> to vector<16xf32>
        %mul3A_605 = arith.mulf %gather3A_600, %get3A_604 : vector<16xf32>
        %add3A_606 = arith.addf %scan3A_575, %mul3A_605 : vector<16xf32>
        %get3A_607 = arith.index_cast %scan3A_574 : i32 to index
        %get3A_608 = arith.constant 16 : index
        %get3A_609 = tpu.vector_load %arg7[%get3A_607, %get3A_608] {strides = array<i32>} : memref<128x256xf32, #tpu.memory_space<vmem>>, vector<1x16xf32>,
        %get3A_610 = vector.shape_cast %get3A_609 : vector<1x16xf32> to vector<16xf32>
        %mul3A_611 = arith.mulf %gather3A_600, %get3A_610 : vector<16xf32>
        %add3A_612 = arith.addf %scan3A_576, %mul3A_611 : vector<16xf32>
        %get3A_613 = arith.index_cast %scan3A_574 : i32 to index
        %get3A_614 = arith.constant 32 : index
        %get3A_615 = tpu.vector_load %arg7[%get3A_613, %get3A_614] {strides = array<i32>} : memref<128x256xf32, #tpu.memory_space<vmem>>, vector<1x16xf32>,
        %get3A_616 = vector.shape_cast %get3A_615 : vector<1x16xf32> to vector<16xf32>
        %mul3A_617 = arith.mulf %gather3A_600, %get3A_616 : vector<16xf32>
        %add3A_618 = arith.addf %scan3A_577, %mul3A_617 : vector<16xf32>
        %get3A_619 = arith.index_cast %scan3A_574 : i32 to index
        %get3A_620 = arith.constant 48 : index
        %get3A_621 = tpu.vector_load %arg7[%get3A_619, %get3A_620] {strides = array<i32>} : memref<128x256xf32, #tpu.memory_space<vmem>>, vector<1x16xf32>,
        %get3A_622 = vector.shape_cast %get3A_621 : vector<1x16xf32> to vector<16xf32>
        %mul3A_623 = arith.mulf %gather3A_600, %get3A_622 : vector<16xf32>
        %add3A_624 = arith.addf %scan3A_578, %mul3A_623 : vector<16xf32>
        %get3A_625 = arith.index_cast %scan3A_574 : i32 to index
        %get3A_626 = arith.constant 64 : index
        %get3A_627 = tpu.vector_load %arg7[%get3A_625, %get3A_626] {strides = array<i32>} : memref<128x256xf32, #tpu.memory_space<vmem>>, vector<1x16xf32>,
        %get3A_628 = vector.shape_cast %get3A_627 : vector<1x16xf32> to vector<16xf32>
        %mul3A_629 = arith.mulf %gather3A_600, %get3A_628 : vector<16xf32>
        %add3A_630 = arith.addf %scan3A_579, %mul3A_629 : vector<16xf32>
        %get3A_631 = arith.index_cast %scan3A_574 : i32 to index
        %get3A_632 = arith.constant 80 : index
        %get3A_633 = tpu.vector_load %arg7[%get3A_631, %get3A_632] {strides = array<i32>} : memref<128x256xf32, #tpu.memory_space<vmem>>, vector<1x16xf32>,
        %get3A_634 = vector.shape_cast %get3A_633 : vector<1x16xf32> to vector<16xf32>
        %mul3A_635 = arith.mulf %gather3A_600, %get3A_634 : vector<16xf32>
        %add3A_636 = arith.addf %scan3A_580, %mul3A_635 : vector<16xf32>
        %get3A_637 = arith.index_cast %scan3A_574 : i32 to index
        %get3A_638 = arith.constant 96 : index
        %get3A_639 = tpu.vector_load %arg7[%get3A_637, %get3A_638] {strides = array<i32>} : memref<128x256xf32, #tpu.memory_space<vmem>>, vector<1x16xf32>,
        %get3A_640 = vector.shape_cast %get3A_639 : vector<1x16xf32> to vector<16xf32>
        %mul3A_641 = arith.mulf %gather3A_600, %get3A_640 : vector<16xf32>
        %add3A_642 = arith.addf %scan3A_581, %mul3A_641 : vector<16xf32>
        %get3A_643 = arith.index_cast %scan3A_574 : i32 to index
        %get3A_644 = arith.constant 112 : index
        %get3A_645 = tpu.vector_load %arg7[%get3A_643, %get3A_644] {strides = array<i32>} : memref<128x256xf32, #tpu.memory_space<vmem>>, vector<1x16xf32>,
        %get3A_646 = vector.shape_cast %get3A_645 : vector<1x16xf32> to vector<16xf32>
        %mul3A_647 = arith.mulf %gather3A_600, %get3A_646 : vector<16xf32>
        %add3A_648 = arith.addf %scan3A_582, %mul3A_647 : vector<16xf32>
        %get3A_649 = arith.index_cast %scan3A_574 : i32 to index
        %get3A_650 = arith.constant 128 : index
        %get3A_651 = tpu.vector_load %arg7[%get3A_649, %get3A_650] {strides = array<i32>} : memref<128x256xf32, #tpu.memory_space<vmem>>, vector<1x16xf32>,
        %get3A_652 = vector.shape_cast %get3A_651 : vector<1x16xf32> to vector<16xf32>
        %mul3A_653 = arith.mulf %gather3A_600, %get3A_652 : vector<16xf32>
        %add3A_654 = arith.addf %scan3A_583, %mul3A_653 : vector<16xf32>
        %get3A_655 = arith.index_cast %scan3A_574 : i32 to index
        %get3A_656 = arith.constant 144 : index
        %get3A_657 = tpu.vector_load %arg7[%get3A_655, %get3A_656] {strides = array<i32>} : memref<128x256xf32, #tpu.memory_space<vmem>>, vector<1x16xf32>,
        %get3A_658 = vector.shape_cast %get3A_657 : vector<1x16xf32> to vector<16xf32>
        %mul3A_659 = arith.mulf %gather3A_600, %get3A_658 : vector<16xf32>
        %add3A_660 = arith.addf %scan3A_584, %mul3A_659 : vector<16xf32>
        %get3A_661 = arith.index_cast %scan3A_574 : i32 to index
        %get3A_662 = arith.constant 160 : index
        %get3A_663 = tpu.vector_load %arg7[%get3A_661, %get3A_662] {strides = array<i32>} : memref<128x256xf32, #tpu.memory_space<vmem>>, vector<1x16xf32>,
        %get3A_664 = vector.shape_cast %get3A_663 : vector<1x16xf32> to vector<16xf32>
        %mul3A_665 = arith.mulf %gather3A_600, %get3A_664 : vector<16xf32>
        %add3A_666 = arith.addf %scan3A_585, %mul3A_665 : vector<16xf32>
        %get3A_667 = arith.index_cast %scan3A_574 : i32 to index
        %get3A_668 = arith.constant 176 : index
        %get3A_669 = tpu.vector_load %arg7[%get3A_667, %get3A_668] {strides = array<i32>} : memref<128x256xf32, #tpu.memory_space<vmem>>, vector<1x16xf32>,
        %get3A_670 = vector.shape_cast %get3A_669 : vector<1x16xf32> to vector<16xf32>
        %mul3A_671 = arith.mulf %gather3A_600, %get3A_670 : vector<16xf32>
        %add3A_672 = arith.addf %scan3A_586, %mul3A_671 : vector<16xf32>
        %get3A_673 = arith.index_cast %scan3A_574 : i32 to index
        %get3A_674 = arith.constant 192 : index
        %get3A_675 = tpu.vector_load %arg7[%get3A_673, %get3A_674] {strides = array<i32>} : memref<128x256xf32, #tpu.memory_space<vmem>>, vector<1x16xf32>,
        %get3A_676 = vector.shape_cast %get3A_675 : vector<1x16xf32> to vector<16xf32>
        %mul3A_677 = arith.mulf %gather3A_600, %get3A_676 : vector<16xf32>
        %add3A_678 = arith.addf %scan3A_587, %mul3A_677 : vector<16xf32>
        %get3A_679 = arith.index_cast %scan3A_574 : i32 to index
        %get3A_680 = arith.constant 208 : index
        %get3A_681 = tpu.vector_load %arg7[%get3A_679, %get3A_680] {strides = array<i32>} : memref<128x256xf32, #tpu.memory_space<vmem>>, vector<1x16xf32>,
        %get3A_682 = vector.shape_cast %get3A_681 : vector<1x16xf32> to vector<16xf32>
        %mul3A_683 = arith.mulf %gather3A_600, %get3A_682 : vector<16xf32>
        %add3A_684 = arith.addf %scan3A_588, %mul3A_683 : vector<16xf32>
        %get3A_685 = arith.index_cast %scan3A_574 : i32 to index
        %get3A_686 = arith.constant 224 : index
        %get3A_687 = tpu.vector_load %arg7[%get3A_685, %get3A_686] {strides = array<i32>} : memref<128x256xf32, #tpu.memory_space<vmem>>, vector<1x16xf32>,
        %get3A_688 = vector.shape_cast %get3A_687 : vector<1x16xf32> to vector<16xf32>
        %mul3A_689 = arith.mulf %gather3A_600, %get3A_688 : vector<16xf32>
        %add3A_690 = arith.addf %scan3A_589, %mul3A_689 : vector<16xf32>
        %get3A_691 = arith.index_cast %scan3A_574 : i32 to index
        %get3A_692 = arith.constant 240 : index
        %get3A_693 = tpu.vector_load %arg7[%get3A_691, %get3A_692] {strides = array<i32>} : memref<128x256xf32, #tpu.memory_space<vmem>>, vector<1x16xf32>,
        %get3A_694 = vector.shape_cast %get3A_693 : vector<1x16xf32> to vector<16xf32>
        %mul3A_695 = arith.mulf %gather3A_600, %get3A_694 : vector<16xf32>
        %add3A_696 = arith.addf %scan3A_590, %mul3A_695 : vector<16xf32>
        %scan3A_697 = arith.constant 1 : i32
        %scan3A_698 = arith.addi %scan3A_574, %scan3A_697 : i32
        %and3A_699 = arith.constant -16 : i32
        %and3A_700 = arith.andi %scan3A_698, %and3A_699 : i32
        %get3A_701 = arith.index_cast %and3A_700 : i32 to index
        %get3A_702 = tpu.vector_load %arg9[%get3A_701] {strides = array<i32>} : memref<128xf32, #tpu.memory_space<vmem>>, vector<16xf32>,
        %get3A_703 = vector.shape_cast %get3A_702 : vector<16xf32> to vector<16xf32>
        %and3A_704 = arith.constant 15 : i32
        %and3A_705 = arith.andi %scan3A_698, %and3A_704 : i32
        %broadcast_in_dim3A_706 = vector.broadcast %and3A_705 : i32 to vector<16xi32>
        %broadcast_in_dim3A_707 = vector.shape_cast %broadcast_in_dim3A_706 : vector<16xi32> to vector<16x1xi32>
        %gather3A_708 = vector.shape_cast %broadcast_in_dim3A_707 : vector<16x1xi32> to vector<16xi32>
        %gather3A_709 = tpu.dynamic_gather %get3A_703[%gather3A_708] in [0] : vector<16xf32>, vector<16xi32> -> vector<16xf32>
        %get3A_710 = arith.index_cast %scan3A_698 : i32 to index
        %get3A_711 = arith.constant 0 : index
        %get3A_712 = tpu.vector_load %arg7[%get3A_710, %get3A_711] {strides = array<i32>} : memref<128x256xf32, #tpu.memory_space<vmem>>, vector<1x16xf32>,
        %get3A_713 = vector.shape_cast %get3A_712 : vector<1x16xf32> to vector<16xf32>
        %mul3A_714 = arith.mulf %gather3A_709, %get3A_713 : vector<16xf32>
        %add3A_715 = arith.addf %add3A_606, %mul3A_714 : vector<16xf32>
        %get3A_716 = arith.index_cast %scan3A_698 : i32 to index
        %get3A_717 = arith.constant 16 : index
        %get3A_718 = tpu.vector_load %arg7[%get3A_716, %get3A_717] {strides = array<i32>} : memref<128x256xf32, #tpu.memory_space<vmem>>, vector<1x16xf32>,
        %get3A_719 = vector.shape_cast %get3A_718 : vector<1x16xf32> to vector<16xf32>
        %mul3A_720 = arith.mulf %gather3A_709, %get3A_719 : vector<16xf32>
        %add3A_721 = arith.addf %add3A_612, %mul3A_720 : vector<16xf32>
        %get3A_722 = arith.index_cast %scan3A_698 : i32 to index
        %get3A_723 = arith.constant 32 : index
        %get3A_724 = tpu.vector_load %arg7[%get3A_722, %get3A_723] {strides = array<i32>} : memref<128x256xf32, #tpu.memory_space<vmem>>, vector<1x16xf32>,
        %get3A_725 = vector.shape_cast %get3A_724 : vector<1x16xf32> to vector<16xf32>
        %mul3A_726 = arith.mulf %gather3A_709, %get3A_725 : vector<16xf32>
        %add3A_727 = arith.addf %add3A_618, %mul3A_726 : vector<16xf32>
        %get3A_728 = arith.index_cast %scan3A_698 : i32 to index
        %get3A_729 = arith.constant 48 : index
        %get3A_730 = tpu.vector_load %arg7[%get3A_728, %get3A_729] {strides = array<i32>} : memref<128x256xf32, #tpu.memory_space<vmem>>, vector<1x16xf32>,
        %get3A_731 = vector.shape_cast %get3A_730 : vector<1x16xf32> to vector<16xf32>
        %mul3A_732 = arith.mulf %gather3A_709, %get3A_731 : vector<16xf32>
        %add3A_733 = arith.addf %add3A_624, %mul3A_732 : vector<16xf32>
        %get3A_734 = arith.index_cast %scan3A_698 : i32 to index
        %get3A_735 = arith.constant 64 : index
        %get3A_736 = tpu.vector_load %arg7[%get3A_734, %get3A_735] {strides = array<i32>} : memref<128x256xf32, #tpu.memory_space<vmem>>, vector<1x16xf32>,
        %get3A_737 = vector.shape_cast %get3A_736 : vector<1x16xf32> to vector<16xf32>
        %mul3A_738 = arith.mulf %gather3A_709, %get3A_737 : vector<16xf32>
        %add3A_739 = arith.addf %add3A_630, %mul3A_738 : vector<16xf32>
        %get3A_740 = arith.index_cast %scan3A_698 : i32 to index
        %get3A_741 = arith.constant 80 : index
        %get3A_742 = tpu.vector_load %arg7[%get3A_740, %get3A_741] {strides = array<i32>} : memref<128x256xf32, #tpu.memory_space<vmem>>, vector<1x16xf32>,
        %get3A_743 = vector.shape_cast %get3A_742 : vector<1x16xf32> to vector<16xf32>
        %mul3A_744 = arith.mulf %gather3A_709, %get3A_743 : vector<16xf32>
        %add3A_745 = arith.addf %add3A_636, %mul3A_744 : vector<16xf32>
        %get3A_746 = arith.index_cast %scan3A_698 : i32 to index
        %get3A_747 = arith.constant 96 : index
        %get3A_748 = tpu.vector_load %arg7[%get3A_746, %get3A_747] {strides = array<i32>} : memref<128x256xf32, #tpu.memory_space<vmem>>, vector<1x16xf32>,
        %get3A_749 = vector.shape_cast %get3A_748 : vector<1x16xf32> to vector<16xf32>
        %mul3A_750 = arith.mulf %gather3A_709, %get3A_749 : vector<16xf32>
        %add3A_751 = arith.addf %add3A_642, %mul3A_750 : vector<16xf32>
        %get3A_752 = arith.index_cast %scan3A_698 : i32 to index
        %get3A_753 = arith.constant 112 : index
        %get3A_754 = tpu.vector_load %arg7[%get3A_752, %get3A_753] {strides = array<i32>} : memref<128x256xf32, #tpu.memory_space<vmem>>, vector<1x16xf32>,
        %get3A_755 = vector.shape_cast %get3A_754 : vector<1x16xf32> to vector<16xf32>
        %mul3A_756 = arith.mulf %gather3A_709, %get3A_755 : vector<16xf32>
        %add3A_757 = arith.addf %add3A_648, %mul3A_756 : vector<16xf32>
        %get3A_758 = arith.index_cast %scan3A_698 : i32 to index
        %get3A_759 = arith.constant 128 : index
        %get3A_760 = tpu.vector_load %arg7[%get3A_758, %get3A_759] {strides = array<i32>} : memref<128x256xf32, #tpu.memory_space<vmem>>, vector<1x16xf32>,
        %get3A_761 = vector.shape_cast %get3A_760 : vector<1x16xf32> to vector<16xf32>
        %mul3A_762 = arith.mulf %gather3A_709, %get3A_761 : vector<16xf32>
        %add3A_763 = arith.addf %add3A_654, %mul3A_762 : vector<16xf32>
        %get3A_764 = arith.index_cast %scan3A_698 : i32 to index
        %get3A_765 = arith.constant 144 : index
        %get3A_766 = tpu.vector_load %arg7[%get3A_764, %get3A_765] {strides = array<i32>} : memref<128x256xf32, #tpu.memory_space<vmem>>, vector<1x16xf32>,
        %get3A_767 = vector.shape_cast %get3A_766 : vector<1x16xf32> to vector<16xf32>
        %mul3A_768 = arith.mulf %gather3A_709, %get3A_767 : vector<16xf32>
        %add3A_769 = arith.addf %add3A_660, %mul3A_768 : vector<16xf32>
        %get3A_770 = arith.index_cast %scan3A_698 : i32 to index
        %get3A_771 = arith.constant 160 : index
        %get3A_772 = tpu.vector_load %arg7[%get3A_770, %get3A_771] {strides = array<i32>} : memref<128x256xf32, #tpu.memory_space<vmem>>, vector<1x16xf32>,
        %get3A_773 = vector.shape_cast %get3A_772 : vector<1x16xf32> to vector<16xf32>
        %mul3A_774 = arith.mulf %gather3A_709, %get3A_773 : vector<16xf32>
        %add3A_775 = arith.addf %add3A_666, %mul3A_774 : vector<16xf32>
        %get3A_776 = arith.index_cast %scan3A_698 : i32 to index
        %get3A_777 = arith.constant 176 : index
        %get3A_778 = tpu.vector_load %arg7[%get3A_776, %get3A_777] {strides = array<i32>} : memref<128x256xf32, #tpu.memory_space<vmem>>, vector<1x16xf32>,
        %get3A_779 = vector.shape_cast %get3A_778 : vector<1x16xf32> to vector<16xf32>
        %mul3A_780 = arith.mulf %gather3A_709, %get3A_779 : vector<16xf32>
        %add3A_781 = arith.addf %add3A_672, %mul3A_780 : vector<16xf32>
        %get3A_782 = arith.index_cast %scan3A_698 : i32 to index
        %get3A_783 = arith.constant 192 : index
        %get3A_784 = tpu.vector_load %arg7[%get3A_782, %get3A_783] {strides = array<i32>} : memref<128x256xf32, #tpu.memory_space<vmem>>, vector<1x16xf32>,
        %get3A_785 = vector.shape_cast %get3A_784 : vector<1x16xf32> to vector<16xf32>
        %mul3A_786 = arith.mulf %gather3A_709, %get3A_785 : vector<16xf32>
        %add3A_787 = arith.addf %add3A_678, %mul3A_786 : vector<16xf32>
        %get3A_788 = arith.index_cast %scan3A_698 : i32 to index
        %get3A_789 = arith.constant 208 : index
        %get3A_790 = tpu.vector_load %arg7[%get3A_788, %get3A_789] {strides = array<i32>} : memref<128x256xf32, #tpu.memory_space<vmem>>, vector<1x16xf32>,
        %get3A_791 = vector.shape_cast %get3A_790 : vector<1x16xf32> to vector<16xf32>
        %mul3A_792 = arith.mulf %gather3A_709, %get3A_791 : vector<16xf32>
        %add3A_793 = arith.addf %add3A_684, %mul3A_792 : vector<16xf32>
        %get3A_794 = arith.index_cast %scan3A_698 : i32 to index
        %get3A_795 = arith.constant 224 : index
        %get3A_796 = tpu.vector_load %arg7[%get3A_794, %get3A_795] {strides = array<i32>} : memref<128x256xf32, #tpu.memory_space<vmem>>, vector<1x16xf32>,
        %get3A_797 = vector.shape_cast %get3A_796 : vector<1x16xf32> to vector<16xf32>
        %mul3A_798 = arith.mulf %gather3A_709, %get3A_797 : vector<16xf32>
        %add3A_799 = arith.addf %add3A_690, %mul3A_798 : vector<16xf32>
        %get3A_800 = arith.index_cast %scan3A_698 : i32 to index
        %get3A_801 = arith.constant 240 : index
        %get3A_802 = tpu.vector_load %arg7[%get3A_800, %get3A_801] {strides = array<i32>} : memref<128x256xf32, #tpu.memory_space<vmem>>, vector<1x16xf32>,
        %get3A_803 = vector.shape_cast %get3A_802 : vector<1x16xf32> to vector<16xf32>
        %mul3A_804 = arith.mulf %gather3A_709, %get3A_803 : vector<16xf32>
        %add3A_805 = arith.addf %add3A_696, %mul3A_804 : vector<16xf32>
        scf.yield %add3A_715, %add3A_721, %add3A_727, %add3A_733, %add3A_739, %add3A_745, %add3A_751, %add3A_757, %add3A_763, %add3A_769, %add3A_775, %add3A_781, %add3A_787, %add3A_793, %add3A_799, %add3A_805 : vector<16xf32>, vector<16xf32>, vector<16xf32>, vector<16xf32>, vector<16xf32>, vector<16xf32>, vector<16xf32>, vector<16xf32>, vector<16xf32>, vector<16xf32>, vector<16xf32>, vector<16xf32>, vector<16xf32>, vector<16xf32>, vector<16xf32>, vector<16xf32>
      }
      %scan3A_380 = arith.constant 128 : i32
      %add3A_381 = arith.constant 2 : i32
      %add3A_382 = arith.addi %mul3A_190, %add3A_381 : i32
      %lt3A = arith.constant 4 : i32
      %lt3A_383 = arith.cmpi slt, %add3A_382, %lt3A : i32
      %convert_element_type3A = arith.extui %lt3A_383 : i1 to i32
      %cond3A = arith.constant 0 : i32
      %cond3A_384 = arith.cmpi ne, %convert_element_type3A, %cond3A : i32
      scf.if %cond3A_384 {
        %add3A_574 = arith.constant 2 : i32
        %add3A_575 = arith.addi %mul3A_190, %add3A_574 : i32
        %mul3A_576 = arith.constant 128 : i32
        %mul3A_577 = arith.muli %add3A_575, %mul3A_576 : i32
        %add3A_578 = arith.addi %mul3A_2, %mul3A_577 : i32
        %dma_start3A_579 = arith.constant 0 : i32
        %dma_start3A_580 = tpu.memref_slice %arg3[%add3A_578, %dma_start3A_579] : memref<65536x256xf32, #tpu.memory_space<hbm>> -> memref<128x256xf32, #tpu.memory_space<hbm>>
        %dma_start3A_581 = arith.constant 0 : i32
        %dma_start3A_582 = tpu.memref_slice %arg3[%add3A_578, %dma_start3A_581] : memref<65536x256xf32, #tpu.memory_space<hbm>> -> memref<128x256xf32, #tpu.memory_space<hbm>>
        tpu.enqueue_dma source(%dma_start3A_582 : memref<128x256xf32, #tpu.memory_space<hbm>>) target(%arg7 : memref<128x256xf32, #tpu.memory_space<vmem>>) target_semaphore(%arg12 : memref<!tpu.dma_semaphore, #tpu.memory_space<semaphore_mem>>)
      } else {
      }
      %add3A_385 = arith.constant 1 : i32
      %add3A_386 = arith.addi %mul3A_190, %add3A_385 : i32
      %mul3A_387 = arith.constant 128 : i32
      %mul3A_388 = arith.muli %add3A_386, %mul3A_387 : i32
      %add3A_389 = arith.addi %mul3A_2, %mul3A_388 : i32
      %dma_wait3A_390 = arith.constant 0 : i32
      %dma_wait3A_391 = tpu.memref_slice %arg3[%add3A_389, %dma_wait3A_390] : memref<65536x256xf32, #tpu.memory_space<hbm>> -> memref<128x256xf32, #tpu.memory_space<hbm>>
      %dma_wait3A_392 = arith.constant 0 : i32
      %dma_wait3A_393 = tpu.memref_slice %arg3[%add3A_389, %dma_wait3A_392] : memref<65536x256xf32, #tpu.memory_space<hbm>> -> memref<128x256xf32, #tpu.memory_space<hbm>>
      tpu.wait_dma2 semaphore(%arg13 : memref<!tpu.dma_semaphore, #tpu.memory_space<semaphore_mem>>) src(%dma_wait3A_393 : memref<128x256xf32, #tpu.memory_space<hbm>>) dst(%arg8 : memref<128x256xf32, #tpu.memory_space<vmem>>)
      %broadcast_in_dim3A_394 = arith.constant 0.000000e+00 : f32
      %broadcast_in_dim3A_395 = vector.broadcast %broadcast_in_dim3A_394 : f32 to vector<16xf32>
      %scan3A_396 = arith.constant 0 : i32
      %scan3A_397 = arith.constant 128 : i32
      %scan3A_398 = arith.addi %scan3A_396, %scan3A_397 : i32
      %scan3A_399 = arith.constant 4 : i32
      %scan3A_400 = scf.for %scan3A_574 = %scan3A_396 to %scan3A_398 step %scan3A_399 iter_args(%scan3A_575 = %broadcast_in_dim3A_395) -> (vector<16xf32>)  : i32 {
        %get3A_576 = arith.index_cast %scan3A_574 : i32 to index
        %get3A_577 = arith.constant 0 : index
        %get3A_578 = tpu.vector_load %arg8[%get3A_576, %get3A_577] {strides = array<i32>} : memref<128x256xf32, #tpu.memory_space<vmem>>, vector<1x16xf32>,
        %get3A_579 = vector.shape_cast %get3A_578 : vector<1x16xf32> to vector<16xf32>
        %mul3A_580 = arith.mulf %get3A_579, %get3A_4 : vector<16xf32>
        %get3A_581 = arith.index_cast %scan3A_574 : i32 to index
        %get3A_582 = arith.constant 16 : index
        %get3A_583 = tpu.vector_load %arg8[%get3A_581, %get3A_582] {strides = array<i32>} : memref<128x256xf32, #tpu.memory_space<vmem>>, vector<1x16xf32>,
        %get3A_584 = vector.shape_cast %get3A_583 : vector<1x16xf32> to vector<16xf32>
        %mul3A_585 = arith.mulf %get3A_584, %get3A_7 : vector<16xf32>
        %get3A_586 = arith.index_cast %scan3A_574 : i32 to index
        %get3A_587 = arith.constant 32 : index
        %get3A_588 = tpu.vector_load %arg8[%get3A_586, %get3A_587] {strides = array<i32>} : memref<128x256xf32, #tpu.memory_space<vmem>>, vector<1x16xf32>,
        %get3A_589 = vector.shape_cast %get3A_588 : vector<1x16xf32> to vector<16xf32>
        %mul3A_590 = arith.mulf %get3A_589, %get3A_10 : vector<16xf32>
        %get3A_591 = arith.index_cast %scan3A_574 : i32 to index
        %get3A_592 = arith.constant 48 : index
        %get3A_593 = tpu.vector_load %arg8[%get3A_591, %get3A_592] {strides = array<i32>} : memref<128x256xf32, #tpu.memory_space<vmem>>, vector<1x16xf32>,
        %get3A_594 = vector.shape_cast %get3A_593 : vector<1x16xf32> to vector<16xf32>
        %mul3A_595 = arith.mulf %get3A_594, %get3A_13 : vector<16xf32>
        %get3A_596 = arith.index_cast %scan3A_574 : i32 to index
        %get3A_597 = arith.constant 64 : index
        %get3A_598 = tpu.vector_load %arg8[%get3A_596, %get3A_597] {strides = array<i32>} : memref<128x256xf32, #tpu.memory_space<vmem>>, vector<1x16xf32>,
        %get3A_599 = vector.shape_cast %get3A_598 : vector<1x16xf32> to vector<16xf32>
        %mul3A_600 = arith.mulf %get3A_599, %get3A_16 : vector<16xf32>
        %get3A_601 = arith.index_cast %scan3A_574 : i32 to index
        %get3A_602 = arith.constant 80 : index
        %get3A_603 = tpu.vector_load %arg8[%get3A_601, %get3A_602] {strides = array<i32>} : memref<128x256xf32, #tpu.memory_space<vmem>>, vector<1x16xf32>,
        %get3A_604 = vector.shape_cast %get3A_603 : vector<1x16xf32> to vector<16xf32>
        %mul3A_605 = arith.mulf %get3A_604, %get3A_19 : vector<16xf32>
        %get3A_606 = arith.index_cast %scan3A_574 : i32 to index
        %get3A_607 = arith.constant 96 : index
        %get3A_608 = tpu.vector_load %arg8[%get3A_606, %get3A_607] {strides = array<i32>} : memref<128x256xf32, #tpu.memory_space<vmem>>, vector<1x16xf32>,
        %get3A_609 = vector.shape_cast %get3A_608 : vector<1x16xf32> to vector<16xf32>
        %mul3A_610 = arith.mulf %get3A_609, %get3A_22 : vector<16xf32>
        %get3A_611 = arith.index_cast %scan3A_574 : i32 to index
        %get3A_612 = arith.constant 112 : index
        %get3A_613 = tpu.vector_load %arg8[%get3A_611, %get3A_612] {strides = array<i32>} : memref<128x256xf32, #tpu.memory_space<vmem>>, vector<1x16xf32>,
        %get3A_614 = vector.shape_cast %get3A_613 : vector<1x16xf32> to vector<16xf32>
        %mul3A_615 = arith.mulf %get3A_614, %get3A_25 : vector<16xf32>
        %get3A_616 = arith.index_cast %scan3A_574 : i32 to index
        %get3A_617 = arith.constant 128 : index
        %get3A_618 = tpu.vector_load %arg8[%get3A_616, %get3A_617] {strides = array<i32>} : memref<128x256xf32, #tpu.memory_space<vmem>>, vector<1x16xf32>,
        %get3A_619 = vector.shape_cast %get3A_618 : vector<1x16xf32> to vector<16xf32>
        %mul3A_620 = arith.mulf %get3A_619, %get3A_28 : vector<16xf32>
        %get3A_621 = arith.index_cast %scan3A_574 : i32 to index
        %get3A_622 = arith.constant 144 : index
        %get3A_623 = tpu.vector_load %arg8[%get3A_621, %get3A_622] {strides = array<i32>} : memref<128x256xf32, #tpu.memory_space<vmem>>, vector<1x16xf32>,
        %get3A_624 = vector.shape_cast %get3A_623 : vector<1x16xf32> to vector<16xf32>
        %mul3A_625 = arith.mulf %get3A_624, %get3A_31 : vector<16xf32>
        %get3A_626 = arith.index_cast %scan3A_574 : i32 to index
        %get3A_627 = arith.constant 160 : index
        %get3A_628 = tpu.vector_load %arg8[%get3A_626, %get3A_627] {strides = array<i32>} : memref<128x256xf32, #tpu.memory_space<vmem>>, vector<1x16xf32>,
        %get3A_629 = vector.shape_cast %get3A_628 : vector<1x16xf32> to vector<16xf32>
        %mul3A_630 = arith.mulf %get3A_629, %get3A_34 : vector<16xf32>
        %get3A_631 = arith.index_cast %scan3A_574 : i32 to index
        %get3A_632 = arith.constant 176 : index
        %get3A_633 = tpu.vector_load %arg8[%get3A_631, %get3A_632] {strides = array<i32>} : memref<128x256xf32, #tpu.memory_space<vmem>>, vector<1x16xf32>,
        %get3A_634 = vector.shape_cast %get3A_633 : vector<1x16xf32> to vector<16xf32>
        %mul3A_635 = arith.mulf %get3A_634, %get3A_37 : vector<16xf32>
        %get3A_636 = arith.index_cast %scan3A_574 : i32 to index
        %get3A_637 = arith.constant 192 : index
        %get3A_638 = tpu.vector_load %arg8[%get3A_636, %get3A_637] {strides = array<i32>} : memref<128x256xf32, #tpu.memory_space<vmem>>, vector<1x16xf32>,
        %get3A_639 = vector.shape_cast %get3A_638 : vector<1x16xf32> to vector<16xf32>
        %mul3A_640 = arith.mulf %get3A_639, %get3A_40 : vector<16xf32>
        %get3A_641 = arith.index_cast %scan3A_574 : i32 to index
        %get3A_642 = arith.constant 208 : index
        %get3A_643 = tpu.vector_load %arg8[%get3A_641, %get3A_642] {strides = array<i32>} : memref<128x256xf32, #tpu.memory_space<vmem>>, vector<1x16xf32>,
        %get3A_644 = vector.shape_cast %get3A_643 : vector<1x16xf32> to vector<16xf32>
        %mul3A_645 = arith.mulf %get3A_644, %get3A_43 : vector<16xf32>
        %get3A_646 = arith.index_cast %scan3A_574 : i32 to index
        %get3A_647 = arith.constant 224 : index
        %get3A_648 = tpu.vector_load %arg8[%get3A_646, %get3A_647] {strides = array<i32>} : memref<128x256xf32, #tpu.memory_space<vmem>>, vector<1x16xf32>,
        %get3A_649 = vector.shape_cast %get3A_648 : vector<1x16xf32> to vector<16xf32>
        %mul3A_650 = arith.mulf %get3A_649, %get3A_46 : vector<16xf32>
        %get3A_651 = arith.index_cast %scan3A_574 : i32 to index
        %get3A_652 = arith.constant 240 : index
        %get3A_653 = tpu.vector_load %arg8[%get3A_651, %get3A_652] {strides = array<i32>} : memref<128x256xf32, #tpu.memory_space<vmem>>, vector<1x16xf32>,
        %get3A_654 = vector.shape_cast %get3A_653 : vector<1x16xf32> to vector<16xf32>
        %mul3A_655 = arith.mulf %get3A_654, %get3A_49 : vector<16xf32>
        %add3A_656 = arith.addf %mul3A_580, %mul3A_585 : vector<16xf32>
        %add3A_657 = arith.addf %mul3A_590, %mul3A_595 : vector<16xf32>
        %add3A_658 = arith.addf %mul3A_600, %mul3A_605 : vector<16xf32>
        %add3A_659 = arith.addf %mul3A_610, %mul3A_615 : vector<16xf32>
        %add3A_660 = arith.addf %mul3A_620, %mul3A_625 : vector<16xf32>
        %add3A_661 = arith.addf %mul3A_630, %mul3A_635 : vector<16xf32>
        %add3A_662 = arith.addf %mul3A_640, %mul3A_645 : vector<16xf32>
        %add3A_663 = arith.addf %mul3A_650, %mul3A_655 : vector<16xf32>
        %add3A_664 = arith.addf %add3A_656, %add3A_657 : vector<16xf32>
        %add3A_665 = arith.addf %add3A_658, %add3A_659 : vector<16xf32>
        %add3A_666 = arith.addf %add3A_660, %add3A_661 : vector<16xf32>
        %add3A_667 = arith.addf %add3A_662, %add3A_663 : vector<16xf32>
        %add3A_668 = arith.addf %add3A_664, %add3A_665 : vector<16xf32>
        %add3A_669 = arith.addf %add3A_666, %add3A_667 : vector<16xf32>
        %add3A_670 = arith.addf %add3A_668, %add3A_669 : vector<16xf32>
        %xor3A_671 = arith.constant 1 : i32
        %xor3A_672 = vector.broadcast %xor3A_671 : i32 to vector<16xi32>
        %xor3A_673 = arith.xori %iota3A, %xor3A_672 : vector<16xi32>
        %broadcast_in_dim3A_674 = vector.shape_cast %xor3A_673 : vector<16xi32> to vector<16x1xi32>
        %gather3A_675 = vector.shape_cast %broadcast_in_dim3A_674 : vector<16x1xi32> to vector<16xi32>
        %gather3A_676 = tpu.dynamic_gather %add3A_670[%gather3A_675] in [0] : vector<16xf32>, vector<16xi32> -> vector<16xf32>
        %add3A_677 = arith.addf %add3A_670, %gather3A_676 : vector<16xf32>
        %xor3A_678 = arith.constant 2 : i32
        %xor3A_679 = vector.broadcast %xor3A_678 : i32 to vector<16xi32>
        %xor3A_680 = arith.xori %iota3A, %xor3A_679 : vector<16xi32>
        %broadcast_in_dim3A_681 = vector.shape_cast %xor3A_680 : vector<16xi32> to vector<16x1xi32>
        %gather3A_682 = vector.shape_cast %broadcast_in_dim3A_681 : vector<16x1xi32> to vector<16xi32>
        %gather3A_683 = tpu.dynamic_gather %add3A_677[%gather3A_682] in [0] : vector<16xf32>, vector<16xi32> -> vector<16xf32>
        %add3A_684 = arith.addf %add3A_677, %gather3A_683 : vector<16xf32>
        %xor3A_685 = arith.constant 4 : i32
        %xor3A_686 = vector.broadcast %xor3A_685 : i32 to vector<16xi32>
        %xor3A_687 = arith.xori %iota3A, %xor3A_686 : vector<16xi32>
        %broadcast_in_dim3A_688 = vector.shape_cast %xor3A_687 : vector<16xi32> to vector<16x1xi32>
        %gather3A_689 = vector.shape_cast %broadcast_in_dim3A_688 : vector<16x1xi32> to vector<16xi32>
        %gather3A_690 = tpu.dynamic_gather %add3A_684[%gather3A_689] in [0] : vector<16xf32>, vector<16xi32> -> vector<16xf32>
        %add3A_691 = arith.addf %add3A_684, %gather3A_690 : vector<16xf32>
        %xor3A_692 = arith.constant 8 : i32
        %xor3A_693 = vector.broadcast %xor3A_692 : i32 to vector<16xi32>
        %xor3A_694 = arith.xori %iota3A, %xor3A_693 : vector<16xi32>
        %broadcast_in_dim3A_695 = vector.shape_cast %xor3A_694 : vector<16xi32> to vector<16x1xi32>
        %gather3A_696 = vector.shape_cast %broadcast_in_dim3A_695 : vector<16x1xi32> to vector<16xi32>
        %gather3A_697 = tpu.dynamic_gather %add3A_691[%gather3A_696] in [0] : vector<16xf32>, vector<16xi32> -> vector<16xf32>
        %add3A_698 = arith.addf %add3A_691, %gather3A_697 : vector<16xf32>
        %mul3A_699 = arith.constant 6.250000e-02 : f32
        %mul3A_700 = vector.broadcast %mul3A_699 : f32 to vector<16xf32>
        %mul3A_701 = arith.mulf %add3A_698, %mul3A_700 : vector<16xf32>
        %and3A = arith.constant 15 : i32
        %and3A_702 = arith.andi %scan3A_574, %and3A : i32
        %eq3A_703 = vector.broadcast %and3A_702 : i32 to vector<16xi32>
        %eq3A_704 = arith.cmpi eq, %iota3A, %eq3A_703 : vector<16xi32>
        %select_n3A_705 = arith.select %eq3A_704, %mul3A_701, %scan3A_575 : vector<16xi1>, vector<16xf32>
        %and3A_706 = arith.constant 15 : i32
        %and3A_707 = arith.andi %scan3A_574, %and3A_706 : i32
        %eq3A_708 = arith.constant 15 : i32
        %eq3A_709 = arith.cmpi eq, %and3A_707, %eq3A_708 : i32
        %convert_element_type3A_710 = arith.extui %eq3A_709 : i1 to i32
        %cond3A_711 = arith.constant 0 : i32
        %cond3A_712 = arith.cmpi ne, %convert_element_type3A_710, %cond3A_711 : i32
        scf.if %cond3A_712 {
          %and3A_1133 = arith.constant -16 : i32
          %and3A_1134 = arith.andi %scan3A_574, %and3A_1133 : i32
          %swap3A_1135 = arith.index_cast %and3A_1134 : i32 to index
          %swap3A_1136 = tpu.vector_load %arg9[%swap3A_1135] {strides = array<i32>} : memref<128xf32, #tpu.memory_space<vmem>>, vector<16xf32>,
          %swap3A_1137 = vector.shape_cast %swap3A_1136 : vector<16xf32> to vector<16xf32>
          %swap3A_1138 = vector.shape_cast %select_n3A_705 : vector<16xf32> to vector<16xf32>
          tpu.vector_store %arg9[%swap3A_1135], %swap3A_1138 {strides = array<i32>} : memref<128xf32, #tpu.memory_space<vmem>>, vector<16xf32>,
        } else {
        }
        %scan3A_713 = arith.constant 1 : i32
        %scan3A_714 = arith.addi %scan3A_574, %scan3A_713 : i32
        %get3A_715 = arith.index_cast %scan3A_714 : i32 to index
        %get3A_716 = arith.constant 0 : index
        %get3A_717 = tpu.vector_load %arg8[%get3A_715, %get3A_716] {strides = array<i32>} : memref<128x256xf32, #tpu.memory_space<vmem>>, vector<1x16xf32>,
        %get3A_718 = vector.shape_cast %get3A_717 : vector<1x16xf32> to vector<16xf32>
        %mul3A_719 = arith.mulf %get3A_718, %get3A_4 : vector<16xf32>
        %get3A_720 = arith.index_cast %scan3A_714 : i32 to index
        %get3A_721 = arith.constant 16 : index
        %get3A_722 = tpu.vector_load %arg8[%get3A_720, %get3A_721] {strides = array<i32>} : memref<128x256xf32, #tpu.memory_space<vmem>>, vector<1x16xf32>,
        %get3A_723 = vector.shape_cast %get3A_722 : vector<1x16xf32> to vector<16xf32>
        %mul3A_724 = arith.mulf %get3A_723, %get3A_7 : vector<16xf32>
        %get3A_725 = arith.index_cast %scan3A_714 : i32 to index
        %get3A_726 = arith.constant 32 : index
        %get3A_727 = tpu.vector_load %arg8[%get3A_725, %get3A_726] {strides = array<i32>} : memref<128x256xf32, #tpu.memory_space<vmem>>, vector<1x16xf32>,
        %get3A_728 = vector.shape_cast %get3A_727 : vector<1x16xf32> to vector<16xf32>
        %mul3A_729 = arith.mulf %get3A_728, %get3A_10 : vector<16xf32>
        %get3A_730 = arith.index_cast %scan3A_714 : i32 to index
        %get3A_731 = arith.constant 48 : index
        %get3A_732 = tpu.vector_load %arg8[%get3A_730, %get3A_731] {strides = array<i32>} : memref<128x256xf32, #tpu.memory_space<vmem>>, vector<1x16xf32>,
        %get3A_733 = vector.shape_cast %get3A_732 : vector<1x16xf32> to vector<16xf32>
        %mul3A_734 = arith.mulf %get3A_733, %get3A_13 : vector<16xf32>
        %get3A_735 = arith.index_cast %scan3A_714 : i32 to index
        %get3A_736 = arith.constant 64 : index
        %get3A_737 = tpu.vector_load %arg8[%get3A_735, %get3A_736] {strides = array<i32>} : memref<128x256xf32, #tpu.memory_space<vmem>>, vector<1x16xf32>,
        %get3A_738 = vector.shape_cast %get3A_737 : vector<1x16xf32> to vector<16xf32>
        %mul3A_739 = arith.mulf %get3A_738, %get3A_16 : vector<16xf32>
        %get3A_740 = arith.index_cast %scan3A_714 : i32 to index
        %get3A_741 = arith.constant 80 : index
        %get3A_742 = tpu.vector_load %arg8[%get3A_740, %get3A_741] {strides = array<i32>} : memref<128x256xf32, #tpu.memory_space<vmem>>, vector<1x16xf32>,
        %get3A_743 = vector.shape_cast %get3A_742 : vector<1x16xf32> to vector<16xf32>
        %mul3A_744 = arith.mulf %get3A_743, %get3A_19 : vector<16xf32>
        %get3A_745 = arith.index_cast %scan3A_714 : i32 to index
        %get3A_746 = arith.constant 96 : index
        %get3A_747 = tpu.vector_load %arg8[%get3A_745, %get3A_746] {strides = array<i32>} : memref<128x256xf32, #tpu.memory_space<vmem>>, vector<1x16xf32>,
        %get3A_748 = vector.shape_cast %get3A_747 : vector<1x16xf32> to vector<16xf32>
        %mul3A_749 = arith.mulf %get3A_748, %get3A_22 : vector<16xf32>
        %get3A_750 = arith.index_cast %scan3A_714 : i32 to index
        %get3A_751 = arith.constant 112 : index
        %get3A_752 = tpu.vector_load %arg8[%get3A_750, %get3A_751] {strides = array<i32>} : memref<128x256xf32, #tpu.memory_space<vmem>>, vector<1x16xf32>,
        %get3A_753 = vector.shape_cast %get3A_752 : vector<1x16xf32> to vector<16xf32>
        %mul3A_754 = arith.mulf %get3A_753, %get3A_25 : vector<16xf32>
        %get3A_755 = arith.index_cast %scan3A_714 : i32 to index
        %get3A_756 = arith.constant 128 : index
        %get3A_757 = tpu.vector_load %arg8[%get3A_755, %get3A_756] {strides = array<i32>} : memref<128x256xf32, #tpu.memory_space<vmem>>, vector<1x16xf32>,
        %get3A_758 = vector.shape_cast %get3A_757 : vector<1x16xf32> to vector<16xf32>
        %mul3A_759 = arith.mulf %get3A_758, %get3A_28 : vector<16xf32>
        %get3A_760 = arith.index_cast %scan3A_714 : i32 to index
        %get3A_761 = arith.constant 144 : index
        %get3A_762 = tpu.vector_load %arg8[%get3A_760, %get3A_761] {strides = array<i32>} : memref<128x256xf32, #tpu.memory_space<vmem>>, vector<1x16xf32>,
        %get3A_763 = vector.shape_cast %get3A_762 : vector<1x16xf32> to vector<16xf32>
        %mul3A_764 = arith.mulf %get3A_763, %get3A_31 : vector<16xf32>
        %get3A_765 = arith.index_cast %scan3A_714 : i32 to index
        %get3A_766 = arith.constant 160 : index
        %get3A_767 = tpu.vector_load %arg8[%get3A_765, %get3A_766] {strides = array<i32>} : memref<128x256xf32, #tpu.memory_space<vmem>>, vector<1x16xf32>,
        %get3A_768 = vector.shape_cast %get3A_767 : vector<1x16xf32> to vector<16xf32>
        %mul3A_769 = arith.mulf %get3A_768, %get3A_34 : vector<16xf32>
        %get3A_770 = arith.index_cast %scan3A_714 : i32 to index
        %get3A_771 = arith.constant 176 : index
        %get3A_772 = tpu.vector_load %arg8[%get3A_770, %get3A_771] {strides = array<i32>} : memref<128x256xf32, #tpu.memory_space<vmem>>, vector<1x16xf32>,
        %get3A_773 = vector.shape_cast %get3A_772 : vector<1x16xf32> to vector<16xf32>
        %mul3A_774 = arith.mulf %get3A_773, %get3A_37 : vector<16xf32>
        %get3A_775 = arith.index_cast %scan3A_714 : i32 to index
        %get3A_776 = arith.constant 192 : index
        %get3A_777 = tpu.vector_load %arg8[%get3A_775, %get3A_776] {strides = array<i32>} : memref<128x256xf32, #tpu.memory_space<vmem>>, vector<1x16xf32>,
        %get3A_778 = vector.shape_cast %get3A_777 : vector<1x16xf32> to vector<16xf32>
        %mul3A_779 = arith.mulf %get3A_778, %get3A_40 : vector<16xf32>
        %get3A_780 = arith.index_cast %scan3A_714 : i32 to index
        %get3A_781 = arith.constant 208 : index
        %get3A_782 = tpu.vector_load %arg8[%get3A_780, %get3A_781] {strides = array<i32>} : memref<128x256xf32, #tpu.memory_space<vmem>>, vector<1x16xf32>,
        %get3A_783 = vector.shape_cast %get3A_782 : vector<1x16xf32> to vector<16xf32>
        %mul3A_784 = arith.mulf %get3A_783, %get3A_43 : vector<16xf32>
        %get3A_785 = arith.index_cast %scan3A_714 : i32 to index
        %get3A_786 = arith.constant 224 : index
        %get3A_787 = tpu.vector_load %arg8[%get3A_785, %get3A_786] {strides = array<i32>} : memref<128x256xf32, #tpu.memory_space<vmem>>, vector<1x16xf32>,
        %get3A_788 = vector.shape_cast %get3A_787 : vector<1x16xf32> to vector<16xf32>
        %mul3A_789 = arith.mulf %get3A_788, %get3A_46 : vector<16xf32>
        %get3A_790 = arith.index_cast %scan3A_714 : i32 to index
        %get3A_791 = arith.constant 240 : index
        %get3A_792 = tpu.vector_load %arg8[%get3A_790, %get3A_791] {strides = array<i32>} : memref<128x256xf32, #tpu.memory_space<vmem>>, vector<1x16xf32>,
        %get3A_793 = vector.shape_cast %get3A_792 : vector<1x16xf32> to vector<16xf32>
        %mul3A_794 = arith.mulf %get3A_793, %get3A_49 : vector<16xf32>
        %add3A_795 = arith.addf %mul3A_719, %mul3A_724 : vector<16xf32>
        %add3A_796 = arith.addf %mul3A_729, %mul3A_734 : vector<16xf32>
        %add3A_797 = arith.addf %mul3A_739, %mul3A_744 : vector<16xf32>
        %add3A_798 = arith.addf %mul3A_749, %mul3A_754 : vector<16xf32>
        %add3A_799 = arith.addf %mul3A_759, %mul3A_764 : vector<16xf32>
        %add3A_800 = arith.addf %mul3A_769, %mul3A_774 : vector<16xf32>
        %add3A_801 = arith.addf %mul3A_779, %mul3A_784 : vector<16xf32>
        %add3A_802 = arith.addf %mul3A_789, %mul3A_794 : vector<16xf32>
        %add3A_803 = arith.addf %add3A_795, %add3A_796 : vector<16xf32>
        %add3A_804 = arith.addf %add3A_797, %add3A_798 : vector<16xf32>
        %add3A_805 = arith.addf %add3A_799, %add3A_800 : vector<16xf32>
        %add3A_806 = arith.addf %add3A_801, %add3A_802 : vector<16xf32>
        %add3A_807 = arith.addf %add3A_803, %add3A_804 : vector<16xf32>
        %add3A_808 = arith.addf %add3A_805, %add3A_806 : vector<16xf32>
        %add3A_809 = arith.addf %add3A_807, %add3A_808 : vector<16xf32>
        %xor3A_810 = arith.constant 1 : i32
        %xor3A_811 = vector.broadcast %xor3A_810 : i32 to vector<16xi32>
        %xor3A_812 = arith.xori %iota3A, %xor3A_811 : vector<16xi32>
        %broadcast_in_dim3A_813 = vector.shape_cast %xor3A_812 : vector<16xi32> to vector<16x1xi32>
        %gather3A_814 = vector.shape_cast %broadcast_in_dim3A_813 : vector<16x1xi32> to vector<16xi32>
        %gather3A_815 = tpu.dynamic_gather %add3A_809[%gather3A_814] in [0] : vector<16xf32>, vector<16xi32> -> vector<16xf32>
        %add3A_816 = arith.addf %add3A_809, %gather3A_815 : vector<16xf32>
        %xor3A_817 = arith.constant 2 : i32
        %xor3A_818 = vector.broadcast %xor3A_817 : i32 to vector<16xi32>
        %xor3A_819 = arith.xori %iota3A, %xor3A_818 : vector<16xi32>
        %broadcast_in_dim3A_820 = vector.shape_cast %xor3A_819 : vector<16xi32> to vector<16x1xi32>
        %gather3A_821 = vector.shape_cast %broadcast_in_dim3A_820 : vector<16x1xi32> to vector<16xi32>
        %gather3A_822 = tpu.dynamic_gather %add3A_816[%gather3A_821] in [0] : vector<16xf32>, vector<16xi32> -> vector<16xf32>
        %add3A_823 = arith.addf %add3A_816, %gather3A_822 : vector<16xf32>
        %xor3A_824 = arith.constant 4 : i32
        %xor3A_825 = vector.broadcast %xor3A_824 : i32 to vector<16xi32>
        %xor3A_826 = arith.xori %iota3A, %xor3A_825 : vector<16xi32>
        %broadcast_in_dim3A_827 = vector.shape_cast %xor3A_826 : vector<16xi32> to vector<16x1xi32>
        %gather3A_828 = vector.shape_cast %broadcast_in_dim3A_827 : vector<16x1xi32> to vector<16xi32>
        %gather3A_829 = tpu.dynamic_gather %add3A_823[%gather3A_828] in [0] : vector<16xf32>, vector<16xi32> -> vector<16xf32>
        %add3A_830 = arith.addf %add3A_823, %gather3A_829 : vector<16xf32>
        %xor3A_831 = arith.constant 8 : i32
        %xor3A_832 = vector.broadcast %xor3A_831 : i32 to vector<16xi32>
        %xor3A_833 = arith.xori %iota3A, %xor3A_832 : vector<16xi32>
        %broadcast_in_dim3A_834 = vector.shape_cast %xor3A_833 : vector<16xi32> to vector<16x1xi32>
        %gather3A_835 = vector.shape_cast %broadcast_in_dim3A_834 : vector<16x1xi32> to vector<16xi32>
        %gather3A_836 = tpu.dynamic_gather %add3A_830[%gather3A_835] in [0] : vector<16xf32>, vector<16xi32> -> vector<16xf32>
        %add3A_837 = arith.addf %add3A_830, %gather3A_836 : vector<16xf32>
        %mul3A_838 = arith.constant 6.250000e-02 : f32
        %mul3A_839 = vector.broadcast %mul3A_838 : f32 to vector<16xf32>
        %mul3A_840 = arith.mulf %add3A_837, %mul3A_839 : vector<16xf32>
        %and3A_841 = arith.constant 15 : i32
        %and3A_842 = arith.andi %scan3A_714, %and3A_841 : i32
        %eq3A_843 = vector.broadcast %and3A_842 : i32 to vector<16xi32>
        %eq3A_844 = arith.cmpi eq, %iota3A, %eq3A_843 : vector<16xi32>
        %select_n3A_845 = arith.select %eq3A_844, %mul3A_840, %select_n3A_705 : vector<16xi1>, vector<16xf32>
        %and3A_846 = arith.constant 15 : i32
        %and3A_847 = arith.andi %scan3A_714, %and3A_846 : i32
        %eq3A_848 = arith.constant 15 : i32
        %eq3A_849 = arith.cmpi eq, %and3A_847, %eq3A_848 : i32
        %convert_element_type3A_850 = arith.extui %eq3A_849 : i1 to i32
        %cond3A_851 = arith.constant 0 : i32
        %cond3A_852 = arith.cmpi ne, %convert_element_type3A_850, %cond3A_851 : i32
        scf.if %cond3A_852 {
          %and3A_1133 = arith.constant -16 : i32
          %and3A_1134 = arith.andi %scan3A_714, %and3A_1133 : i32
          %swap3A_1135 = arith.index_cast %and3A_1134 : i32 to index
          %swap3A_1136 = tpu.vector_load %arg9[%swap3A_1135] {strides = array<i32>} : memref<128xf32, #tpu.memory_space<vmem>>, vector<16xf32>,
          %swap3A_1137 = vector.shape_cast %swap3A_1136 : vector<16xf32> to vector<16xf32>
          %swap3A_1138 = vector.shape_cast %select_n3A_845 : vector<16xf32> to vector<16xf32>
          tpu.vector_store %arg9[%swap3A_1135], %swap3A_1138 {strides = array<i32>} : memref<128xf32, #tpu.memory_space<vmem>>, vector<16xf32>,
        } else {
        }
        %scan3A_853 = arith.constant 2 : i32
        %scan3A_854 = arith.addi %scan3A_574, %scan3A_853 : i32
        %get3A_855 = arith.index_cast %scan3A_854 : i32 to index
        %get3A_856 = arith.constant 0 : index
        %get3A_857 = tpu.vector_load %arg8[%get3A_855, %get3A_856] {strides = array<i32>} : memref<128x256xf32, #tpu.memory_space<vmem>>, vector<1x16xf32>,
        %get3A_858 = vector.shape_cast %get3A_857 : vector<1x16xf32> to vector<16xf32>
        %mul3A_859 = arith.mulf %get3A_858, %get3A_4 : vector<16xf32>
        %get3A_860 = arith.index_cast %scan3A_854 : i32 to index
        %get3A_861 = arith.constant 16 : index
        %get3A_862 = tpu.vector_load %arg8[%get3A_860, %get3A_861] {strides = array<i32>} : memref<128x256xf32, #tpu.memory_space<vmem>>, vector<1x16xf32>,
        %get3A_863 = vector.shape_cast %get3A_862 : vector<1x16xf32> to vector<16xf32>
        %mul3A_864 = arith.mulf %get3A_863, %get3A_7 : vector<16xf32>
        %get3A_865 = arith.index_cast %scan3A_854 : i32 to index
        %get3A_866 = arith.constant 32 : index
        %get3A_867 = tpu.vector_load %arg8[%get3A_865, %get3A_866] {strides = array<i32>} : memref<128x256xf32, #tpu.memory_space<vmem>>, vector<1x16xf32>,
        %get3A_868 = vector.shape_cast %get3A_867 : vector<1x16xf32> to vector<16xf32>
        %mul3A_869 = arith.mulf %get3A_868, %get3A_10 : vector<16xf32>
        %get3A_870 = arith.index_cast %scan3A_854 : i32 to index
        %get3A_871 = arith.constant 48 : index
        %get3A_872 = tpu.vector_load %arg8[%get3A_870, %get3A_871] {strides = array<i32>} : memref<128x256xf32, #tpu.memory_space<vmem>>, vector<1x16xf32>,
        %get3A_873 = vector.shape_cast %get3A_872 : vector<1x16xf32> to vector<16xf32>
        %mul3A_874 = arith.mulf %get3A_873, %get3A_13 : vector<16xf32>
        %get3A_875 = arith.index_cast %scan3A_854 : i32 to index
        %get3A_876 = arith.constant 64 : index
        %get3A_877 = tpu.vector_load %arg8[%get3A_875, %get3A_876] {strides = array<i32>} : memref<128x256xf32, #tpu.memory_space<vmem>>, vector<1x16xf32>,
        %get3A_878 = vector.shape_cast %get3A_877 : vector<1x16xf32> to vector<16xf32>
        %mul3A_879 = arith.mulf %get3A_878, %get3A_16 : vector<16xf32>
        %get3A_880 = arith.index_cast %scan3A_854 : i32 to index
        %get3A_881 = arith.constant 80 : index
        %get3A_882 = tpu.vector_load %arg8[%get3A_880, %get3A_881] {strides = array<i32>} : memref<128x256xf32, #tpu.memory_space<vmem>>, vector<1x16xf32>,
        %get3A_883 = vector.shape_cast %get3A_882 : vector<1x16xf32> to vector<16xf32>
        %mul3A_884 = arith.mulf %get3A_883, %get3A_19 : vector<16xf32>
        %get3A_885 = arith.index_cast %scan3A_854 : i32 to index
        %get3A_886 = arith.constant 96 : index
        %get3A_887 = tpu.vector_load %arg8[%get3A_885, %get3A_886] {strides = array<i32>} : memref<128x256xf32, #tpu.memory_space<vmem>>, vector<1x16xf32>,
        %get3A_888 = vector.shape_cast %get3A_887 : vector<1x16xf32> to vector<16xf32>
        %mul3A_889 = arith.mulf %get3A_888, %get3A_22 : vector<16xf32>
        %get3A_890 = arith.index_cast %scan3A_854 : i32 to index
        %get3A_891 = arith.constant 112 : index
        %get3A_892 = tpu.vector_load %arg8[%get3A_890, %get3A_891] {strides = array<i32>} : memref<128x256xf32, #tpu.memory_space<vmem>>, vector<1x16xf32>,
        %get3A_893 = vector.shape_cast %get3A_892 : vector<1x16xf32> to vector<16xf32>
        %mul3A_894 = arith.mulf %get3A_893, %get3A_25 : vector<16xf32>
        %get3A_895 = arith.index_cast %scan3A_854 : i32 to index
        %get3A_896 = arith.constant 128 : index
        %get3A_897 = tpu.vector_load %arg8[%get3A_895, %get3A_896] {strides = array<i32>} : memref<128x256xf32, #tpu.memory_space<vmem>>, vector<1x16xf32>,
        %get3A_898 = vector.shape_cast %get3A_897 : vector<1x16xf32> to vector<16xf32>
        %mul3A_899 = arith.mulf %get3A_898, %get3A_28 : vector<16xf32>
        %get3A_900 = arith.index_cast %scan3A_854 : i32 to index
        %get3A_901 = arith.constant 144 : index
        %get3A_902 = tpu.vector_load %arg8[%get3A_900, %get3A_901] {strides = array<i32>} : memref<128x256xf32, #tpu.memory_space<vmem>>, vector<1x16xf32>,
        %get3A_903 = vector.shape_cast %get3A_902 : vector<1x16xf32> to vector<16xf32>
        %mul3A_904 = arith.mulf %get3A_903, %get3A_31 : vector<16xf32>
        %get3A_905 = arith.index_cast %scan3A_854 : i32 to index
        %get3A_906 = arith.constant 160 : index
        %get3A_907 = tpu.vector_load %arg8[%get3A_905, %get3A_906] {strides = array<i32>} : memref<128x256xf32, #tpu.memory_space<vmem>>, vector<1x16xf32>,
        %get3A_908 = vector.shape_cast %get3A_907 : vector<1x16xf32> to vector<16xf32>
        %mul3A_909 = arith.mulf %get3A_908, %get3A_34 : vector<16xf32>
        %get3A_910 = arith.index_cast %scan3A_854 : i32 to index
        %get3A_911 = arith.constant 176 : index
        %get3A_912 = tpu.vector_load %arg8[%get3A_910, %get3A_911] {strides = array<i32>} : memref<128x256xf32, #tpu.memory_space<vmem>>, vector<1x16xf32>,
        %get3A_913 = vector.shape_cast %get3A_912 : vector<1x16xf32> to vector<16xf32>
        %mul3A_914 = arith.mulf %get3A_913, %get3A_37 : vector<16xf32>
        %get3A_915 = arith.index_cast %scan3A_854 : i32 to index
        %get3A_916 = arith.constant 192 : index
        %get3A_917 = tpu.vector_load %arg8[%get3A_915, %get3A_916] {strides = array<i32>} : memref<128x256xf32, #tpu.memory_space<vmem>>, vector<1x16xf32>,
        %get3A_918 = vector.shape_cast %get3A_917 : vector<1x16xf32> to vector<16xf32>
        %mul3A_919 = arith.mulf %get3A_918, %get3A_40 : vector<16xf32>
        %get3A_920 = arith.index_cast %scan3A_854 : i32 to index
        %get3A_921 = arith.constant 208 : index
        %get3A_922 = tpu.vector_load %arg8[%get3A_920, %get3A_921] {strides = array<i32>} : memref<128x256xf32, #tpu.memory_space<vmem>>, vector<1x16xf32>,
        %get3A_923 = vector.shape_cast %get3A_922 : vector<1x16xf32> to vector<16xf32>
        %mul3A_924 = arith.mulf %get3A_923, %get3A_43 : vector<16xf32>
        %get3A_925 = arith.index_cast %scan3A_854 : i32 to index
        %get3A_926 = arith.constant 224 : index
        %get3A_927 = tpu.vector_load %arg8[%get3A_925, %get3A_926] {strides = array<i32>} : memref<128x256xf32, #tpu.memory_space<vmem>>, vector<1x16xf32>,
        %get3A_928 = vector.shape_cast %get3A_927 : vector<1x16xf32> to vector<16xf32>
        %mul3A_929 = arith.mulf %get3A_928, %get3A_46 : vector<16xf32>
        %get3A_930 = arith.index_cast %scan3A_854 : i32 to index
        %get3A_931 = arith.constant 240 : index
        %get3A_932 = tpu.vector_load %arg8[%get3A_930, %get3A_931] {strides = array<i32>} : memref<128x256xf32, #tpu.memory_space<vmem>>, vector<1x16xf32>,
        %get3A_933 = vector.shape_cast %get3A_932 : vector<1x16xf32> to vector<16xf32>
        %mul3A_934 = arith.mulf %get3A_933, %get3A_49 : vector<16xf32>
        %add3A_935 = arith.addf %mul3A_859, %mul3A_864 : vector<16xf32>
        %add3A_936 = arith.addf %mul3A_869, %mul3A_874 : vector<16xf32>
        %add3A_937 = arith.addf %mul3A_879, %mul3A_884 : vector<16xf32>
        %add3A_938 = arith.addf %mul3A_889, %mul3A_894 : vector<16xf32>
        %add3A_939 = arith.addf %mul3A_899, %mul3A_904 : vector<16xf32>
        %add3A_940 = arith.addf %mul3A_909, %mul3A_914 : vector<16xf32>
        %add3A_941 = arith.addf %mul3A_919, %mul3A_924 : vector<16xf32>
        %add3A_942 = arith.addf %mul3A_929, %mul3A_934 : vector<16xf32>
        %add3A_943 = arith.addf %add3A_935, %add3A_936 : vector<16xf32>
        %add3A_944 = arith.addf %add3A_937, %add3A_938 : vector<16xf32>
        %add3A_945 = arith.addf %add3A_939, %add3A_940 : vector<16xf32>
        %add3A_946 = arith.addf %add3A_941, %add3A_942 : vector<16xf32>
        %add3A_947 = arith.addf %add3A_943, %add3A_944 : vector<16xf32>
        %add3A_948 = arith.addf %add3A_945, %add3A_946 : vector<16xf32>
        %add3A_949 = arith.addf %add3A_947, %add3A_948 : vector<16xf32>
        %xor3A_950 = arith.constant 1 : i32
        %xor3A_951 = vector.broadcast %xor3A_950 : i32 to vector<16xi32>
        %xor3A_952 = arith.xori %iota3A, %xor3A_951 : vector<16xi32>
        %broadcast_in_dim3A_953 = vector.shape_cast %xor3A_952 : vector<16xi32> to vector<16x1xi32>
        %gather3A_954 = vector.shape_cast %broadcast_in_dim3A_953 : vector<16x1xi32> to vector<16xi32>
        %gather3A_955 = tpu.dynamic_gather %add3A_949[%gather3A_954] in [0] : vector<16xf32>, vector<16xi32> -> vector<16xf32>
        %add3A_956 = arith.addf %add3A_949, %gather3A_955 : vector<16xf32>
        %xor3A_957 = arith.constant 2 : i32
        %xor3A_958 = vector.broadcast %xor3A_957 : i32 to vector<16xi32>
        %xor3A_959 = arith.xori %iota3A, %xor3A_958 : vector<16xi32>
        %broadcast_in_dim3A_960 = vector.shape_cast %xor3A_959 : vector<16xi32> to vector<16x1xi32>
        %gather3A_961 = vector.shape_cast %broadcast_in_dim3A_960 : vector<16x1xi32> to vector<16xi32>
        %gather3A_962 = tpu.dynamic_gather %add3A_956[%gather3A_961] in [0] : vector<16xf32>, vector<16xi32> -> vector<16xf32>
        %add3A_963 = arith.addf %add3A_956, %gather3A_962 : vector<16xf32>
        %xor3A_964 = arith.constant 4 : i32
        %xor3A_965 = vector.broadcast %xor3A_964 : i32 to vector<16xi32>
        %xor3A_966 = arith.xori %iota3A, %xor3A_965 : vector<16xi32>
        %broadcast_in_dim3A_967 = vector.shape_cast %xor3A_966 : vector<16xi32> to vector<16x1xi32>
        %gather3A_968 = vector.shape_cast %broadcast_in_dim3A_967 : vector<16x1xi32> to vector<16xi32>
        %gather3A_969 = tpu.dynamic_gather %add3A_963[%gather3A_968] in [0] : vector<16xf32>, vector<16xi32> -> vector<16xf32>
        %add3A_970 = arith.addf %add3A_963, %gather3A_969 : vector<16xf32>
        %xor3A_971 = arith.constant 8 : i32
        %xor3A_972 = vector.broadcast %xor3A_971 : i32 to vector<16xi32>
        %xor3A_973 = arith.xori %iota3A, %xor3A_972 : vector<16xi32>
        %broadcast_in_dim3A_974 = vector.shape_cast %xor3A_973 : vector<16xi32> to vector<16x1xi32>
        %gather3A_975 = vector.shape_cast %broadcast_in_dim3A_974 : vector<16x1xi32> to vector<16xi32>
        %gather3A_976 = tpu.dynamic_gather %add3A_970[%gather3A_975] in [0] : vector<16xf32>, vector<16xi32> -> vector<16xf32>
        %add3A_977 = arith.addf %add3A_970, %gather3A_976 : vector<16xf32>
        %mul3A_978 = arith.constant 6.250000e-02 : f32
        %mul3A_979 = vector.broadcast %mul3A_978 : f32 to vector<16xf32>
        %mul3A_980 = arith.mulf %add3A_977, %mul3A_979 : vector<16xf32>
        %and3A_981 = arith.constant 15 : i32
        %and3A_982 = arith.andi %scan3A_854, %and3A_981 : i32
        %eq3A_983 = vector.broadcast %and3A_982 : i32 to vector<16xi32>
        %eq3A_984 = arith.cmpi eq, %iota3A, %eq3A_983 : vector<16xi32>
        %select_n3A_985 = arith.select %eq3A_984, %mul3A_980, %select_n3A_845 : vector<16xi1>, vector<16xf32>
        %and3A_986 = arith.constant 15 : i32
        %and3A_987 = arith.andi %scan3A_854, %and3A_986 : i32
        %eq3A_988 = arith.constant 15 : i32
        %eq3A_989 = arith.cmpi eq, %and3A_987, %eq3A_988 : i32
        %convert_element_type3A_990 = arith.extui %eq3A_989 : i1 to i32
        %cond3A_991 = arith.constant 0 : i32
        %cond3A_992 = arith.cmpi ne, %convert_element_type3A_990, %cond3A_991 : i32
        scf.if %cond3A_992 {
          %and3A_1133 = arith.constant -16 : i32
          %and3A_1134 = arith.andi %scan3A_854, %and3A_1133 : i32
          %swap3A_1135 = arith.index_cast %and3A_1134 : i32 to index
          %swap3A_1136 = tpu.vector_load %arg9[%swap3A_1135] {strides = array<i32>} : memref<128xf32, #tpu.memory_space<vmem>>, vector<16xf32>,
          %swap3A_1137 = vector.shape_cast %swap3A_1136 : vector<16xf32> to vector<16xf32>
          %swap3A_1138 = vector.shape_cast %select_n3A_985 : vector<16xf32> to vector<16xf32>
          tpu.vector_store %arg9[%swap3A_1135], %swap3A_1138 {strides = array<i32>} : memref<128xf32, #tpu.memory_space<vmem>>, vector<16xf32>,
        } else {
        }
        %scan3A_993 = arith.constant 3 : i32
        %scan3A_994 = arith.addi %scan3A_574, %scan3A_993 : i32
        %get3A_995 = arith.index_cast %scan3A_994 : i32 to index
        %get3A_996 = arith.constant 0 : index
        %get3A_997 = tpu.vector_load %arg8[%get3A_995, %get3A_996] {strides = array<i32>} : memref<128x256xf32, #tpu.memory_space<vmem>>, vector<1x16xf32>,
        %get3A_998 = vector.shape_cast %get3A_997 : vector<1x16xf32> to vector<16xf32>
        %mul3A_999 = arith.mulf %get3A_998, %get3A_4 : vector<16xf32>
        %get3A_1000 = arith.index_cast %scan3A_994 : i32 to index
        %get3A_1001 = arith.constant 16 : index
        %get3A_1002 = tpu.vector_load %arg8[%get3A_1000, %get3A_1001] {strides = array<i32>} : memref<128x256xf32, #tpu.memory_space<vmem>>, vector<1x16xf32>,
        %get3A_1003 = vector.shape_cast %get3A_1002 : vector<1x16xf32> to vector<16xf32>
        %mul3A_1004 = arith.mulf %get3A_1003, %get3A_7 : vector<16xf32>
        %get3A_1005 = arith.index_cast %scan3A_994 : i32 to index
        %get3A_1006 = arith.constant 32 : index
        %get3A_1007 = tpu.vector_load %arg8[%get3A_1005, %get3A_1006] {strides = array<i32>} : memref<128x256xf32, #tpu.memory_space<vmem>>, vector<1x16xf32>,
        %get3A_1008 = vector.shape_cast %get3A_1007 : vector<1x16xf32> to vector<16xf32>
        %mul3A_1009 = arith.mulf %get3A_1008, %get3A_10 : vector<16xf32>
        %get3A_1010 = arith.index_cast %scan3A_994 : i32 to index
        %get3A_1011 = arith.constant 48 : index
        %get3A_1012 = tpu.vector_load %arg8[%get3A_1010, %get3A_1011] {strides = array<i32>} : memref<128x256xf32, #tpu.memory_space<vmem>>, vector<1x16xf32>,
        %get3A_1013 = vector.shape_cast %get3A_1012 : vector<1x16xf32> to vector<16xf32>
        %mul3A_1014 = arith.mulf %get3A_1013, %get3A_13 : vector<16xf32>
        %get3A_1015 = arith.index_cast %scan3A_994 : i32 to index
        %get3A_1016 = arith.constant 64 : index
        %get3A_1017 = tpu.vector_load %arg8[%get3A_1015, %get3A_1016] {strides = array<i32>} : memref<128x256xf32, #tpu.memory_space<vmem>>, vector<1x16xf32>,
        %get3A_1018 = vector.shape_cast %get3A_1017 : vector<1x16xf32> to vector<16xf32>
        %mul3A_1019 = arith.mulf %get3A_1018, %get3A_16 : vector<16xf32>
        %get3A_1020 = arith.index_cast %scan3A_994 : i32 to index
        %get3A_1021 = arith.constant 80 : index
        %get3A_1022 = tpu.vector_load %arg8[%get3A_1020, %get3A_1021] {strides = array<i32>} : memref<128x256xf32, #tpu.memory_space<vmem>>, vector<1x16xf32>,
        %get3A_1023 = vector.shape_cast %get3A_1022 : vector<1x16xf32> to vector<16xf32>
        %mul3A_1024 = arith.mulf %get3A_1023, %get3A_19 : vector<16xf32>
        %get3A_1025 = arith.index_cast %scan3A_994 : i32 to index
        %get3A_1026 = arith.constant 96 : index
        %get3A_1027 = tpu.vector_load %arg8[%get3A_1025, %get3A_1026] {strides = array<i32>} : memref<128x256xf32, #tpu.memory_space<vmem>>, vector<1x16xf32>,
        %get3A_1028 = vector.shape_cast %get3A_1027 : vector<1x16xf32> to vector<16xf32>
        %mul3A_1029 = arith.mulf %get3A_1028, %get3A_22 : vector<16xf32>
        %get3A_1030 = arith.index_cast %scan3A_994 : i32 to index
        %get3A_1031 = arith.constant 112 : index
        %get3A_1032 = tpu.vector_load %arg8[%get3A_1030, %get3A_1031] {strides = array<i32>} : memref<128x256xf32, #tpu.memory_space<vmem>>, vector<1x16xf32>,
        %get3A_1033 = vector.shape_cast %get3A_1032 : vector<1x16xf32> to vector<16xf32>
        %mul3A_1034 = arith.mulf %get3A_1033, %get3A_25 : vector<16xf32>
        %get3A_1035 = arith.index_cast %scan3A_994 : i32 to index
        %get3A_1036 = arith.constant 128 : index
        %get3A_1037 = tpu.vector_load %arg8[%get3A_1035, %get3A_1036] {strides = array<i32>} : memref<128x256xf32, #tpu.memory_space<vmem>>, vector<1x16xf32>,
        %get3A_1038 = vector.shape_cast %get3A_1037 : vector<1x16xf32> to vector<16xf32>
        %mul3A_1039 = arith.mulf %get3A_1038, %get3A_28 : vector<16xf32>
        %get3A_1040 = arith.index_cast %scan3A_994 : i32 to index
        %get3A_1041 = arith.constant 144 : index
        %get3A_1042 = tpu.vector_load %arg8[%get3A_1040, %get3A_1041] {strides = array<i32>} : memref<128x256xf32, #tpu.memory_space<vmem>>, vector<1x16xf32>,
        %get3A_1043 = vector.shape_cast %get3A_1042 : vector<1x16xf32> to vector<16xf32>
        %mul3A_1044 = arith.mulf %get3A_1043, %get3A_31 : vector<16xf32>
        %get3A_1045 = arith.index_cast %scan3A_994 : i32 to index
        %get3A_1046 = arith.constant 160 : index
        %get3A_1047 = tpu.vector_load %arg8[%get3A_1045, %get3A_1046] {strides = array<i32>} : memref<128x256xf32, #tpu.memory_space<vmem>>, vector<1x16xf32>,
        %get3A_1048 = vector.shape_cast %get3A_1047 : vector<1x16xf32> to vector<16xf32>
        %mul3A_1049 = arith.mulf %get3A_1048, %get3A_34 : vector<16xf32>
        %get3A_1050 = arith.index_cast %scan3A_994 : i32 to index
        %get3A_1051 = arith.constant 176 : index
        %get3A_1052 = tpu.vector_load %arg8[%get3A_1050, %get3A_1051] {strides = array<i32>} : memref<128x256xf32, #tpu.memory_space<vmem>>, vector<1x16xf32>,
        %get3A_1053 = vector.shape_cast %get3A_1052 : vector<1x16xf32> to vector<16xf32>
        %mul3A_1054 = arith.mulf %get3A_1053, %get3A_37 : vector<16xf32>
        %get3A_1055 = arith.index_cast %scan3A_994 : i32 to index
        %get3A_1056 = arith.constant 192 : index
        %get3A_1057 = tpu.vector_load %arg8[%get3A_1055, %get3A_1056] {strides = array<i32>} : memref<128x256xf32, #tpu.memory_space<vmem>>, vector<1x16xf32>,
        %get3A_1058 = vector.shape_cast %get3A_1057 : vector<1x16xf32> to vector<16xf32>
        %mul3A_1059 = arith.mulf %get3A_1058, %get3A_40 : vector<16xf32>
        %get3A_1060 = arith.index_cast %scan3A_994 : i32 to index
        %get3A_1061 = arith.constant 208 : index
        %get3A_1062 = tpu.vector_load %arg8[%get3A_1060, %get3A_1061] {strides = array<i32>} : memref<128x256xf32, #tpu.memory_space<vmem>>, vector<1x16xf32>,
        %get3A_1063 = vector.shape_cast %get3A_1062 : vector<1x16xf32> to vector<16xf32>
        %mul3A_1064 = arith.mulf %get3A_1063, %get3A_43 : vector<16xf32>
        %get3A_1065 = arith.index_cast %scan3A_994 : i32 to index
        %get3A_1066 = arith.constant 224 : index
        %get3A_1067 = tpu.vector_load %arg8[%get3A_1065, %get3A_1066] {strides = array<i32>} : memref<128x256xf32, #tpu.memory_space<vmem>>, vector<1x16xf32>,
        %get3A_1068 = vector.shape_cast %get3A_1067 : vector<1x16xf32> to vector<16xf32>
        %mul3A_1069 = arith.mulf %get3A_1068, %get3A_46 : vector<16xf32>
        %get3A_1070 = arith.index_cast %scan3A_994 : i32 to index
        %get3A_1071 = arith.constant 240 : index
        %get3A_1072 = tpu.vector_load %arg8[%get3A_1070, %get3A_1071] {strides = array<i32>} : memref<128x256xf32, #tpu.memory_space<vmem>>, vector<1x16xf32>,
        %get3A_1073 = vector.shape_cast %get3A_1072 : vector<1x16xf32> to vector<16xf32>
        %mul3A_1074 = arith.mulf %get3A_1073, %get3A_49 : vector<16xf32>
        %add3A_1075 = arith.addf %mul3A_999, %mul3A_1004 : vector<16xf32>
        %add3A_1076 = arith.addf %mul3A_1009, %mul3A_1014 : vector<16xf32>
        %add3A_1077 = arith.addf %mul3A_1019, %mul3A_1024 : vector<16xf32>
        %add3A_1078 = arith.addf %mul3A_1029, %mul3A_1034 : vector<16xf32>
        %add3A_1079 = arith.addf %mul3A_1039, %mul3A_1044 : vector<16xf32>
        %add3A_1080 = arith.addf %mul3A_1049, %mul3A_1054 : vector<16xf32>
        %add3A_1081 = arith.addf %mul3A_1059, %mul3A_1064 : vector<16xf32>
        %add3A_1082 = arith.addf %mul3A_1069, %mul3A_1074 : vector<16xf32>
        %add3A_1083 = arith.addf %add3A_1075, %add3A_1076 : vector<16xf32>
        %add3A_1084 = arith.addf %add3A_1077, %add3A_1078 : vector<16xf32>
        %add3A_1085 = arith.addf %add3A_1079, %add3A_1080 : vector<16xf32>
        %add3A_1086 = arith.addf %add3A_1081, %add3A_1082 : vector<16xf32>
        %add3A_1087 = arith.addf %add3A_1083, %add3A_1084 : vector<16xf32>
        %add3A_1088 = arith.addf %add3A_1085, %add3A_1086 : vector<16xf32>
        %add3A_1089 = arith.addf %add3A_1087, %add3A_1088 : vector<16xf32>
        %xor3A_1090 = arith.constant 1 : i32
        %xor3A_1091 = vector.broadcast %xor3A_1090 : i32 to vector<16xi32>
        %xor3A_1092 = arith.xori %iota3A, %xor3A_1091 : vector<16xi32>
        %broadcast_in_dim3A_1093 = vector.shape_cast %xor3A_1092 : vector<16xi32> to vector<16x1xi32>
        %gather3A_1094 = vector.shape_cast %broadcast_in_dim3A_1093 : vector<16x1xi32> to vector<16xi32>
        %gather3A_1095 = tpu.dynamic_gather %add3A_1089[%gather3A_1094] in [0] : vector<16xf32>, vector<16xi32> -> vector<16xf32>
        %add3A_1096 = arith.addf %add3A_1089, %gather3A_1095 : vector<16xf32>
        %xor3A_1097 = arith.constant 2 : i32
        %xor3A_1098 = vector.broadcast %xor3A_1097 : i32 to vector<16xi32>
        %xor3A_1099 = arith.xori %iota3A, %xor3A_1098 : vector<16xi32>
        %broadcast_in_dim3A_1100 = vector.shape_cast %xor3A_1099 : vector<16xi32> to vector<16x1xi32>
        %gather3A_1101 = vector.shape_cast %broadcast_in_dim3A_1100 : vector<16x1xi32> to vector<16xi32>
        %gather3A_1102 = tpu.dynamic_gather %add3A_1096[%gather3A_1101] in [0] : vector<16xf32>, vector<16xi32> -> vector<16xf32>
        %add3A_1103 = arith.addf %add3A_1096, %gather3A_1102 : vector<16xf32>
        %xor3A_1104 = arith.constant 4 : i32
        %xor3A_1105 = vector.broadcast %xor3A_1104 : i32 to vector<16xi32>
        %xor3A_1106 = arith.xori %iota3A, %xor3A_1105 : vector<16xi32>
        %broadcast_in_dim3A_1107 = vector.shape_cast %xor3A_1106 : vector<16xi32> to vector<16x1xi32>
        %gather3A_1108 = vector.shape_cast %broadcast_in_dim3A_1107 : vector<16x1xi32> to vector<16xi32>
        %gather3A_1109 = tpu.dynamic_gather %add3A_1103[%gather3A_1108] in [0] : vector<16xf32>, vector<16xi32> -> vector<16xf32>
        %add3A_1110 = arith.addf %add3A_1103, %gather3A_1109 : vector<16xf32>
        %xor3A_1111 = arith.constant 8 : i32
        %xor3A_1112 = vector.broadcast %xor3A_1111 : i32 to vector<16xi32>
        %xor3A_1113 = arith.xori %iota3A, %xor3A_1112 : vector<16xi32>
        %broadcast_in_dim3A_1114 = vector.shape_cast %xor3A_1113 : vector<16xi32> to vector<16x1xi32>
        %gather3A_1115 = vector.shape_cast %broadcast_in_dim3A_1114 : vector<16x1xi32> to vector<16xi32>
        %gather3A_1116 = tpu.dynamic_gather %add3A_1110[%gather3A_1115] in [0] : vector<16xf32>, vector<16xi32> -> vector<16xf32>
        %add3A_1117 = arith.addf %add3A_1110, %gather3A_1116 : vector<16xf32>
        %mul3A_1118 = arith.constant 6.250000e-02 : f32
        %mul3A_1119 = vector.broadcast %mul3A_1118 : f32 to vector<16xf32>
        %mul3A_1120 = arith.mulf %add3A_1117, %mul3A_1119 : vector<16xf32>
        %and3A_1121 = arith.constant 15 : i32
        %and3A_1122 = arith.andi %scan3A_994, %and3A_1121 : i32
        %eq3A_1123 = vector.broadcast %and3A_1122 : i32 to vector<16xi32>
        %eq3A_1124 = arith.cmpi eq, %iota3A, %eq3A_1123 : vector<16xi32>
        %select_n3A_1125 = arith.select %eq3A_1124, %mul3A_1120, %select_n3A_985 : vector<16xi1>, vector<16xf32>
        %and3A_1126 = arith.constant 15 : i32
        %and3A_1127 = arith.andi %scan3A_994, %and3A_1126 : i32
        %eq3A_1128 = arith.constant 15 : i32
        %eq3A_1129 = arith.cmpi eq, %and3A_1127, %eq3A_1128 : i32
        %convert_element_type3A_1130 = arith.extui %eq3A_1129 : i1 to i32
        %cond3A_1131 = arith.constant 0 : i32
        %cond3A_1132 = arith.cmpi ne, %convert_element_type3A_1130, %cond3A_1131 : i32
        scf.if %cond3A_1132 {
          %and3A_1133 = arith.constant -16 : i32
          %and3A_1134 = arith.andi %scan3A_994, %and3A_1133 : i32
          %swap3A_1135 = arith.index_cast %and3A_1134 : i32 to index
          %swap3A_1136 = tpu.vector_load %arg9[%swap3A_1135] {strides = array<i32>} : memref<128xf32, #tpu.memory_space<vmem>>, vector<16xf32>,
          %swap3A_1137 = vector.shape_cast %swap3A_1136 : vector<16xf32> to vector<16xf32>
          %swap3A_1138 = vector.shape_cast %select_n3A_1125 : vector<16xf32> to vector<16xf32>
          tpu.vector_store %arg9[%swap3A_1135], %swap3A_1138 {strides = array<i32>} : memref<128xf32, #tpu.memory_space<vmem>>, vector<16xf32>,
        } else {
        }
        scf.yield %select_n3A_1125 : vector<16xf32>
      }
      %scan3A_401 = arith.constant 128 : i32
      %get3A_402 = arith.constant 0 : index
      %get3A_403 = tpu.vector_load %arg9[%get3A_402] {strides = array<i32>} : memref<128xf32, #tpu.memory_space<vmem>>, vector<16xf32>,
      %get3A_404 = vector.shape_cast %get3A_403 : vector<16xf32> to vector<16xf32>
      %get3A_405 = arith.constant 16 : index
      %get3A_406 = tpu.vector_load %arg9[%get3A_405] {strides = array<i32>} : memref<128xf32, #tpu.memory_space<vmem>>, vector<16xf32>,
      %get3A_407 = vector.shape_cast %get3A_406 : vector<16xf32> to vector<16xf32>
      %get3A_408 = arith.constant 32 : index
      %get3A_409 = tpu.vector_load %arg9[%get3A_408] {strides = array<i32>} : memref<128xf32, #tpu.memory_space<vmem>>, vector<16xf32>,
      %get3A_410 = vector.shape_cast %get3A_409 : vector<16xf32> to vector<16xf32>
      %get3A_411 = arith.constant 48 : index
      %get3A_412 = tpu.vector_load %arg9[%get3A_411] {strides = array<i32>} : memref<128xf32, #tpu.memory_space<vmem>>, vector<16xf32>,
      %get3A_413 = vector.shape_cast %get3A_412 : vector<16xf32> to vector<16xf32>
      %get3A_414 = arith.constant 64 : index
      %get3A_415 = tpu.vector_load %arg9[%get3A_414] {strides = array<i32>} : memref<128xf32, #tpu.memory_space<vmem>>, vector<16xf32>,
      %get3A_416 = vector.shape_cast %get3A_415 : vector<16xf32> to vector<16xf32>
      %get3A_417 = arith.constant 80 : index
      %get3A_418 = tpu.vector_load %arg9[%get3A_417] {strides = array<i32>} : memref<128xf32, #tpu.memory_space<vmem>>, vector<16xf32>,
      %get3A_419 = vector.shape_cast %get3A_418 : vector<16xf32> to vector<16xf32>
      %get3A_420 = arith.constant 96 : index
      %get3A_421 = tpu.vector_load %arg9[%get3A_420] {strides = array<i32>} : memref<128xf32, #tpu.memory_space<vmem>>, vector<16xf32>,
      %get3A_422 = vector.shape_cast %get3A_421 : vector<16xf32> to vector<16xf32>
      %get3A_423 = arith.constant 112 : index
      %get3A_424 = tpu.vector_load %arg9[%get3A_423] {strides = array<i32>} : memref<128xf32, #tpu.memory_space<vmem>>, vector<16xf32>,
      %get3A_425 = vector.shape_cast %get3A_424 : vector<16xf32> to vector<16xf32>
      %max3A_426 = arith.maximumf %get3A_404, %get3A_407 : vector<16xf32>
      %max3A_427 = arith.maximumf %max3A_426, %get3A_410 : vector<16xf32>
      %max3A_428 = arith.maximumf %max3A_427, %get3A_413 : vector<16xf32>
      %max3A_429 = arith.maximumf %max3A_428, %get3A_416 : vector<16xf32>
      %max3A_430 = arith.maximumf %max3A_429, %get3A_419 : vector<16xf32>
      %max3A_431 = arith.maximumf %max3A_430, %get3A_422 : vector<16xf32>
      %max3A_432 = arith.maximumf %max3A_431, %get3A_425 : vector<16xf32>
      %xor3A_433 = arith.constant 1 : i32
      %xor3A_434 = vector.broadcast %xor3A_433 : i32 to vector<16xi32>
      %xor3A_435 = arith.xori %iota3A, %xor3A_434 : vector<16xi32>
      %broadcast_in_dim3A_436 = vector.shape_cast %xor3A_435 : vector<16xi32> to vector<16x1xi32>
      %gather3A_437 = vector.shape_cast %broadcast_in_dim3A_436 : vector<16x1xi32> to vector<16xi32>
      %gather3A_438 = tpu.dynamic_gather %max3A_432[%gather3A_437] in [0] : vector<16xf32>, vector<16xi32> -> vector<16xf32>
      %max3A_439 = arith.maximumf %max3A_432, %gather3A_438 : vector<16xf32>
      %xor3A_440 = arith.constant 2 : i32
      %xor3A_441 = vector.broadcast %xor3A_440 : i32 to vector<16xi32>
      %xor3A_442 = arith.xori %iota3A, %xor3A_441 : vector<16xi32>
      %broadcast_in_dim3A_443 = vector.shape_cast %xor3A_442 : vector<16xi32> to vector<16x1xi32>
      %gather3A_444 = vector.shape_cast %broadcast_in_dim3A_443 : vector<16x1xi32> to vector<16xi32>
      %gather3A_445 = tpu.dynamic_gather %max3A_439[%gather3A_444] in [0] : vector<16xf32>, vector<16xi32> -> vector<16xf32>
      %max3A_446 = arith.maximumf %max3A_439, %gather3A_445 : vector<16xf32>
      %xor3A_447 = arith.constant 4 : i32
      %xor3A_448 = vector.broadcast %xor3A_447 : i32 to vector<16xi32>
      %xor3A_449 = arith.xori %iota3A, %xor3A_448 : vector<16xi32>
      %broadcast_in_dim3A_450 = vector.shape_cast %xor3A_449 : vector<16xi32> to vector<16x1xi32>
      %gather3A_451 = vector.shape_cast %broadcast_in_dim3A_450 : vector<16x1xi32> to vector<16xi32>
      %gather3A_452 = tpu.dynamic_gather %max3A_446[%gather3A_451] in [0] : vector<16xf32>, vector<16xi32> -> vector<16xf32>
      %max3A_453 = arith.maximumf %max3A_446, %gather3A_452 : vector<16xf32>
      %xor3A_454 = arith.constant 8 : i32
      %xor3A_455 = vector.broadcast %xor3A_454 : i32 to vector<16xi32>
      %xor3A_456 = arith.xori %iota3A, %xor3A_455 : vector<16xi32>
      %broadcast_in_dim3A_457 = vector.shape_cast %xor3A_456 : vector<16xi32> to vector<16x1xi32>
      %gather3A_458 = vector.shape_cast %broadcast_in_dim3A_457 : vector<16x1xi32> to vector<16xi32>
      %gather3A_459 = tpu.dynamic_gather %max3A_453[%gather3A_458] in [0] : vector<16xf32>, vector<16xi32> -> vector<16xf32>
      %max3A_460 = arith.maximumf %max3A_453, %gather3A_459 : vector<16xf32>
      %max3A_461 = arith.maximumf %max3A_270, %max3A_460 : vector<16xf32>
      %sub3A_462 = arith.subf %max3A_270, %max3A_461 : vector<16xf32>
      %exp3A_463 = math.exp %sub3A_462 : vector<16xf32>
      %broadcast_in_dim3A_464 = arith.constant 0.000000e+00 : f32
      %broadcast_in_dim3A_465 = vector.broadcast %broadcast_in_dim3A_464 : f32 to vector<16xf32>
      %sub3A_466 = arith.subf %get3A_404, %max3A_461 : vector<16xf32>
      %exp3A_467 = math.exp %sub3A_466 : vector<16xf32>
      %swap3A_468 = arith.constant 0 : index
      %swap3A_469 = tpu.vector_load %arg9[%swap3A_468] {strides = array<i32>} : memref<128xf32, #tpu.memory_space<vmem>>, vector<16xf32>,
      %swap3A_470 = vector.shape_cast %swap3A_469 : vector<16xf32> to vector<16xf32>
      %swap3A_471 = vector.shape_cast %exp3A_467 : vector<16xf32> to vector<16xf32>
      tpu.vector_store %arg9[%swap3A_468], %swap3A_471 {strides = array<i32>} : memref<128xf32, #tpu.memory_space<vmem>>, vector<16xf32>,
      %add3A_472 = arith.addf %broadcast_in_dim3A_465, %exp3A_467 : vector<16xf32>
      %sub3A_473 = arith.subf %get3A_407, %max3A_461 : vector<16xf32>
      %exp3A_474 = math.exp %sub3A_473 : vector<16xf32>
      %swap3A_475 = arith.constant 16 : index
      %swap3A_476 = tpu.vector_load %arg9[%swap3A_475] {strides = array<i32>} : memref<128xf32, #tpu.memory_space<vmem>>, vector<16xf32>,
      %swap3A_477 = vector.shape_cast %swap3A_476 : vector<16xf32> to vector<16xf32>
      %swap3A_478 = vector.shape_cast %exp3A_474 : vector<16xf32> to vector<16xf32>
      tpu.vector_store %arg9[%swap3A_475], %swap3A_478 {strides = array<i32>} : memref<128xf32, #tpu.memory_space<vmem>>, vector<16xf32>,
      %add3A_479 = arith.addf %add3A_472, %exp3A_474 : vector<16xf32>
      %sub3A_480 = arith.subf %get3A_410, %max3A_461 : vector<16xf32>
      %exp3A_481 = math.exp %sub3A_480 : vector<16xf32>
      %swap3A_482 = arith.constant 32 : index
      %swap3A_483 = tpu.vector_load %arg9[%swap3A_482] {strides = array<i32>} : memref<128xf32, #tpu.memory_space<vmem>>, vector<16xf32>,
      %swap3A_484 = vector.shape_cast %swap3A_483 : vector<16xf32> to vector<16xf32>
      %swap3A_485 = vector.shape_cast %exp3A_481 : vector<16xf32> to vector<16xf32>
      tpu.vector_store %arg9[%swap3A_482], %swap3A_485 {strides = array<i32>} : memref<128xf32, #tpu.memory_space<vmem>>, vector<16xf32>,
      %add3A_486 = arith.addf %add3A_479, %exp3A_481 : vector<16xf32>
      %sub3A_487 = arith.subf %get3A_413, %max3A_461 : vector<16xf32>
      %exp3A_488 = math.exp %sub3A_487 : vector<16xf32>
      %swap3A_489 = arith.constant 48 : index
      %swap3A_490 = tpu.vector_load %arg9[%swap3A_489] {strides = array<i32>} : memref<128xf32, #tpu.memory_space<vmem>>, vector<16xf32>,
      %swap3A_491 = vector.shape_cast %swap3A_490 : vector<16xf32> to vector<16xf32>
      %swap3A_492 = vector.shape_cast %exp3A_488 : vector<16xf32> to vector<16xf32>
      tpu.vector_store %arg9[%swap3A_489], %swap3A_492 {strides = array<i32>} : memref<128xf32, #tpu.memory_space<vmem>>, vector<16xf32>,
      %add3A_493 = arith.addf %add3A_486, %exp3A_488 : vector<16xf32>
      %sub3A_494 = arith.subf %get3A_416, %max3A_461 : vector<16xf32>
      %exp3A_495 = math.exp %sub3A_494 : vector<16xf32>
      %swap3A_496 = arith.constant 64 : index
      %swap3A_497 = tpu.vector_load %arg9[%swap3A_496] {strides = array<i32>} : memref<128xf32, #tpu.memory_space<vmem>>, vector<16xf32>,
      %swap3A_498 = vector.shape_cast %swap3A_497 : vector<16xf32> to vector<16xf32>
      %swap3A_499 = vector.shape_cast %exp3A_495 : vector<16xf32> to vector<16xf32>
      tpu.vector_store %arg9[%swap3A_496], %swap3A_499 {strides = array<i32>} : memref<128xf32, #tpu.memory_space<vmem>>, vector<16xf32>,
      %add3A_500 = arith.addf %add3A_493, %exp3A_495 : vector<16xf32>
      %sub3A_501 = arith.subf %get3A_419, %max3A_461 : vector<16xf32>
      %exp3A_502 = math.exp %sub3A_501 : vector<16xf32>
      %swap3A_503 = arith.constant 80 : index
      %swap3A_504 = tpu.vector_load %arg9[%swap3A_503] {strides = array<i32>} : memref<128xf32, #tpu.memory_space<vmem>>, vector<16xf32>,
      %swap3A_505 = vector.shape_cast %swap3A_504 : vector<16xf32> to vector<16xf32>
      %swap3A_506 = vector.shape_cast %exp3A_502 : vector<16xf32> to vector<16xf32>
      tpu.vector_store %arg9[%swap3A_503], %swap3A_506 {strides = array<i32>} : memref<128xf32, #tpu.memory_space<vmem>>, vector<16xf32>,
      %add3A_507 = arith.addf %add3A_500, %exp3A_502 : vector<16xf32>
      %sub3A_508 = arith.subf %get3A_422, %max3A_461 : vector<16xf32>
      %exp3A_509 = math.exp %sub3A_508 : vector<16xf32>
      %swap3A_510 = arith.constant 96 : index
      %swap3A_511 = tpu.vector_load %arg9[%swap3A_510] {strides = array<i32>} : memref<128xf32, #tpu.memory_space<vmem>>, vector<16xf32>,
      %swap3A_512 = vector.shape_cast %swap3A_511 : vector<16xf32> to vector<16xf32>
      %swap3A_513 = vector.shape_cast %exp3A_509 : vector<16xf32> to vector<16xf32>
      tpu.vector_store %arg9[%swap3A_510], %swap3A_513 {strides = array<i32>} : memref<128xf32, #tpu.memory_space<vmem>>, vector<16xf32>,
      %add3A_514 = arith.addf %add3A_507, %exp3A_509 : vector<16xf32>
      %sub3A_515 = arith.subf %get3A_425, %max3A_461 : vector<16xf32>
      %exp3A_516 = math.exp %sub3A_515 : vector<16xf32>
      %swap3A_517 = arith.constant 112 : index
      %swap3A_518 = tpu.vector_load %arg9[%swap3A_517] {strides = array<i32>} : memref<128xf32, #tpu.memory_space<vmem>>, vector<16xf32>,
      %swap3A_519 = vector.shape_cast %swap3A_518 : vector<16xf32> to vector<16xf32>
      %swap3A_520 = vector.shape_cast %exp3A_516 : vector<16xf32> to vector<16xf32>
      tpu.vector_store %arg9[%swap3A_517], %swap3A_520 {strides = array<i32>} : memref<128xf32, #tpu.memory_space<vmem>>, vector<16xf32>,
      %add3A_521 = arith.addf %add3A_514, %exp3A_516 : vector<16xf32>
      %mul3A_522 = arith.mulf %add3A_358, %exp3A_463 : vector<16xf32>
      %xor3A_523 = arith.constant 1 : i32
      %xor3A_524 = vector.broadcast %xor3A_523 : i32 to vector<16xi32>
      %xor3A_525 = arith.xori %iota3A, %xor3A_524 : vector<16xi32>
      %broadcast_in_dim3A_526 = vector.shape_cast %xor3A_525 : vector<16xi32> to vector<16x1xi32>
      %gather3A_527 = vector.shape_cast %broadcast_in_dim3A_526 : vector<16x1xi32> to vector<16xi32>
      %gather3A_528 = tpu.dynamic_gather %add3A_521[%gather3A_527] in [0] : vector<16xf32>, vector<16xi32> -> vector<16xf32>
      %add3A_529 = arith.addf %add3A_521, %gather3A_528 : vector<16xf32>
      %xor3A_530 = arith.constant 2 : i32
      %xor3A_531 = vector.broadcast %xor3A_530 : i32 to vector<16xi32>
      %xor3A_532 = arith.xori %iota3A, %xor3A_531 : vector<16xi32>
      %broadcast_in_dim3A_533 = vector.shape_cast %xor3A_532 : vector<16xi32> to vector<16x1xi32>
      %gather3A_534 = vector.shape_cast %broadcast_in_dim3A_533 : vector<16x1xi32> to vector<16xi32>
      %gather3A_535 = tpu.dynamic_gather %add3A_529[%gather3A_534] in [0] : vector<16xf32>, vector<16xi32> -> vector<16xf32>
      %add3A_536 = arith.addf %add3A_529, %gather3A_535 : vector<16xf32>
      %xor3A_537 = arith.constant 4 : i32
      %xor3A_538 = vector.broadcast %xor3A_537 : i32 to vector<16xi32>
      %xor3A_539 = arith.xori %iota3A, %xor3A_538 : vector<16xi32>
      %broadcast_in_dim3A_540 = vector.shape_cast %xor3A_539 : vector<16xi32> to vector<16x1xi32>
      %gather3A_541 = vector.shape_cast %broadcast_in_dim3A_540 : vector<16x1xi32> to vector<16xi32>
      %gather3A_542 = tpu.dynamic_gather %add3A_536[%gather3A_541] in [0] : vector<16xf32>, vector<16xi32> -> vector<16xf32>
      %add3A_543 = arith.addf %add3A_536, %gather3A_542 : vector<16xf32>
      %xor3A_544 = arith.constant 8 : i32
      %xor3A_545 = vector.broadcast %xor3A_544 : i32 to vector<16xi32>
      %xor3A_546 = arith.xori %iota3A, %xor3A_545 : vector<16xi32>
      %broadcast_in_dim3A_547 = vector.shape_cast %xor3A_546 : vector<16xi32> to vector<16x1xi32>
      %gather3A_548 = vector.shape_cast %broadcast_in_dim3A_547 : vector<16x1xi32> to vector<16xi32>
      %gather3A_549 = tpu.dynamic_gather %add3A_543[%gather3A_548] in [0] : vector<16xf32>, vector<16xi32> -> vector<16xf32>
      %add3A_550 = arith.addf %add3A_543, %gather3A_549 : vector<16xf32>
      %add3A_551 = arith.addf %mul3A_522, %add3A_550 : vector<16xf32>
      %mul3A_552 = arith.mulf %scan3A_379#0, %exp3A_463 : vector<16xf32>
      %mul3A_553 = arith.mulf %scan3A_379#1, %exp3A_463 : vector<16xf32>
      %mul3A_554 = arith.mulf %scan3A_379#2, %exp3A_463 : vector<16xf32>
      %mul3A_555 = arith.mulf %scan3A_379#3, %exp3A_463 : vector<16xf32>
      %mul3A_556 = arith.mulf %scan3A_379#4, %exp3A_463 : vector<16xf32>
      %mul3A_557 = arith.mulf %scan3A_379#5, %exp3A_463 : vector<16xf32>
      %mul3A_558 = arith.mulf %scan3A_379#6, %exp3A_463 : vector<16xf32>
      %mul3A_559 = arith.mulf %scan3A_379#7, %exp3A_463 : vector<16xf32>
      %mul3A_560 = arith.mulf %scan3A_379#8, %exp3A_463 : vector<16xf32>
      %mul3A_561 = arith.mulf %scan3A_379#9, %exp3A_463 : vector<16xf32>
      %mul3A_562 = arith.mulf %scan3A_379#10, %exp3A_463 : vector<16xf32>
      %mul3A_563 = arith.mulf %scan3A_379#11, %exp3A_463 : vector<16xf32>
      %mul3A_564 = arith.mulf %scan3A_379#12, %exp3A_463 : vector<16xf32>
      %mul3A_565 = arith.mulf %scan3A_379#13, %exp3A_463 : vector<16xf32>
      %mul3A_566 = arith.mulf %scan3A_379#14, %exp3A_463 : vector<16xf32>
      %mul3A_567 = arith.mulf %scan3A_379#15, %exp3A_463 : vector<16xf32>
      %scan3A_568 = arith.constant 0 : i32
      %scan3A_569 = arith.constant 128 : i32
      %scan3A_570 = arith.addi %scan3A_568, %scan3A_569 : i32
      %scan3A_571 = arith.constant 2 : i32
      %scan3A_572:16 = scf.for %scan3A_574 = %scan3A_568 to %scan3A_570 step %scan3A_571 iter_args(%scan3A_575 = %mul3A_552, %scan3A_576 = %mul3A_553, %scan3A_577 = %mul3A_554, %scan3A_578 = %mul3A_555, %scan3A_579 = %mul3A_556, %scan3A_580 = %mul3A_557, %scan3A_581 = %mul3A_558, %scan3A_582 = %mul3A_559, %scan3A_583 = %mul3A_560, %scan3A_584 = %mul3A_561, %scan3A_585 = %mul3A_562, %scan3A_586 = %mul3A_563, %scan3A_587 = %mul3A_564, %scan3A_588 = %mul3A_565, %scan3A_589 = %mul3A_566, %scan3A_590 = %mul3A_567) -> (vector<16xf32>, vector<16xf32>, vector<16xf32>, vector<16xf32>, vector<16xf32>, vector<16xf32>, vector<16xf32>, vector<16xf32>, vector<16xf32>, vector<16xf32>, vector<16xf32>, vector<16xf32>, vector<16xf32>, vector<16xf32>, vector<16xf32>, vector<16xf32>)  : i32 {
        %and3A = arith.constant -16 : i32
        %and3A_591 = arith.andi %scan3A_574, %and3A : i32
        %get3A_592 = arith.index_cast %and3A_591 : i32 to index
        %get3A_593 = tpu.vector_load %arg9[%get3A_592] {strides = array<i32>} : memref<128xf32, #tpu.memory_space<vmem>>, vector<16xf32>,
        %get3A_594 = vector.shape_cast %get3A_593 : vector<16xf32> to vector<16xf32>
        %and3A_595 = arith.constant 15 : i32
        %and3A_596 = arith.andi %scan3A_574, %and3A_595 : i32
        %broadcast_in_dim3A_597 = vector.broadcast %and3A_596 : i32 to vector<16xi32>
        %broadcast_in_dim3A_598 = vector.shape_cast %broadcast_in_dim3A_597 : vector<16xi32> to vector<16x1xi32>
        %gather3A_599 = vector.shape_cast %broadcast_in_dim3A_598 : vector<16x1xi32> to vector<16xi32>
        %gather3A_600 = tpu.dynamic_gather %get3A_594[%gather3A_599] in [0] : vector<16xf32>, vector<16xi32> -> vector<16xf32>
        %get3A_601 = arith.index_cast %scan3A_574 : i32 to index
        %get3A_602 = arith.constant 0 : index
        %get3A_603 = tpu.vector_load %arg8[%get3A_601, %get3A_602] {strides = array<i32>} : memref<128x256xf32, #tpu.memory_space<vmem>>, vector<1x16xf32>,
        %get3A_604 = vector.shape_cast %get3A_603 : vector<1x16xf32> to vector<16xf32>
        %mul3A_605 = arith.mulf %gather3A_600, %get3A_604 : vector<16xf32>
        %add3A_606 = arith.addf %scan3A_575, %mul3A_605 : vector<16xf32>
        %get3A_607 = arith.index_cast %scan3A_574 : i32 to index
        %get3A_608 = arith.constant 16 : index
        %get3A_609 = tpu.vector_load %arg8[%get3A_607, %get3A_608] {strides = array<i32>} : memref<128x256xf32, #tpu.memory_space<vmem>>, vector<1x16xf32>,
        %get3A_610 = vector.shape_cast %get3A_609 : vector<1x16xf32> to vector<16xf32>
        %mul3A_611 = arith.mulf %gather3A_600, %get3A_610 : vector<16xf32>
        %add3A_612 = arith.addf %scan3A_576, %mul3A_611 : vector<16xf32>
        %get3A_613 = arith.index_cast %scan3A_574 : i32 to index
        %get3A_614 = arith.constant 32 : index
        %get3A_615 = tpu.vector_load %arg8[%get3A_613, %get3A_614] {strides = array<i32>} : memref<128x256xf32, #tpu.memory_space<vmem>>, vector<1x16xf32>,
        %get3A_616 = vector.shape_cast %get3A_615 : vector<1x16xf32> to vector<16xf32>
        %mul3A_617 = arith.mulf %gather3A_600, %get3A_616 : vector<16xf32>
        %add3A_618 = arith.addf %scan3A_577, %mul3A_617 : vector<16xf32>
        %get3A_619 = arith.index_cast %scan3A_574 : i32 to index
        %get3A_620 = arith.constant 48 : index
        %get3A_621 = tpu.vector_load %arg8[%get3A_619, %get3A_620] {strides = array<i32>} : memref<128x256xf32, #tpu.memory_space<vmem>>, vector<1x16xf32>,
        %get3A_622 = vector.shape_cast %get3A_621 : vector<1x16xf32> to vector<16xf32>
        %mul3A_623 = arith.mulf %gather3A_600, %get3A_622 : vector<16xf32>
        %add3A_624 = arith.addf %scan3A_578, %mul3A_623 : vector<16xf32>
        %get3A_625 = arith.index_cast %scan3A_574 : i32 to index
        %get3A_626 = arith.constant 64 : index
        %get3A_627 = tpu.vector_load %arg8[%get3A_625, %get3A_626] {strides = array<i32>} : memref<128x256xf32, #tpu.memory_space<vmem>>, vector<1x16xf32>,
        %get3A_628 = vector.shape_cast %get3A_627 : vector<1x16xf32> to vector<16xf32>
        %mul3A_629 = arith.mulf %gather3A_600, %get3A_628 : vector<16xf32>
        %add3A_630 = arith.addf %scan3A_579, %mul3A_629 : vector<16xf32>
        %get3A_631 = arith.index_cast %scan3A_574 : i32 to index
        %get3A_632 = arith.constant 80 : index
        %get3A_633 = tpu.vector_load %arg8[%get3A_631, %get3A_632] {strides = array<i32>} : memref<128x256xf32, #tpu.memory_space<vmem>>, vector<1x16xf32>,
        %get3A_634 = vector.shape_cast %get3A_633 : vector<1x16xf32> to vector<16xf32>
        %mul3A_635 = arith.mulf %gather3A_600, %get3A_634 : vector<16xf32>
        %add3A_636 = arith.addf %scan3A_580, %mul3A_635 : vector<16xf32>
        %get3A_637 = arith.index_cast %scan3A_574 : i32 to index
        %get3A_638 = arith.constant 96 : index
        %get3A_639 = tpu.vector_load %arg8[%get3A_637, %get3A_638] {strides = array<i32>} : memref<128x256xf32, #tpu.memory_space<vmem>>, vector<1x16xf32>,
        %get3A_640 = vector.shape_cast %get3A_639 : vector<1x16xf32> to vector<16xf32>
        %mul3A_641 = arith.mulf %gather3A_600, %get3A_640 : vector<16xf32>
        %add3A_642 = arith.addf %scan3A_581, %mul3A_641 : vector<16xf32>
        %get3A_643 = arith.index_cast %scan3A_574 : i32 to index
        %get3A_644 = arith.constant 112 : index
        %get3A_645 = tpu.vector_load %arg8[%get3A_643, %get3A_644] {strides = array<i32>} : memref<128x256xf32, #tpu.memory_space<vmem>>, vector<1x16xf32>,
        %get3A_646 = vector.shape_cast %get3A_645 : vector<1x16xf32> to vector<16xf32>
        %mul3A_647 = arith.mulf %gather3A_600, %get3A_646 : vector<16xf32>
        %add3A_648 = arith.addf %scan3A_582, %mul3A_647 : vector<16xf32>
        %get3A_649 = arith.index_cast %scan3A_574 : i32 to index
        %get3A_650 = arith.constant 128 : index
        %get3A_651 = tpu.vector_load %arg8[%get3A_649, %get3A_650] {strides = array<i32>} : memref<128x256xf32, #tpu.memory_space<vmem>>, vector<1x16xf32>,
        %get3A_652 = vector.shape_cast %get3A_651 : vector<1x16xf32> to vector<16xf32>
        %mul3A_653 = arith.mulf %gather3A_600, %get3A_652 : vector<16xf32>
        %add3A_654 = arith.addf %scan3A_583, %mul3A_653 : vector<16xf32>
        %get3A_655 = arith.index_cast %scan3A_574 : i32 to index
        %get3A_656 = arith.constant 144 : index
        %get3A_657 = tpu.vector_load %arg8[%get3A_655, %get3A_656] {strides = array<i32>} : memref<128x256xf32, #tpu.memory_space<vmem>>, vector<1x16xf32>,
        %get3A_658 = vector.shape_cast %get3A_657 : vector<1x16xf32> to vector<16xf32>
        %mul3A_659 = arith.mulf %gather3A_600, %get3A_658 : vector<16xf32>
        %add3A_660 = arith.addf %scan3A_584, %mul3A_659 : vector<16xf32>
        %get3A_661 = arith.index_cast %scan3A_574 : i32 to index
        %get3A_662 = arith.constant 160 : index
        %get3A_663 = tpu.vector_load %arg8[%get3A_661, %get3A_662] {strides = array<i32>} : memref<128x256xf32, #tpu.memory_space<vmem>>, vector<1x16xf32>,
        %get3A_664 = vector.shape_cast %get3A_663 : vector<1x16xf32> to vector<16xf32>
        %mul3A_665 = arith.mulf %gather3A_600, %get3A_664 : vector<16xf32>
        %add3A_666 = arith.addf %scan3A_585, %mul3A_665 : vector<16xf32>
        %get3A_667 = arith.index_cast %scan3A_574 : i32 to index
        %get3A_668 = arith.constant 176 : index
        %get3A_669 = tpu.vector_load %arg8[%get3A_667, %get3A_668] {strides = array<i32>} : memref<128x256xf32, #tpu.memory_space<vmem>>, vector<1x16xf32>,
        %get3A_670 = vector.shape_cast %get3A_669 : vector<1x16xf32> to vector<16xf32>
        %mul3A_671 = arith.mulf %gather3A_600, %get3A_670 : vector<16xf32>
        %add3A_672 = arith.addf %scan3A_586, %mul3A_671 : vector<16xf32>
        %get3A_673 = arith.index_cast %scan3A_574 : i32 to index
        %get3A_674 = arith.constant 192 : index
        %get3A_675 = tpu.vector_load %arg8[%get3A_673, %get3A_674] {strides = array<i32>} : memref<128x256xf32, #tpu.memory_space<vmem>>, vector<1x16xf32>,
        %get3A_676 = vector.shape_cast %get3A_675 : vector<1x16xf32> to vector<16xf32>
        %mul3A_677 = arith.mulf %gather3A_600, %get3A_676 : vector<16xf32>
        %add3A_678 = arith.addf %scan3A_587, %mul3A_677 : vector<16xf32>
        %get3A_679 = arith.index_cast %scan3A_574 : i32 to index
        %get3A_680 = arith.constant 208 : index
        %get3A_681 = tpu.vector_load %arg8[%get3A_679, %get3A_680] {strides = array<i32>} : memref<128x256xf32, #tpu.memory_space<vmem>>, vector<1x16xf32>,
        %get3A_682 = vector.shape_cast %get3A_681 : vector<1x16xf32> to vector<16xf32>
        %mul3A_683 = arith.mulf %gather3A_600, %get3A_682 : vector<16xf32>
        %add3A_684 = arith.addf %scan3A_588, %mul3A_683 : vector<16xf32>
        %get3A_685 = arith.index_cast %scan3A_574 : i32 to index
        %get3A_686 = arith.constant 224 : index
        %get3A_687 = tpu.vector_load %arg8[%get3A_685, %get3A_686] {strides = array<i32>} : memref<128x256xf32, #tpu.memory_space<vmem>>, vector<1x16xf32>,
        %get3A_688 = vector.shape_cast %get3A_687 : vector<1x16xf32> to vector<16xf32>
        %mul3A_689 = arith.mulf %gather3A_600, %get3A_688 : vector<16xf32>
        %add3A_690 = arith.addf %scan3A_589, %mul3A_689 : vector<16xf32>
        %get3A_691 = arith.index_cast %scan3A_574 : i32 to index
        %get3A_692 = arith.constant 240 : index
        %get3A_693 = tpu.vector_load %arg8[%get3A_691, %get3A_692] {strides = array<i32>} : memref<128x256xf32, #tpu.memory_space<vmem>>, vector<1x16xf32>,
        %get3A_694 = vector.shape_cast %get3A_693 : vector<1x16xf32> to vector<16xf32>
        %mul3A_695 = arith.mulf %gather3A_600, %get3A_694 : vector<16xf32>
        %add3A_696 = arith.addf %scan3A_590, %mul3A_695 : vector<16xf32>
        %scan3A_697 = arith.constant 1 : i32
        %scan3A_698 = arith.addi %scan3A_574, %scan3A_697 : i32
        %and3A_699 = arith.constant -16 : i32
        %and3A_700 = arith.andi %scan3A_698, %and3A_699 : i32
        %get3A_701 = arith.index_cast %and3A_700 : i32 to index
        %get3A_702 = tpu.vector_load %arg9[%get3A_701] {strides = array<i32>} : memref<128xf32, #tpu.memory_space<vmem>>, vector<16xf32>,
        %get3A_703 = vector.shape_cast %get3A_702 : vector<16xf32> to vector<16xf32>
        %and3A_704 = arith.constant 15 : i32
        %and3A_705 = arith.andi %scan3A_698, %and3A_704 : i32
        %broadcast_in_dim3A_706 = vector.broadcast %and3A_705 : i32 to vector<16xi32>
        %broadcast_in_dim3A_707 = vector.shape_cast %broadcast_in_dim3A_706 : vector<16xi32> to vector<16x1xi32>
        %gather3A_708 = vector.shape_cast %broadcast_in_dim3A_707 : vector<16x1xi32> to vector<16xi32>
        %gather3A_709 = tpu.dynamic_gather %get3A_703[%gather3A_708] in [0] : vector<16xf32>, vector<16xi32> -> vector<16xf32>
        %get3A_710 = arith.index_cast %scan3A_698 : i32 to index
        %get3A_711 = arith.constant 0 : index
        %get3A_712 = tpu.vector_load %arg8[%get3A_710, %get3A_711] {strides = array<i32>} : memref<128x256xf32, #tpu.memory_space<vmem>>, vector<1x16xf32>,
        %get3A_713 = vector.shape_cast %get3A_712 : vector<1x16xf32> to vector<16xf32>
        %mul3A_714 = arith.mulf %gather3A_709, %get3A_713 : vector<16xf32>
        %add3A_715 = arith.addf %add3A_606, %mul3A_714 : vector<16xf32>
        %get3A_716 = arith.index_cast %scan3A_698 : i32 to index
        %get3A_717 = arith.constant 16 : index
        %get3A_718 = tpu.vector_load %arg8[%get3A_716, %get3A_717] {strides = array<i32>} : memref<128x256xf32, #tpu.memory_space<vmem>>, vector<1x16xf32>,
        %get3A_719 = vector.shape_cast %get3A_718 : vector<1x16xf32> to vector<16xf32>
        %mul3A_720 = arith.mulf %gather3A_709, %get3A_719 : vector<16xf32>
        %add3A_721 = arith.addf %add3A_612, %mul3A_720 : vector<16xf32>
        %get3A_722 = arith.index_cast %scan3A_698 : i32 to index
        %get3A_723 = arith.constant 32 : index
        %get3A_724 = tpu.vector_load %arg8[%get3A_722, %get3A_723] {strides = array<i32>} : memref<128x256xf32, #tpu.memory_space<vmem>>, vector<1x16xf32>,
        %get3A_725 = vector.shape_cast %get3A_724 : vector<1x16xf32> to vector<16xf32>
        %mul3A_726 = arith.mulf %gather3A_709, %get3A_725 : vector<16xf32>
        %add3A_727 = arith.addf %add3A_618, %mul3A_726 : vector<16xf32>
        %get3A_728 = arith.index_cast %scan3A_698 : i32 to index
        %get3A_729 = arith.constant 48 : index
        %get3A_730 = tpu.vector_load %arg8[%get3A_728, %get3A_729] {strides = array<i32>} : memref<128x256xf32, #tpu.memory_space<vmem>>, vector<1x16xf32>,
        %get3A_731 = vector.shape_cast %get3A_730 : vector<1x16xf32> to vector<16xf32>
        %mul3A_732 = arith.mulf %gather3A_709, %get3A_731 : vector<16xf32>
        %add3A_733 = arith.addf %add3A_624, %mul3A_732 : vector<16xf32>
        %get3A_734 = arith.index_cast %scan3A_698 : i32 to index
        %get3A_735 = arith.constant 64 : index
        %get3A_736 = tpu.vector_load %arg8[%get3A_734, %get3A_735] {strides = array<i32>} : memref<128x256xf32, #tpu.memory_space<vmem>>, vector<1x16xf32>,
        %get3A_737 = vector.shape_cast %get3A_736 : vector<1x16xf32> to vector<16xf32>
        %mul3A_738 = arith.mulf %gather3A_709, %get3A_737 : vector<16xf32>
        %add3A_739 = arith.addf %add3A_630, %mul3A_738 : vector<16xf32>
        %get3A_740 = arith.index_cast %scan3A_698 : i32 to index
        %get3A_741 = arith.constant 80 : index
        %get3A_742 = tpu.vector_load %arg8[%get3A_740, %get3A_741] {strides = array<i32>} : memref<128x256xf32, #tpu.memory_space<vmem>>, vector<1x16xf32>,
        %get3A_743 = vector.shape_cast %get3A_742 : vector<1x16xf32> to vector<16xf32>
        %mul3A_744 = arith.mulf %gather3A_709, %get3A_743 : vector<16xf32>
        %add3A_745 = arith.addf %add3A_636, %mul3A_744 : vector<16xf32>
        %get3A_746 = arith.index_cast %scan3A_698 : i32 to index
        %get3A_747 = arith.constant 96 : index
        %get3A_748 = tpu.vector_load %arg8[%get3A_746, %get3A_747] {strides = array<i32>} : memref<128x256xf32, #tpu.memory_space<vmem>>, vector<1x16xf32>,
        %get3A_749 = vector.shape_cast %get3A_748 : vector<1x16xf32> to vector<16xf32>
        %mul3A_750 = arith.mulf %gather3A_709, %get3A_749 : vector<16xf32>
        %add3A_751 = arith.addf %add3A_642, %mul3A_750 : vector<16xf32>
        %get3A_752 = arith.index_cast %scan3A_698 : i32 to index
        %get3A_753 = arith.constant 112 : index
        %get3A_754 = tpu.vector_load %arg8[%get3A_752, %get3A_753] {strides = array<i32>} : memref<128x256xf32, #tpu.memory_space<vmem>>, vector<1x16xf32>,
        %get3A_755 = vector.shape_cast %get3A_754 : vector<1x16xf32> to vector<16xf32>
        %mul3A_756 = arith.mulf %gather3A_709, %get3A_755 : vector<16xf32>
        %add3A_757 = arith.addf %add3A_648, %mul3A_756 : vector<16xf32>
        %get3A_758 = arith.index_cast %scan3A_698 : i32 to index
        %get3A_759 = arith.constant 128 : index
        %get3A_760 = tpu.vector_load %arg8[%get3A_758, %get3A_759] {strides = array<i32>} : memref<128x256xf32, #tpu.memory_space<vmem>>, vector<1x16xf32>,
        %get3A_761 = vector.shape_cast %get3A_760 : vector<1x16xf32> to vector<16xf32>
        %mul3A_762 = arith.mulf %gather3A_709, %get3A_761 : vector<16xf32>
        %add3A_763 = arith.addf %add3A_654, %mul3A_762 : vector<16xf32>
        %get3A_764 = arith.index_cast %scan3A_698 : i32 to index
        %get3A_765 = arith.constant 144 : index
        %get3A_766 = tpu.vector_load %arg8[%get3A_764, %get3A_765] {strides = array<i32>} : memref<128x256xf32, #tpu.memory_space<vmem>>, vector<1x16xf32>,
        %get3A_767 = vector.shape_cast %get3A_766 : vector<1x16xf32> to vector<16xf32>
        %mul3A_768 = arith.mulf %gather3A_709, %get3A_767 : vector<16xf32>
        %add3A_769 = arith.addf %add3A_660, %mul3A_768 : vector<16xf32>
        %get3A_770 = arith.index_cast %scan3A_698 : i32 to index
        %get3A_771 = arith.constant 160 : index
        %get3A_772 = tpu.vector_load %arg8[%get3A_770, %get3A_771] {strides = array<i32>} : memref<128x256xf32, #tpu.memory_space<vmem>>, vector<1x16xf32>,
        %get3A_773 = vector.shape_cast %get3A_772 : vector<1x16xf32> to vector<16xf32>
        %mul3A_774 = arith.mulf %gather3A_709, %get3A_773 : vector<16xf32>
        %add3A_775 = arith.addf %add3A_666, %mul3A_774 : vector<16xf32>
        %get3A_776 = arith.index_cast %scan3A_698 : i32 to index
        %get3A_777 = arith.constant 176 : index
        %get3A_778 = tpu.vector_load %arg8[%get3A_776, %get3A_777] {strides = array<i32>} : memref<128x256xf32, #tpu.memory_space<vmem>>, vector<1x16xf32>,
        %get3A_779 = vector.shape_cast %get3A_778 : vector<1x16xf32> to vector<16xf32>
        %mul3A_780 = arith.mulf %gather3A_709, %get3A_779 : vector<16xf32>
        %add3A_781 = arith.addf %add3A_672, %mul3A_780 : vector<16xf32>
        %get3A_782 = arith.index_cast %scan3A_698 : i32 to index
        %get3A_783 = arith.constant 192 : index
        %get3A_784 = tpu.vector_load %arg8[%get3A_782, %get3A_783] {strides = array<i32>} : memref<128x256xf32, #tpu.memory_space<vmem>>, vector<1x16xf32>,
        %get3A_785 = vector.shape_cast %get3A_784 : vector<1x16xf32> to vector<16xf32>
        %mul3A_786 = arith.mulf %gather3A_709, %get3A_785 : vector<16xf32>
        %add3A_787 = arith.addf %add3A_678, %mul3A_786 : vector<16xf32>
        %get3A_788 = arith.index_cast %scan3A_698 : i32 to index
        %get3A_789 = arith.constant 208 : index
        %get3A_790 = tpu.vector_load %arg8[%get3A_788, %get3A_789] {strides = array<i32>} : memref<128x256xf32, #tpu.memory_space<vmem>>, vector<1x16xf32>,
        %get3A_791 = vector.shape_cast %get3A_790 : vector<1x16xf32> to vector<16xf32>
        %mul3A_792 = arith.mulf %gather3A_709, %get3A_791 : vector<16xf32>
        %add3A_793 = arith.addf %add3A_684, %mul3A_792 : vector<16xf32>
        %get3A_794 = arith.index_cast %scan3A_698 : i32 to index
        %get3A_795 = arith.constant 224 : index
        %get3A_796 = tpu.vector_load %arg8[%get3A_794, %get3A_795] {strides = array<i32>} : memref<128x256xf32, #tpu.memory_space<vmem>>, vector<1x16xf32>,
        %get3A_797 = vector.shape_cast %get3A_796 : vector<1x16xf32> to vector<16xf32>
        %mul3A_798 = arith.mulf %gather3A_709, %get3A_797 : vector<16xf32>
        %add3A_799 = arith.addf %add3A_690, %mul3A_798 : vector<16xf32>
        %get3A_800 = arith.index_cast %scan3A_698 : i32 to index
        %get3A_801 = arith.constant 240 : index
        %get3A_802 = tpu.vector_load %arg8[%get3A_800, %get3A_801] {strides = array<i32>} : memref<128x256xf32, #tpu.memory_space<vmem>>, vector<1x16xf32>,
        %get3A_803 = vector.shape_cast %get3A_802 : vector<1x16xf32> to vector<16xf32>
        %mul3A_804 = arith.mulf %gather3A_709, %get3A_803 : vector<16xf32>
        %add3A_805 = arith.addf %add3A_696, %mul3A_804 : vector<16xf32>
        scf.yield %add3A_715, %add3A_721, %add3A_727, %add3A_733, %add3A_739, %add3A_745, %add3A_751, %add3A_757, %add3A_763, %add3A_769, %add3A_775, %add3A_781, %add3A_787, %add3A_793, %add3A_799, %add3A_805 : vector<16xf32>, vector<16xf32>, vector<16xf32>, vector<16xf32>, vector<16xf32>, vector<16xf32>, vector<16xf32>, vector<16xf32>, vector<16xf32>, vector<16xf32>, vector<16xf32>, vector<16xf32>, vector<16xf32>, vector<16xf32>, vector<16xf32>, vector<16xf32>
      }
      %scan3A_573 = arith.constant 128 : i32
      scf.yield %max3A_461, %add3A_551, %scan3A_572#0, %scan3A_572#1, %scan3A_572#2, %scan3A_572#3, %scan3A_572#4, %scan3A_572#5, %scan3A_572#6, %scan3A_572#7, %scan3A_572#8, %scan3A_572#9, %scan3A_572#10, %scan3A_572#11, %scan3A_572#12, %scan3A_572#13, %scan3A_572#14, %scan3A_572#15 : vector<16xf32>, vector<16xf32>, vector<16xf32>, vector<16xf32>, vector<16xf32>, vector<16xf32>, vector<16xf32>, vector<16xf32>, vector<16xf32>, vector<16xf32>, vector<16xf32>, vector<16xf32>, vector<16xf32>, vector<16xf32>, vector<16xf32>, vector<16xf32>, vector<16xf32>, vector<16xf32>
    }
    %scan3A_94 = arith.constant 2 : i32
    %swap3A = arith.constant 0 : index
    %swap3A_95 = tpu.vector_load %arg10[%swap3A] {strides = array<i32>} : memref<256xf32, #tpu.memory_space<vmem>>, vector<16xf32>,
    %swap3A_96 = vector.shape_cast %swap3A_95 : vector<16xf32> to vector<16xf32>
    %swap3A_97 = vector.shape_cast %scan3A_93#2 : vector<16xf32> to vector<16xf32>
    tpu.vector_store %arg10[%swap3A], %swap3A_97 {strides = array<i32>} : memref<256xf32, #tpu.memory_space<vmem>>, vector<16xf32>,
    %swap3A_98 = arith.constant 16 : index
    %swap3A_99 = tpu.vector_load %arg10[%swap3A_98] {strides = array<i32>} : memref<256xf32, #tpu.memory_space<vmem>>, vector<16xf32>,
    %swap3A_100 = vector.shape_cast %swap3A_99 : vector<16xf32> to vector<16xf32>
    %swap3A_101 = vector.shape_cast %scan3A_93#3 : vector<16xf32> to vector<16xf32>
    tpu.vector_store %arg10[%swap3A_98], %swap3A_101 {strides = array<i32>} : memref<256xf32, #tpu.memory_space<vmem>>, vector<16xf32>,
    %swap3A_102 = arith.constant 32 : index
    %swap3A_103 = tpu.vector_load %arg10[%swap3A_102] {strides = array<i32>} : memref<256xf32, #tpu.memory_space<vmem>>, vector<16xf32>,
    %swap3A_104 = vector.shape_cast %swap3A_103 : vector<16xf32> to vector<16xf32>
    %swap3A_105 = vector.shape_cast %scan3A_93#4 : vector<16xf32> to vector<16xf32>
    tpu.vector_store %arg10[%swap3A_102], %swap3A_105 {strides = array<i32>} : memref<256xf32, #tpu.memory_space<vmem>>, vector<16xf32>,
    %swap3A_106 = arith.constant 48 : index
    %swap3A_107 = tpu.vector_load %arg10[%swap3A_106] {strides = array<i32>} : memref<256xf32, #tpu.memory_space<vmem>>, vector<16xf32>,
    %swap3A_108 = vector.shape_cast %swap3A_107 : vector<16xf32> to vector<16xf32>
    %swap3A_109 = vector.shape_cast %scan3A_93#5 : vector<16xf32> to vector<16xf32>
    tpu.vector_store %arg10[%swap3A_106], %swap3A_109 {strides = array<i32>} : memref<256xf32, #tpu.memory_space<vmem>>, vector<16xf32>,
    %swap3A_110 = arith.constant 64 : index
    %swap3A_111 = tpu.vector_load %arg10[%swap3A_110] {strides = array<i32>} : memref<256xf32, #tpu.memory_space<vmem>>, vector<16xf32>,
    %swap3A_112 = vector.shape_cast %swap3A_111 : vector<16xf32> to vector<16xf32>
    %swap3A_113 = vector.shape_cast %scan3A_93#6 : vector<16xf32> to vector<16xf32>
    tpu.vector_store %arg10[%swap3A_110], %swap3A_113 {strides = array<i32>} : memref<256xf32, #tpu.memory_space<vmem>>, vector<16xf32>,
    %swap3A_114 = arith.constant 80 : index
    %swap3A_115 = tpu.vector_load %arg10[%swap3A_114] {strides = array<i32>} : memref<256xf32, #tpu.memory_space<vmem>>, vector<16xf32>,
    %swap3A_116 = vector.shape_cast %swap3A_115 : vector<16xf32> to vector<16xf32>
    %swap3A_117 = vector.shape_cast %scan3A_93#7 : vector<16xf32> to vector<16xf32>
    tpu.vector_store %arg10[%swap3A_114], %swap3A_117 {strides = array<i32>} : memref<256xf32, #tpu.memory_space<vmem>>, vector<16xf32>,
    %swap3A_118 = arith.constant 96 : index
    %swap3A_119 = tpu.vector_load %arg10[%swap3A_118] {strides = array<i32>} : memref<256xf32, #tpu.memory_space<vmem>>, vector<16xf32>,
    %swap3A_120 = vector.shape_cast %swap3A_119 : vector<16xf32> to vector<16xf32>
    %swap3A_121 = vector.shape_cast %scan3A_93#8 : vector<16xf32> to vector<16xf32>
    tpu.vector_store %arg10[%swap3A_118], %swap3A_121 {strides = array<i32>} : memref<256xf32, #tpu.memory_space<vmem>>, vector<16xf32>,
    %swap3A_122 = arith.constant 112 : index
    %swap3A_123 = tpu.vector_load %arg10[%swap3A_122] {strides = array<i32>} : memref<256xf32, #tpu.memory_space<vmem>>, vector<16xf32>,
    %swap3A_124 = vector.shape_cast %swap3A_123 : vector<16xf32> to vector<16xf32>
    %swap3A_125 = vector.shape_cast %scan3A_93#9 : vector<16xf32> to vector<16xf32>
    tpu.vector_store %arg10[%swap3A_122], %swap3A_125 {strides = array<i32>} : memref<256xf32, #tpu.memory_space<vmem>>, vector<16xf32>,
    %swap3A_126 = arith.constant 128 : index
    %swap3A_127 = tpu.vector_load %arg10[%swap3A_126] {strides = array<i32>} : memref<256xf32, #tpu.memory_space<vmem>>, vector<16xf32>,
    %swap3A_128 = vector.shape_cast %swap3A_127 : vector<16xf32> to vector<16xf32>
    %swap3A_129 = vector.shape_cast %scan3A_93#10 : vector<16xf32> to vector<16xf32>
    tpu.vector_store %arg10[%swap3A_126], %swap3A_129 {strides = array<i32>} : memref<256xf32, #tpu.memory_space<vmem>>, vector<16xf32>,
    %swap3A_130 = arith.constant 144 : index
    %swap3A_131 = tpu.vector_load %arg10[%swap3A_130] {strides = array<i32>} : memref<256xf32, #tpu.memory_space<vmem>>, vector<16xf32>,
    %swap3A_132 = vector.shape_cast %swap3A_131 : vector<16xf32> to vector<16xf32>
    %swap3A_133 = vector.shape_cast %scan3A_93#11 : vector<16xf32> to vector<16xf32>
    tpu.vector_store %arg10[%swap3A_130], %swap3A_133 {strides = array<i32>} : memref<256xf32, #tpu.memory_space<vmem>>, vector<16xf32>,
    %swap3A_134 = arith.constant 160 : index
    %swap3A_135 = tpu.vector_load %arg10[%swap3A_134] {strides = array<i32>} : memref<256xf32, #tpu.memory_space<vmem>>, vector<16xf32>,
    %swap3A_136 = vector.shape_cast %swap3A_135 : vector<16xf32> to vector<16xf32>
    %swap3A_137 = vector.shape_cast %scan3A_93#12 : vector<16xf32> to vector<16xf32>
    tpu.vector_store %arg10[%swap3A_134], %swap3A_137 {strides = array<i32>} : memref<256xf32, #tpu.memory_space<vmem>>, vector<16xf32>,
    %swap3A_138 = arith.constant 176 : index
    %swap3A_139 = tpu.vector_load %arg10[%swap3A_138] {strides = array<i32>} : memref<256xf32, #tpu.memory_space<vmem>>, vector<16xf32>,
    %swap3A_140 = vector.shape_cast %swap3A_139 : vector<16xf32> to vector<16xf32>
    %swap3A_141 = vector.shape_cast %scan3A_93#13 : vector<16xf32> to vector<16xf32>
    tpu.vector_store %arg10[%swap3A_138], %swap3A_141 {strides = array<i32>} : memref<256xf32, #tpu.memory_space<vmem>>, vector<16xf32>,
    %swap3A_142 = arith.constant 192 : index
    %swap3A_143 = tpu.vector_load %arg10[%swap3A_142] {strides = array<i32>} : memref<256xf32, #tpu.memory_space<vmem>>, vector<16xf32>,
    %swap3A_144 = vector.shape_cast %swap3A_143 : vector<16xf32> to vector<16xf32>
    %swap3A_145 = vector.shape_cast %scan3A_93#14 : vector<16xf32> to vector<16xf32>
    tpu.vector_store %arg10[%swap3A_142], %swap3A_145 {strides = array<i32>} : memref<256xf32, #tpu.memory_space<vmem>>, vector<16xf32>,
    %swap3A_146 = arith.constant 208 : index
    %swap3A_147 = tpu.vector_load %arg10[%swap3A_146] {strides = array<i32>} : memref<256xf32, #tpu.memory_space<vmem>>, vector<16xf32>,
    %swap3A_148 = vector.shape_cast %swap3A_147 : vector<16xf32> to vector<16xf32>
    %swap3A_149 = vector.shape_cast %scan3A_93#15 : vector<16xf32> to vector<16xf32>
    tpu.vector_store %arg10[%swap3A_146], %swap3A_149 {strides = array<i32>} : memref<256xf32, #tpu.memory_space<vmem>>, vector<16xf32>,
    %swap3A_150 = arith.constant 224 : index
    %swap3A_151 = tpu.vector_load %arg10[%swap3A_150] {strides = array<i32>} : memref<256xf32, #tpu.memory_space<vmem>>, vector<16xf32>,
    %swap3A_152 = vector.shape_cast %swap3A_151 : vector<16xf32> to vector<16xf32>
    %swap3A_153 = vector.shape_cast %scan3A_93#16 : vector<16xf32> to vector<16xf32>
    tpu.vector_store %arg10[%swap3A_150], %swap3A_153 {strides = array<i32>} : memref<256xf32, #tpu.memory_space<vmem>>, vector<16xf32>,
    %swap3A_154 = arith.constant 240 : index
    %swap3A_155 = tpu.vector_load %arg10[%swap3A_154] {strides = array<i32>} : memref<256xf32, #tpu.memory_space<vmem>>, vector<16xf32>,
    %swap3A_156 = vector.shape_cast %swap3A_155 : vector<16xf32> to vector<16xf32>
    %swap3A_157 = vector.shape_cast %scan3A_93#17 : vector<16xf32> to vector<16xf32>
    tpu.vector_store %arg10[%swap3A_154], %swap3A_157 {strides = array<i32>} : memref<256xf32, #tpu.memory_space<vmem>>, vector<16xf32>,
    %eq3A = arith.constant 0 : i32
    %eq3A_158 = vector.broadcast %eq3A : i32 to vector<16xi32>
    %eq3A_159 = arith.cmpi eq, %iota3A, %eq3A_158 : vector<16xi32>
    %eq3A_160 = arith.constant 1 : i32
    %eq3A_161 = vector.broadcast %eq3A_160 : i32 to vector<16xi32>
    %eq3A_162 = arith.cmpi eq, %iota3A, %eq3A_161 : vector<16xi32>
    %broadcast_in_dim3A_163 = arith.constant 0.000000e+00 : f32
    %broadcast_in_dim3A_164 = vector.broadcast %broadcast_in_dim3A_163 : f32 to vector<16xf32>
    %select_n3A = arith.select %eq3A_162, %scan3A_93#1, %broadcast_in_dim3A_164 : vector<16xi1>, vector<16xf32>
    %select_n3A_165 = arith.select %eq3A_159, %scan3A_93#0, %select_n3A : vector<16xi1>, vector<16xf32>
    %swap3A_166 = arith.constant 0 : index
    %swap3A_167 = tpu.vector_load %arg11[%swap3A_166] {strides = array<i32>} : memref<16xf32, #tpu.memory_space<vmem>>, vector<16xf32>,
    %swap3A_168 = vector.shape_cast %swap3A_167 : vector<16xf32> to vector<16xf32>
    %swap3A_169 = vector.shape_cast %select_n3A_165 : vector<16xf32> to vector<16xf32>
    tpu.vector_store %arg11[%swap3A_166], %swap3A_169 {strides = array<i32>} : memref<16xf32, #tpu.memory_space<vmem>>, vector<16xf32>,
    "tpu.region"() ({
      %run_scoped3A = tpu.sem_alloc : memref<!tpu.dma_semaphore, #tpu.memory_space<semaphore_mem>>
      %dma_start3A_170 = arith.constant 0 : i32
      %dma_start3A_171 = tpu.memref_slice %arg4[%add3A, %dma_start3A_170] : memref<32x256xf32, #tpu.memory_space<hbm>> -> memref<1x256xf32, #tpu.memory_space<hbm>>
      %dma_start3A_172 = tpu.memref_squeeze %dma_start3A_171 : memref<1x256xf32, #tpu.memory_space<hbm>> -> memref<256xf32, #tpu.memory_space<hbm>>
      %dma_start3A_173 = arith.constant 0 : i32
      %dma_start3A_174 = tpu.memref_slice %arg4[%add3A, %dma_start3A_173] : memref<32x256xf32, #tpu.memory_space<hbm>> -> memref<1x256xf32, #tpu.memory_space<hbm>>
      %dma_start3A_175 = tpu.memref_squeeze %dma_start3A_174 : memref<1x256xf32, #tpu.memory_space<hbm>> -> memref<256xf32, #tpu.memory_space<hbm>>
      tpu.enqueue_dma source(%arg10 : memref<256xf32, #tpu.memory_space<vmem>>) target(%dma_start3A_175 : memref<256xf32, #tpu.memory_space<hbm>>) target_semaphore(%run_scoped3A : memref<!tpu.dma_semaphore, #tpu.memory_space<semaphore_mem>>)
      %dma_wait3A = arith.constant 0 : i32
      %dma_wait3A_176 = tpu.memref_slice %arg4[%add3A, %dma_wait3A] : memref<32x256xf32, #tpu.memory_space<hbm>> -> memref<1x256xf32, #tpu.memory_space<hbm>>
      %dma_wait3A_177 = tpu.memref_squeeze %dma_wait3A_176 : memref<1x256xf32, #tpu.memory_space<hbm>> -> memref<256xf32, #tpu.memory_space<hbm>>
      %dma_wait3A_178 = arith.constant 0 : i32
      %dma_wait3A_179 = tpu.memref_slice %arg4[%add3A, %dma_wait3A_178] : memref<32x256xf32, #tpu.memory_space<hbm>> -> memref<1x256xf32, #tpu.memory_space<hbm>>
      %dma_wait3A_180 = tpu.memref_squeeze %dma_wait3A_179 : memref<1x256xf32, #tpu.memory_space<hbm>> -> memref<256xf32, #tpu.memory_space<hbm>>
      tpu.wait_dma2 semaphore(%run_scoped3A : memref<!tpu.dma_semaphore, #tpu.memory_space<semaphore_mem>>) src(%arg10 : memref<256xf32, #tpu.memory_space<vmem>>) dst(%dma_wait3A_180 : memref<256xf32, #tpu.memory_space<hbm>>)
      tpu.yield
    }) : () -> ()
    "tpu.region"() ({
      %run_scoped3A = tpu.sem_alloc : memref<!tpu.dma_semaphore, #tpu.memory_space<semaphore_mem>>
      %dma_start3A_170 = arith.constant 0 : i32
      %dma_start3A_171 = tpu.memref_slice %arg5[%add3A, %dma_start3A_170] : memref<32x16xf32, #tpu.memory_space<hbm>> -> memref<1x16xf32, #tpu.memory_space<hbm>>
      %dma_start3A_172 = tpu.memref_squeeze %dma_start3A_171 : memref<1x16xf32, #tpu.memory_space<hbm>> -> memref<16xf32, #tpu.memory_space<hbm>>
      %dma_start3A_173 = arith.constant 0 : i32
      %dma_start3A_174 = tpu.memref_slice %arg5[%add3A, %dma_start3A_173] : memref<32x16xf32, #tpu.memory_space<hbm>> -> memref<1x16xf32, #tpu.memory_space<hbm>>
      %dma_start3A_175 = tpu.memref_squeeze %dma_start3A_174 : memref<1x16xf32, #tpu.memory_space<hbm>> -> memref<16xf32, #tpu.memory_space<hbm>>
      tpu.enqueue_dma source(%arg11 : memref<16xf32, #tpu.memory_space<vmem>>) target(%dma_start3A_175 : memref<16xf32, #tpu.memory_space<hbm>>) target_semaphore(%run_scoped3A : memref<!tpu.dma_semaphore, #tpu.memory_space<semaphore_mem>>)
      %dma_wait3A = arith.constant 0 : i32
      %dma_wait3A_176 = tpu.memref_slice %arg5[%add3A, %dma_wait3A] : memref<32x16xf32, #tpu.memory_space<hbm>> -> memref<1x16xf32, #tpu.memory_space<hbm>>
      %dma_wait3A_177 = tpu.memref_squeeze %dma_wait3A_176 : memref<1x16xf32, #tpu.memory_space<hbm>> -> memref<16xf32, #tpu.memory_space<hbm>>
      %dma_wait3A_178 = arith.constant 0 : i32
      %dma_wait3A_179 = tpu.memref_slice %arg5[%add3A, %dma_wait3A_178] : memref<32x16xf32, #tpu.memory_space<hbm>> -> memref<1x16xf32, #tpu.memory_space<hbm>>
      %dma_wait3A_180 = tpu.memref_squeeze %dma_wait3A_179 : memref<1x16xf32, #tpu.memory_space<hbm>> -> memref<16xf32, #tpu.memory_space<hbm>>
      tpu.wait_dma2 semaphore(%run_scoped3A : memref<!tpu.dma_semaphore, #tpu.memory_space<semaphore_mem>>) src(%arg11 : memref<16xf32, #tpu.memory_space<vmem>>) dst(%dma_wait3A_180 : memref<16xf32, #tpu.memory_space<hbm>>)
      tpu.yield
    }) : () -> ()
    return
  }
}

module attributes {stable_mosaic.version = 14 : i64} {
  func.func @_merge_body(%arg0: memref<32x256xf32, #tpu.memory_space<vmem>>, %arg1: memref<32x16xf32, #tpu.memory_space<vmem>>, %arg2: memref<1x256xf32, #tpu.memory_space<vmem>>, %arg3: memref<1x16xf32, #tpu.memory_space<vmem>>, %arg4: memref<1x256xf32, #tpu.memory_space<vmem>>) attributes {dimension_semantics = [], scalar_prefetch = 0 : i64, scratch_operands = 0 : i64, tpu.core_type = #tpu.core_type<tc>} {
    %get3A = arith.constant 0 : index
    %get3A_0 = arith.constant 0 : index
    %get3A_1 = vector.load %arg1[%get3A, %get3A_0] : memref<32x16xf32, #tpu.memory_space<vmem>>, vector<32x1xf32>
    %get3A_2 = arith.constant 0 : index
    %get3A_3 = arith.constant 1 : index
    %get3A_4 = vector.load %arg1[%get3A_2, %get3A_3] : memref<32x16xf32, #tpu.memory_space<vmem>>, vector<32x1xf32>
    %get3A_5 = arith.constant 0 : index
    %get3A_6 = arith.constant 0 : index
    %get3A_7 = vector.load %arg3[%get3A_5, %get3A_6] : memref<1x16xf32, #tpu.memory_space<vmem>>, vector<1x1xf32>
    %get3A_8 = vector.extract %get3A_7[0, 0] : f32 from vector<1x1xf32>
    %get3A_9 = arith.constant 0 : index
    %get3A_10 = arith.constant 1 : index
    %get3A_11 = vector.load %arg3[%get3A_9, %get3A_10] : memref<1x16xf32, #tpu.memory_space<vmem>>, vector<1x1xf32>
    %get3A_12 = vector.extract %get3A_11[0, 0] : f32 from vector<1x1xf32>
    %reduce_max3A = vector.shape_cast %get3A_1 : vector<32x1xf32> to vector<1x32x1xf32>
    %reduce_max3A_13 = arith.constant dense<0xFF800000> : vector<1xf32>
    %reduce_max3A_14 = vector.multi_reduction <maximumf>, %reduce_max3A, %reduce_max3A_13 [1, 2] : vector<1x32x1xf32> to vector<1xf32>
    %reduce_max3A_15 = vector.shape_cast %reduce_max3A_14 : vector<1xf32> to vector<1x1x1xf32>
    %reduce_max3A_16 = vector.extract %reduce_max3A_15[0, 0, 0] : f32 from vector<1x1x1xf32>
    %max3A = arith.maximumf %reduce_max3A_16, %get3A_8 : f32
    %sub3A = vector.broadcast %max3A : f32 to vector<32x1xf32>
    %sub3A_17 = arith.subf %get3A_1, %sub3A : vector<32x1xf32>
    %exp3A = math.exp %sub3A_17 : vector<32x1xf32>
    %sub3A_18 = arith.subf %get3A_8, %max3A : f32
    %exp3A_19 = math.exp %sub3A_18 : f32
    %get3A_20 = arith.constant 0 : index
    %get3A_21 = arith.constant 0 : index
    %get3A_22 = vector.load %arg0[%get3A_20, %get3A_21] : memref<32x256xf32, #tpu.memory_space<vmem>>, vector<32x256xf32>
    %mul3A = vector.broadcast %exp3A : vector<32x1xf32> to vector<32x256xf32>
    %mul3A_23 = arith.mulf %mul3A, %get3A_22 : vector<32x256xf32>
    %reduce_sum3A = arith.constant dense<0.000000e+00> : vector<256xf32>
    %reduce_sum3A_24 = vector.multi_reduction <add>, %mul3A_23, %reduce_sum3A [0] : vector<32x256xf32> to vector<256xf32>
    %broadcast_in_dim3A = vector.shape_cast %reduce_sum3A_24 : vector<256xf32> to vector<1x256xf32>
    %get3A_25 = arith.constant 0 : index
    %get3A_26 = arith.constant 0 : index
    %get3A_27 = vector.load %arg2[%get3A_25, %get3A_26] : memref<1x256xf32, #tpu.memory_space<vmem>>, vector<1x256xf32>
    %mul3A_28 = vector.broadcast %exp3A_19 : f32 to vector<1x256xf32>
    %mul3A_29 = arith.mulf %mul3A_28, %get3A_27 : vector<1x256xf32>
    %add3A = arith.addf %broadcast_in_dim3A, %mul3A_29 : vector<1x256xf32>
    %mul3A_30 = arith.mulf %exp3A, %get3A_4 : vector<32x1xf32>
    %reduce_sum3A_31 = vector.shape_cast %mul3A_30 : vector<32x1xf32> to vector<1x32x1xf32>
    %reduce_sum3A_32 = arith.constant dense<0.000000e+00> : vector<1xf32>
    %reduce_sum3A_33 = vector.multi_reduction <add>, %reduce_sum3A_31, %reduce_sum3A_32 [1, 2] : vector<1x32x1xf32> to vector<1xf32>
    %reduce_sum3A_34 = vector.shape_cast %reduce_sum3A_33 : vector<1xf32> to vector<1x1x1xf32>
    %reduce_sum3A_35 = vector.extract %reduce_sum3A_34[0, 0, 0] : f32 from vector<1x1x1xf32>
    %mul3A_36 = arith.mulf %exp3A_19, %get3A_12 : f32
    %add3A_37 = arith.addf %reduce_sum3A_35, %mul3A_36 : f32
    %div3A = vector.broadcast %add3A_37 : f32 to vector<1x256xf32>
    %div3A_38 = arith.divf %add3A, %div3A : vector<1x256xf32>
    %swap3A = arith.constant 0 : index
    %swap3A_39 = arith.constant 0 : index
    %swap3A_40 = vector.load %arg4[%swap3A, %swap3A_39] : memref<1x256xf32, #tpu.memory_space<vmem>>, vector<1x256xf32>
    tpu.vector_store %arg4[%swap3A, %swap3A_39], %div3A_38 {strides = array<i32>} : memref<1x256xf32, #tpu.memory_space<vmem>>, vector<1x256xf32>,
    return
  }
}

module attributes {stable_mosaic.version = 14 : i64} {
  func.func @_tc_flash_body(%arg0: i32, %arg1: memref<1x256xf32, #tpu.memory_space<vmem>>, %arg2: memref<4096x256xf32, #tpu.memory_space<vmem>>, %arg3: memref<1x256xf32, #tpu.memory_space<vmem>>, %arg4: memref<1x16xf32, #tpu.memory_space<vmem>>, %arg5: memref<1x1xf32, #tpu.memory_space<smem>>, %arg6: memref<1x1xf32, #tpu.memory_space<smem>>, %arg7: memref<1x256xf32, #tpu.memory_space<vmem>>) attributes {dimension_semantics = [#tpu.dimension_semantics<arbitrary>], iteration_bounds = array<i64: 12>, scalar_prefetch = 0 : i64, scratch_operands = 3 : i64, tpu.core_type = #tpu.core_type<tc>, window_params = [{pipeline_mode = #tpu.pipeline_mode<synchronous>, transform_indices = @transform_0, window_bounds = array<i64: 1, 256>}, {transform_indices = @transform_1, window_bounds = array<i64: 4096, 256>}, {pipeline_mode = #tpu.pipeline_mode<synchronous>, transform_indices = @transform_2, window_bounds = array<i64: 1, 256>}, {pipeline_mode = #tpu.pipeline_mode<synchronous>, transform_indices = @transform_3, window_bounds = array<i64: 1, 16>}]} {
    %eq3A = arith.constant 0 : i32
    %eq3A_0 = arith.cmpi eq, %arg0, %eq3A : i32
    %convert_element_type3A = arith.extui %eq3A_0 : i1 to i32
    %cond3A = arith.constant 0 : i32
    %cond3A_1 = arith.cmpi ne, %convert_element_type3A, %cond3A : i32
    scf.if %cond3A_1 {
      %swap3A_55 = arith.constant 0xFF800000 : f32
      %swap3A_56 = arith.constant 0 : index
      %swap3A_57 = arith.constant 0 : index
      %swap3A_58 = memref.load %arg5[%swap3A_56, %swap3A_57] : memref<1x1xf32, #tpu.memory_space<smem>>
      memref.store %swap3A_55, %arg5[%swap3A_56, %swap3A_57] : memref<1x1xf32, #tpu.memory_space<smem>>
      %swap3A_59 = arith.constant 0.000000e+00 : f32
      %swap3A_60 = arith.constant 0 : index
      %swap3A_61 = arith.constant 0 : index
      %swap3A_62 = memref.load %arg6[%swap3A_60, %swap3A_61] : memref<1x1xf32, #tpu.memory_space<smem>>
      memref.store %swap3A_59, %arg6[%swap3A_60, %swap3A_61] : memref<1x1xf32, #tpu.memory_space<smem>>
      %broadcast_in_dim3A_63 = arith.constant 0.000000e+00 : f32
      %broadcast_in_dim3A_64 = vector.broadcast %broadcast_in_dim3A_63 : f32 to vector<1x256xf32>
      %swap3A_65 = arith.constant 0 : index
      %swap3A_66 = arith.constant 0 : index
      %swap3A_67 = vector.load %arg7[%swap3A_65, %swap3A_66] : memref<1x256xf32, #tpu.memory_space<vmem>>, vector<1x256xf32>
      tpu.vector_store %arg7[%swap3A_65, %swap3A_66], %broadcast_in_dim3A_64 {strides = array<i32>} : memref<1x256xf32, #tpu.memory_space<vmem>>, vector<1x256xf32>,
    } else {
    }
    %get3A = arith.constant 0 : index
    %get3A_2 = arith.constant 0 : index
    %get3A_3 = vector.load %arg2[%get3A, %get3A_2] : memref<4096x256xf32, #tpu.memory_space<vmem>>, vector<4096x256xf32>
    %get3A_4 = arith.constant 0 : index
    %get3A_5 = arith.constant 0 : index
    %get3A_6 = vector.load %arg1[%get3A_4, %get3A_5] : memref<1x256xf32, #tpu.memory_space<vmem>>, vector<1x256xf32>
    %mul3A = vector.broadcast %get3A_6 : vector<1x256xf32> to vector<4096x256xf32>
    %mul3A_7 = arith.mulf %get3A_3, %mul3A : vector<4096x256xf32>
    %reduce_sum3A = arith.constant dense<0.000000e+00> : vector<4096xf32>
    %reduce_sum3A_8 = vector.multi_reduction <add>, %mul3A_7, %reduce_sum3A [1] : vector<4096x256xf32> to vector<4096xf32>
    %broadcast_in_dim3A = vector.shape_cast %reduce_sum3A_8 : vector<4096xf32> to vector<4096x1xf32>
    %mul3A_9 = arith.constant 6.250000e-02 : f32
    %mul3A_10 = vector.broadcast %mul3A_9 : f32 to vector<4096x1xf32>
    %mul3A_11 = arith.mulf %broadcast_in_dim3A, %mul3A_10 : vector<4096x1xf32>
    %reduce_max3A = vector.shape_cast %mul3A_11 : vector<4096x1xf32> to vector<1x4096x1xf32>
    %reduce_max3A_12 = arith.constant dense<0xFF800000> : vector<1xf32>
    %reduce_max3A_13 = vector.multi_reduction <maximumf>, %reduce_max3A, %reduce_max3A_12 [1, 2] : vector<1x4096x1xf32> to vector<1xf32>
    %reduce_max3A_14 = vector.shape_cast %reduce_max3A_13 : vector<1xf32> to vector<1x1x1xf32>
    %reduce_max3A_15 = vector.extract %reduce_max3A_14[0, 0, 0] : f32 from vector<1x1x1xf32>
    %get3A_16 = arith.constant 0 : index
    %get3A_17 = arith.constant 0 : index
    %get3A_18 = memref.load %arg5[%get3A_16, %get3A_17] : memref<1x1xf32, #tpu.memory_space<smem>>
    %max3A = arith.maximumf %get3A_18, %reduce_max3A_15 : f32
    %sub3A = arith.subf %get3A_18, %max3A : f32
    %exp3A = math.exp %sub3A : f32
    %sub3A_19 = vector.broadcast %max3A : f32 to vector<4096x1xf32>
    %sub3A_20 = arith.subf %mul3A_11, %sub3A_19 : vector<4096x1xf32>
    %exp3A_21 = math.exp %sub3A_20 : vector<4096x1xf32>
    %get3A_22 = arith.constant 0 : index
    %get3A_23 = arith.constant 0 : index
    %get3A_24 = memref.load %arg6[%get3A_22, %get3A_23] : memref<1x1xf32, #tpu.memory_space<smem>>
    %mul3A_25 = arith.mulf %get3A_24, %exp3A : f32
    %reduce_sum3A_26 = vector.shape_cast %exp3A_21 : vector<4096x1xf32> to vector<1x4096x1xf32>
    %reduce_sum3A_27 = arith.constant dense<0.000000e+00> : vector<1xf32>
    %reduce_sum3A_28 = vector.multi_reduction <add>, %reduce_sum3A_26, %reduce_sum3A_27 [1, 2] : vector<1x4096x1xf32> to vector<1xf32>
    %reduce_sum3A_29 = vector.shape_cast %reduce_sum3A_28 : vector<1xf32> to vector<1x1x1xf32>
    %reduce_sum3A_30 = vector.extract %reduce_sum3A_29[0, 0, 0] : f32 from vector<1x1x1xf32>
    %add3A = arith.addf %mul3A_25, %reduce_sum3A_30 : f32
    %swap3A = arith.constant 0 : index
    %swap3A_31 = arith.constant 0 : index
    %swap3A_32 = memref.load %arg6[%swap3A, %swap3A_31] : memref<1x1xf32, #tpu.memory_space<smem>>
    memref.store %add3A, %arg6[%swap3A, %swap3A_31] : memref<1x1xf32, #tpu.memory_space<smem>>
    %get3A_33 = arith.constant 0 : index
    %get3A_34 = arith.constant 0 : index
    %get3A_35 = vector.load %arg7[%get3A_33, %get3A_34] : memref<1x256xf32, #tpu.memory_space<vmem>>, vector<1x256xf32>
    %mul3A_36 = vector.broadcast %exp3A : f32 to vector<1x256xf32>
    %mul3A_37 = arith.mulf %get3A_35, %mul3A_36 : vector<1x256xf32>
    %mul3A_38 = vector.broadcast %exp3A_21 : vector<4096x1xf32> to vector<4096x256xf32>
    %mul3A_39 = arith.mulf %mul3A_38, %get3A_3 : vector<4096x256xf32>
    %reduce_sum3A_40 = arith.constant dense<0.000000e+00> : vector<256xf32>
    %reduce_sum3A_41 = vector.multi_reduction <add>, %mul3A_39, %reduce_sum3A_40 [0] : vector<4096x256xf32> to vector<256xf32>
    %broadcast_in_dim3A_42 = vector.shape_cast %reduce_sum3A_41 : vector<256xf32> to vector<1x256xf32>
    %add3A_43 = arith.addf %mul3A_37, %broadcast_in_dim3A_42 : vector<1x256xf32>
    %swap3A_44 = arith.constant 0 : index
    %swap3A_45 = arith.constant 0 : index
    %swap3A_46 = vector.load %arg7[%swap3A_44, %swap3A_45] : memref<1x256xf32, #tpu.memory_space<vmem>>, vector<1x256xf32>
    tpu.vector_store %arg7[%swap3A_44, %swap3A_45], %add3A_43 {strides = array<i32>} : memref<1x256xf32, #tpu.memory_space<vmem>>, vector<1x256xf32>,
    %swap3A_47 = arith.constant 0 : index
    %swap3A_48 = arith.constant 0 : index
    %swap3A_49 = memref.load %arg5[%swap3A_47, %swap3A_48] : memref<1x1xf32, #tpu.memory_space<smem>>
    memref.store %max3A, %arg5[%swap3A_47, %swap3A_48] : memref<1x1xf32, #tpu.memory_space<smem>>
    %eq3A_50 = arith.constant 11 : i32
    %eq3A_51 = arith.cmpi eq, %arg0, %eq3A_50 : i32
    %convert_element_type3A_52 = arith.extui %eq3A_51 : i1 to i32
    %cond3A_53 = arith.constant 0 : i32
    %cond3A_54 = arith.cmpi ne, %convert_element_type3A_52, %cond3A_53 : i32
    scf.if %cond3A_54 {
      %get3A_55 = arith.constant 0 : index
      %get3A_56 = arith.constant 0 : index
      %get3A_57 = vector.load %arg7[%get3A_55, %get3A_56] : memref<1x256xf32, #tpu.memory_space<vmem>>, vector<1x256xf32>
      %swap3A_58 = arith.constant 0 : index
      %swap3A_59 = arith.constant 0 : index
      %swap3A_60 = vector.load %arg3[%swap3A_58, %swap3A_59] : memref<1x256xf32, #tpu.memory_space<vmem>>, vector<1x256xf32>
      tpu.vector_store %arg3[%swap3A_58, %swap3A_59], %get3A_57 {strides = array<i32>} : memref<1x256xf32, #tpu.memory_space<vmem>>, vector<1x256xf32>,
      %iota3A = tpu.iota {dimensions = array<i32: 1>} : vector<1x16xi32>
      %eq3A_61 = arith.constant 0 : i32
      %eq3A_62 = vector.broadcast %eq3A_61 : i32 to vector<1x16xi32>
      %eq3A_63 = arith.cmpi eq, %iota3A, %eq3A_62 : vector<1x16xi32>
      %get3A_64 = arith.constant 0 : index
      %get3A_65 = arith.constant 0 : index
      %get3A_66 = memref.load %arg5[%get3A_64, %get3A_65] : memref<1x1xf32, #tpu.memory_space<smem>>
      %eq3A_67 = arith.constant 1 : i32
      %eq3A_68 = vector.broadcast %eq3A_67 : i32 to vector<1x16xi32>
      %eq3A_69 = arith.cmpi eq, %iota3A, %eq3A_68 : vector<1x16xi32>
      %get3A_70 = arith.constant 0 : index
      %get3A_71 = arith.constant 0 : index
      %get3A_72 = memref.load %arg6[%get3A_70, %get3A_71] : memref<1x1xf32, #tpu.memory_space<smem>>
      %jit3A = arith.constant 0.000000e+00 : f32
      %broadcast_in_dim3A_73 = vector.broadcast %get3A_72 : f32 to vector<1x16xf32>
      %broadcast_in_dim3A_74 = vector.broadcast %jit3A : f32 to vector<1x16xf32>
      %select_n3A = arith.select %eq3A_69, %broadcast_in_dim3A_73, %broadcast_in_dim3A_74 : vector<1x16xi1>, vector<1x16xf32>
      %broadcast_in_dim3A_75 = vector.broadcast %get3A_66 : f32 to vector<1x16xf32>
      %select_n3A_76 = arith.select %eq3A_63, %broadcast_in_dim3A_75, %select_n3A : vector<1x16xi1>, vector<1x16xf32>
      %swap3A_77 = arith.constant 0 : index
      %swap3A_78 = arith.constant 0 : index
      %swap3A_79 = vector.load %arg4[%swap3A_77, %swap3A_78] : memref<1x16xf32, #tpu.memory_space<vmem>>, vector<1x16xf32>
      tpu.vector_store %arg4[%swap3A_77, %swap3A_78], %select_n3A_76 {strides = array<i32>} : memref<1x16xf32, #tpu.memory_space<vmem>>, vector<1x16xf32>,
    } else {
    }
    return
  }
  func.func @transform_0(%arg0: i32) -> (i32, i32) {
    %c0_i32 = arith.constant 0 : i32
    %c0_i32_0 = arith.constant 0 : i32
    %c0_i32_1 = arith.constant 0 : i32
    return %c0_i32, %c0_i32_0 : i32, i32
  }
  func.func @transform_1(%arg0: i32) -> (i32, i32) {
    %add3A = arith.constant 4 : i32
    %add3A_0 = arith.addi %add3A, %arg0 : i32
    %c0_i32 = arith.constant 0 : i32
    %c0_i32_1 = arith.constant 0 : i32
    return %add3A_0, %c0_i32 : i32, i32
  }
  func.func @transform_2(%arg0: i32) -> (i32, i32) {
    %c0_i32 = arith.constant 0 : i32
    %c0_i32_0 = arith.constant 0 : i32
    %c0_i32_1 = arith.constant 0 : i32
    return %c0_i32, %c0_i32_0 : i32, i32
  }
  func.func @transform_3(%arg0: i32) -> (i32, i32) {
    %c0_i32 = arith.constant 0 : i32
    %c0_i32_0 = arith.constant 0 : i32
    %c0_i32_1 = arith.constant 0 : i32
    return %c0_i32, %c0_i32_0 : i32, i32
  }
}

module attributes {stable_mosaic.version = 14 : i64} {
  func.func @_q_body(%arg0: memref<1x512xf32, #tpu.memory_space<vmem>>, %arg1: memref<512x256xf32, #tpu.memory_space<vmem>>, %arg2: memref<1x256xf32, #tpu.memory_space<vmem>>, %arg3: memref<1x256xf32, #tpu.memory_space<vmem>>) attributes {dimension_semantics = [], scalar_prefetch = 0 : i64, scratch_operands = 0 : i64, tpu.core_type = #tpu.core_type<tc>} {
    %get3A = arith.constant 0 : index
    %get3A_0 = arith.constant 0 : index
    %get3A_1 = vector.load %arg0[%get3A, %get3A_0] : memref<1x512xf32, #tpu.memory_space<vmem>>, vector<1x512xf32>
    %get3A_2 = arith.constant 0 : index
    %get3A_3 = arith.constant 0 : index
    %get3A_4 = vector.load %arg1[%get3A_2, %get3A_3] : memref<512x256xf32, #tpu.memory_space<vmem>>, vector<512x256xf32>
    %dot_general3A = arith.constant dense<0.000000e+00> : vector<1x256xf32>
    %dot_general3A_5 = tpu.matmul %get3A_1, %get3A_4, %dot_general3A {dimension_numbers = #tpu.dot_dimension_numbers<[1], [0], [0], [1], [0, 0, 1, 1], [], []>, transpose_lhs_hint = false} : vector<1x512xf32>, vector<512x256xf32>, vector<1x256xf32> -> vector<1x256xf32>
    %get3A_6 = arith.constant 0 : index
    %get3A_7 = arith.constant 0 : index
    %get3A_8 = vector.load %arg2[%get3A_6, %get3A_7] : memref<1x256xf32, #tpu.memory_space<vmem>>, vector<1x256xf32>
    %add3A = arith.addf %dot_general3A_5, %get3A_8 : vector<1x256xf32>
    %swap3A = arith.constant 0 : index
    %swap3A_9 = arith.constant 0 : index
    %swap3A_10 = vector.load %arg3[%swap3A, %swap3A_9] : memref<1x256xf32, #tpu.memory_space<vmem>>, vector<1x256xf32>
    tpu.vector_store %arg3[%swap3A, %swap3A_9], %add3A {strides = array<i32>} : memref<1x256xf32, #tpu.memory_space<vmem>>, vector<1x256xf32>,
    return
  }
}

</mosaic_0001>

<sc_bundles>
// kernel: kernel.6.cloned.1.call-start
scs
__scs_entry_jumppad:
0x0: {  	(pc) =	sbr.rel $0x88, $3  }
0x1: {  	(tag) =	ssettag $0x0;
	lr =	simm.s32 $0x1  }
0x2: {  	[smem:$0x3F9D] =	sst lr;
	_ =	strace $0xD0000000  }
0x3: {  	_ = 	snop  }
0x4: {  	_ = 	snop  }
0x5: {  	_ = 	snop  }
0x6: {  	_ = 	snop  }
0x7: {  	_ = 	snop  }
__scs_overlays_trampoline_lowered:
0x8: {  	[smem:$0x3FAC] =	sst s0  }
0x9: {  	[smem:$0x3FAD] =	sst s1  }
0xa: {  	[smem:$0x3FAE] =	sst s2  }
0xb: {  	[smem:$0x3FAF] =	sst s3  }
0xc: {  	[smem:$0x3FB0] =	sst s4  }
0xd: {  	[smem:$0x3FB1] =	sst s5  }
0xe: {  	[smem:$0x3FB2] =	sst s6  }
0xf: {  	[smem:$0x3FB3] =	sst s7  }
0x10: {  	[smem:$0x3FB4] =	sst s8  }
0x11: {  	[smem:$0x3FB5] =	sst s9;
	s0 =	simm.s32 @!p0 $0x0  }
0x12: {  	s1 =	sld [smem:$0x3F9B];
	s0 =	simm.s32 @p0 $0x1  }
0x13: {  	[smem:$0x3FB6] =	sst s0;
	s0 =	simm.s32 @!p1 $0x0  }
0x14: {  	s2 =	sld [smem:$0x3F9A];
	s0 =	simm.s32 @p1 $0x1  }
0x15: {  	[smem:$0x3FB7] =	sst s0;
	s0 =	simm.s32 @!p2 $0x0  }
0x16: {  	s3 =	sld [smem:$0x3FDB];
	s0 =	simm.s32 @p2 $0x1  }
0x17: {  	s4 =	simm.s32 $0x1BF5;
	[smem:$0x3FB9] =	sst s0  }
0x18: {  	s0 =	sld [smem:$0x3F9C];
	_ =	swait.ge [sflag:s4], $0x0  }
0x19: {  	s7 =	sld [smem:$0x3F9D]  }
0x1a: {  	s8 =	sadd.s32 $0xFFFFE003, lr  }
0x1b: {  	s9 =	sadd.s32 $0xFFFFFEF7, lr;
	s5 =	simm.s32 $0xFFFFFFFF;
	p2 =	slt.u32 s8, $0xFFFFF086  }
0x1c: {  	p1 =	slt.u32 s9, $0xF7A;
	s5 =	simm.s32 @!p2 $0x0  }
0x1d: {  	s5 =	simm.s32 @p1 $0x1;
	p0 =	seq.s32 s7, s2  }
0x1e: {  	s7 =	smul.u32 @!p0 $0xF7A, s2;
	p2 =	seq.s32 @!p0 s5, $0x0  }
0x1f: {  	s9 =	smul.u32 $0xF7A, s1;
	s8 =	simm.s32 @!p0 $0x1BF5;
	p2 =	por !p2, p0  }
0x20: {  	[sflag:s8] =	ssyncset.s32 @!p0 $0xFFFFF086;
	s6 =	sadd.s32 @!p0 s3, s7;
	s7 =	simm.s32 @!p0 $0x108  }
0x21: {  	s3 =	sadd.s32 s3, s9;
	s6 =	sadd.s32 @!p0 $0x88, s6;
	s7 =	simm.s32 @p2 $0x1082  }
0x22: {  	[simem:s7], [sflag:s8] =	dma.local @!p0 [hbm:s6], $0xF7A  }
0x23: {  	s9 =	sor.u32 $0xD0000000, s2;
	s6 =	simm.s32 $0x108;
	_ =	swait.ge @!p0 [sflag:s8], $0x0  }
0x24: {  	s3 =	sadd.s32 $0x88, s3;
	s6 =	simm.s32 @!p1 $0x1082;
	[sflag:s4] =	ssyncset.s32 $0xFFFFF086  }
0x25: {  	[simem:s6], [sflag:s4] =	dma.local [hbm:s3], $0xF7A  }
0x26: {  	[smem:$0x3F9D] =	sst s1;
	(tag) =	ssettag s2;
	_ =	strace s9  }
0x27: {  	s1 =	sld [smem:$0x3FAD]  }
0x28: {  	s2 =	sld [smem:$0x3FAE]  }
0x29: {  	s4 =	sld [smem:$0x3FB0]  }
0x2a: {  	p0 =	seq.s32 s5, $0x0;
	s5 =	sld [smem:$0x3FB1]  }
0x2b: {  	s6 =	sld [smem:$0x3FB2]  }
0x2c: {  	s7 =	sld [smem:$0x3FB3]  }
0x2d: {  	s3 =	simm.s32 $0x108;
	s8 =	sld [smem:$0x3FB4]  }
0x2e: {  	s3 =	simm.s32 @!p0 $0x1082;
	s9 =	sld [smem:$0x3FB5]  }
0x2f: {  	lr =	sadd.s32 s0, s3;
	s0 =	sld [smem:$0x3FAC]  }
0x30: {  	s3 =	sld [smem:$0x3FAF]  }
0x31: {  	[smem:$0x3FB8] =	sst s10  }
0x32: {  	s10 =	sld [smem:$0x3FB6];
	_ =	sdelay $0x3  }
0x33: {  	p0 =	seq.s32 s10, $0x1;
	s10 =	sld [smem:$0x3FB8];
	_ =	sdelay $0x3  }
0x34: {  	[smem:$0x3FB8] =	sst s10  }
0x35: {  	s10 =	sld [smem:$0x3FB7];
	_ =	sdelay $0x3  }
0x36: {  	p1 =	seq.s32 s10, $0x1;
	s10 =	sld [smem:$0x3FB8];
	_ =	sdelay $0x3  }
0x37: {  	[smem:$0x3FB8] =	sst s10  }
0x38: {  	s10 =	sld [smem:$0x3FB9]  }
0x39: {  	_ = 	snop;
	(pc) =	sbr.ind lr, $3  }
0x3a: {  	_ = 	snop  }
0x3b: {  	_ = 	snop  }
0x3c: {  	p2 =	seq.s32 s10, $0x1;
	s10 =	sld [smem:$0x3FB8]  }
0x3d: {  	_ =	shalt  }
0x3e: {  	_ =	shalt  }
0x3f: {  	_ =	shalt  }
0x40: {  	_ =	shalt  }
0x41: {  	_ =	shalt  }
0x42: {  	_ =	shalt  }
0x43: {  	_ =	shalt  }
0x44: {  	_ =	shalt  }
0x45: {  	_ =	shalt  }
0x46: {  	_ =	shalt  }
0x47: {  	_ =	shalt  }
0x48: {  	_ =	shalt  }
0x49: {  	_ =	shalt  }
0x4a: {  	_ =	shalt  }
0x4b: {  	_ =	shalt  }
0x4c: {  	_ =	shalt  }
0x4d: {  	_ =	shalt  }
0x4e: {  	_ =	shalt  }
0x4f: {  	_ =	shalt  }
0x50: {  	_ =	shalt  }
0x51: {  	_ =	shalt  }
0x52: {  	_ =	shalt  }
0x53: {  	_ =	shalt  }
0x54: {  	_ =	shalt  }
0x55: {  	_ =	shalt  }
0x56: {  	_ =	shalt  }
0x57: {  	_ =	shalt  }
0x58: {  	_ =	shalt  }
0x59: {  	_ =	shalt  }
0x5a: {  	_ =	shalt  }
0x5b: {  	_ =	shalt  }
0x5c: {  	_ =	shalt  }
0x5d: {  	_ =	shalt  }
0x5e: {  	_ =	shalt  }
0x5f: {  	_ =	shalt  }
0x60: {  	_ =	shalt  }
0x61: {  	_ =	shalt  }
0x62: {  	_ =	shalt  }
0x63: {  	_ =	shalt  }
0x64: {  	_ =	shalt  }
0x65: {  	_ =	shalt  }
0x66: {  	_ =	shalt  }
0x67: {  	_ =	shalt  }
0x68: {  	_ =	shalt  }
0x69: {  	_ =	shalt  }
0x6a: {  	_ =	shalt  }
0x6b: {  	_ =	shalt  }
0x6c: {  	_ =	shalt  }
0x6d: {  	_ =	shalt  }
0x6e: {  	_ =	shalt  }
0x6f: {  	_ =	shalt  }
0x70: {  	_ =	shalt  }
0x71: {  	_ =	shalt  }
0x72: {  	_ =	shalt  }
0x73: {  	_ =	shalt  }
0x74: {  	_ =	shalt  }
0x75: {  	_ =	shalt  }
0x76: {  	_ =	shalt  }
0x77: {  	_ =	shalt  }
0x78: {  	_ =	shalt  }
0x79: {  	_ =	shalt  }
0x7a: {  	_ =	shalt  }
0x7b: {  	_ =	shalt  }
0x7c: {  	_ =	shalt  }
0x7d: {  	_ =	shalt  }
0x7e: {  	_ =	shalt  }
0x7f: {  	_ =	shalt  }
0x80: {  	_ =	shalt  }
0x81: {  	_ =	shalt  }
0x82: {  	_ =	shalt  }
0x83: {  	_ =	shalt  }
0x84: {  	_ =	shalt  }
0x85: {  	_ =	shalt  }
0x86: {  	_ =	shalt  }
0x87: {  	_ =	shalt  }
.Lfunc_end0:
.L_simem_size_0:
called_computation_lowered:
.L_overlay_start_0:
0x88: {  	s2 =	sld [smem:$0x3FD9]  }
0x89: {  	s3 =	sld [smem:$0x3FFE];
	_ =	sdelay $0x1  }
0x8a: {  	s1 =	srdreg.scid  }
0x8b: {  	s0 =	sand.u32 $0x1, s1  }
0x8c: {  	s17 =	sshll.u32 s0, $0xA;
	s2 =	sadd.s32 s3, s2  }
0x8d: {  	s2 =	sadd.s32 s2, s17  }
0x8e: {  	[smem:$0x3FC4] =	sst s2  }
0x8f: {  	_ = 	snop  }
0x90: {  	s2 =	sld [smem:$0x3FC8]  }
0x91: {  	s18 =	sld [smem:$0x3FD0];
	(tm) =	ssettm $0x1  }
0x92: {  	s4 =	sld [smem:$0x3FFB];
	_ =	sdelay $0x3  }
0x93: {  	_ =	strace s4  }
0x94: {  	s4 =	sld [smem:$0x3FFC];
	_ =	sdelay $0x3  }
0x95: {  	_ =	strace s4  }
0x96: {  	s4 =	sld [smem:$0x3FFD];
	_ =	sdelay $0x3  }
0x97: {  	_ =	strace s4  }
0x98: {  	_ =	strace $0x8FFFFFFF  }
0x99: {  	s19 =	sld [smem:$0x3FDB];
	_ =	sdelay $0x1  }
0x9a: {  	s5 =	simm.s32 $_scs_section_size  }
0x9b: {  	s6 =	simm.s32 $_size__tile_overlayer_lowered;
	s7 =	simm.s32 $_tile_overlayer_lowered  }
0x9c: {  	s22 =	simm.s32 $0x1BFF;
	s21 =	sshll.u32 s7, $0x1;
	s4 =	sadd.s32 s5, s19  }
0x9d: {  	s8 =	simm.s32 $0x0;
	s20 =	sshll.u32 s6, $0x1;
	s6 =	sadd.s32 s21, s4  }
0x9e: {  	[timem:s8], [sflag:s22] =	dma.local [hbm:s6], s20  }
0x9f: {  	_ =	swait.ge [sflag:s22], s20  }
0xa0: {  	s5 =	ssub.s32 $0x0, s20;
	[sflag:s22] =	ssyncset.done $0x0  }
0xa1: {  	[sflag:s22] =	ssyncadd.s32 s5;
	_ =	sdelay $0x1  }
0xa2: {  	s23 =	simm.s32 $0x1B8B  }
0xa3: {  	_ =	swait.ge [sflag:s23], $0x1  }
0xa4: {  	[sflag:s23] =	ssyncset.done $0x0  }
0xa5: {  	s25 =	simm.s32 $0x1B8E;
	s24 =	sld [smem:$0x3FFE];
	[sflag:s23] =	ssyncadd.s32 $0xFFFFFFFF  }
0xa6: {  	s26 =	simm.s32 $execute0_lowered;
	[smem:$0x3FD2] =	sst s25  }
0xa7: {  	s6 =	sshll.u32 s26, $0x1;
	_ =	strace $0x80000046;
	[dreg:$0x1] =	wrdreg $0xFFFFFFFF  }
0xa8: {  	s28 =	simm.s32 $_size_execute0_lowered;
	s4 =	sadd.s32 s4, s6;
	[dreg:$0x0] =	wrdreg $0x0  }
0xa9: {  	s6 =	sshll.u32 s28, $0x1;
	[dreg:$0x2] =	wrdreg s4  }
0xaa: {  	[dreg:$0x3] =	wrdreg s6  }
0xab: {  	[dreg:$0x4] =	wrdreg $0xC0  }
0xac: {  	_ =	task [dreg:s8], $0x5FFFF  }
0xad: {  	[dreg:$0x1] =	wrdreg $0xFFFFFFFF  }
0xae: {  	[dreg:$0x0] =	wrdreg $0x60  }
0xaf: {  	[dreg:$0x2] =	wrdreg s18  }
0xb0: {  	[dreg:$0x3] =	wrdreg s2  }
0xb1: {  	[dreg:$0x4] =	wrdreg s24  }
0xb2: {  	[dreg:$0x5] =	wrdreg $0x9  }
0xb3: {  	_ =	task.clear_ibuf [dreg:s8], $0x6FFFF;
	_ =	strace $0x90000046  }
0xb4: {  	s29 =	simm.s32 $0x9;
	_ =	strace $0x80000048  }
0xb5: {  	_ =	swait.ge [sflag:s29], $0x1  }
0xb6: {  	[sflag:s29] =	ssyncadd.s32 $0xFFFFFFFF  }
0xb7: {  	_ =	strace $0x90000048  }
0xb8: {  	_ =	sfence  }
0xb9: {  	s30 =	sld [smem:$0x0];
	_ =	sdelay $0x2  }
0xba: {  	s31 =	sshll.u32 s1, $0xD;
	s1 =	sshrl.u32 s1, $0x2  }
0xbb: {  	s3 =	sand.u32 $0x4000, s31;
	s1 =	sadd.s32 s1, s30  }
0xbc: {  	s0 =	sor.u32 s3, s0;
	s1 =	sshll.u32 s1, $0x11  }
0xbd: {  	s0 =	sor.u32 s1, s0  }
0xbe: {  	s0 =	sadd.s32 $0x8F2B, s0  }
0xbf: {  	[sflag:s0] =	ssyncadd.remote.s32 $0x1  }
0xc0: {  	_ =	sfence.sel $0xFFFF  }
0xc1: {  	[dreg:$0x0] =	wrdreg $0xFFFFFFFF;
	(pc) =	sbr.abs _section_cstart, $3  }
0xc2: {  	[dreg:$0x1] =	wrdreg $0xFFFFFFFF  }
0xc3: {  	_ =	task.clear_ibuf [dreg:s8], $0x2FFFF;
	_ =	strace $0x9FFFFFFF  }
0xc4: {  	(tm) =	ssettm $0x7FFFFFFF  }
0xc5: {  	_ =	shalt  }
tec
execute0_lowered:
.L_overlay_start_1:
0x0: {  	(tag) =	ssettag $0x1  }
0x1: {  	s1 =	rddreg [dreg:$0x0];
	s2 =	srdreg.scid  }
0x2: {  	s0 =	stileid.u32;
	s4 =	rddreg [dreg:$0x1]  }
0x3: {  	v0 =	vimm.s32 $0xEFCDAB89;
	s6 =	rddreg [dreg:$0x2];
	v1 =	vimm.s32 $0x67452301;
	s3 =	simm.s32 $0x0;
	s11 =	simm.s32 $0x100  }
0x4: {  	v2 =	vimm.s32 $0xDCFE98BA;
	v3 =	vimm.s32 $0x54761032;
	s12 =	simm.s32 $0x8100;
	s13 =	simm.s32 $0x1;
	s14 =	simm.s32 $0x2  }
0x5: {  	v4 =	vimm.s32 $0xBA98FEDC;
	v5 =	vimm.s32 $0x32107654;
	s15 =	simm.s32 $0x80;
	s16 =	simm.s32 $0x400;
	s17 =	simm.s32 $0x10180  }
0x6: {  	v6 =	vimm.s32 $0xFEDCBA98;
	v7 =	vimm.s32 $0x76543210;
	s18 =	simm.s32 $0x10280;
	s19 =	simm.s32 $0x0;
	s5 =	sand.u32 $0x1, s2;
	v0 =	vunpack.c.l.s4.s8 v0  }
0x7: {  	s30 =	sshll.u32 s0, $0x1;
	s2 =	rddreg [dreg:$0x3];
	s8 =	sshrl.u32 s0, $0x2;
	v1 =	vunpack.c.l.s4.s8 v1;
	v2 =	vunpack.c.l.s4.s8 v2;
	v3 =	vunpack.c.l.s4.s8 v3  }
0x8: {  	[smem:$0x7FF] =	sst s3;
	v4 =	vunpack.c.l.s4.s8 v4;
	v5 =	vunpack.c.l.s4.s8 v5;
	v6 =	vunpack.c.l.s4.s8 v6;
	s7 =	sor.u32 s5, s30;
	s10 =	sshll.u32 s8, $0xB  }
0x9: {  	_ =	strace $0x80000047;
	s8 =	sshll.u32 s8, $0xA;
	s9 =	sshll.u32 s7, $0x7;
	v0 =	vunpack.c.0.s8.s32 v0;
	v1 =	vunpack.c.0.s8.s32 v1;
	v2 =	vunpack.c.0.s8.s32 v2  }
0xa: {  	s5 =	ssub.s32 $0x2, s5;
	s7 =	sshll.u32 s7, $0xE;
	v3 =	vunpack.c.0.s8.s32 v3;
	v4 =	vunpack.c.0.s8.s32 v4;
	v5 =	vunpack.c.0.s8.s32 v5;
	s9 =	sand.u32 $0x380, s9  }
0xb: {  	s31 =	sshrl.u32 s5, $0x1;
	s4 =	sadd.s32 s4, s7;
	s10 =	sor.u32 s10, s9;
	v0 =	vcombine.low v1, v0;
	v1 =	vunpack.c.l.s4.s8 v7  }
0xc: {  	s8 =	sor.u32 s8, s9;
	s9 =	ssub.s32 s5, s31;
	s5 =	sadd.s32 $0x1000, s4;
	v2 =	vcombine.low v3, v2;
	v3 =	vcombine.low v5, v4;
	v4 =	vunpack.c.0.s8.s32 v6  }
0xd: {  	s10 =	sshrl.u32 s10, $0x3;
	s8 =	sshrl.u32 s8, $0x3;
	s9 =	smax.u32 s9, $0x1;
	v5 =	vunpack.c.0.s8.s32 v1  }
0xe: {  	s10 =	sadd.s32 s10, s6;
	s8 =	sadd.s32 s8, s6;
	s6 =	sadd.s32 $0x2000, s4;
	v1 =	vand.u32 $0xF, v2;
	v2 =	vand.u32 $0xF, v3;
	v3 =	vand.u32 $0xF, v4  }
0xf: {  	vm0 =	vcmask $0x3F08;
	v0 =	vand.u32 $0xF, v0;
	s7 =	sadd.s32 $0x1800, s10;
	s8 =	sadd.s32 $0x1C00, s8;
	s10 =	simm.s32 $0x3;
	v3 =	vcombine.low v3, v5  }
.LBB2_1:
0x10: {  	[tilespmem:s3], [sflag:$0x3] =	stream.linear.gather [hbm4b:s1+s3], $0x100, $0x38;
	[tilespmem:$0x10300] =	vst v63  }
0x11: {  	_ =	swait.ge [sflag:s10], $0x100  }
0x12: {  	[sflag:s10] =	ssyncset.done $0x0  }
0x13: {  	[sflag:s10] =	ssyncadd.s32 $0xFFFFFF00  }
0x14: {  	v5 =	vld [tilespmem:$0x0]  }
0x15: {  	v6 =	vld [tilespmem:$0x10]  }
0x16: {  	v7 =	vld [tilespmem:$0x20]  }
0x17: {  	v8 =	vld [tilespmem:$0x30]  }
0x18: {  	v9 =	vld [tilespmem:$0x40]  }
0x19: {  	v10 =	vld [tilespmem:$0x50]  }
0x1a: {  	v11 =	vld [tilespmem:$0x60]  }
0x1b: {  	v12 =	vld [tilespmem:$0x70]  }
0x1c: {  	v13 =	vld [tilespmem:$0x80]  }
0x1d: {  	v14 =	vld [tilespmem:$0x90]  }
0x1e: {  	v4 =	vimm.f32 $-3.000000010e+38;
	v19 =	vimm.f32 $0.0e+00;
	v23 =	vimm.f32 $0.0e+00;
	v15 =	vld [tilespmem:$0xA0]  }
0x1f: {  	v34 =	vimm.f32 $0.0e+00;
	v35 =	vimm.f32 $0.0e+00;
	v33 =	vimm.f32 $0.0e+00;
	v16 =	vld [tilespmem:$0xB0]  }
0x20: {  	v37 =	vimm.f32 $0.0e+00;
	v39 =	vimm.f32 $0.0e+00;
	v44 =	vimm.f32 $0.0e+00;
	v17 =	vld [tilespmem:$0xC0]  }
0x21: {  	v41 =	vimm.f32 $0.0e+00;
	v42 =	vimm.f32 $0.0e+00;
	v28 =	vimm.f32 $0.0e+00;
	v18 =	vld [tilespmem:$0xD0]  }
0x22: {  	v30 =	vimm.f32 $0.0e+00;
	v25 =	vimm.f32 $0.0e+00;
	v26 =	vimm.f32 $0.0e+00;
	p2 =	por $0x1, $0x1;
	s20 =	simm.s32 $0x0;
	v20 =	vld [tilespmem:$0xE0]  }
0x23: {  	v27 =	vimm.f32 $0.0e+00;
	v29 =	vimm.f32 $0.0e+00;
	[tilespmem:$0x1FFF0] =	vst v4;
	v4 =	vimm.f32 $0.0e+00;
	v21 =	vld [tilespmem:$0xF0];
	[tilespmem:s11], [sflag:$0x1] =	stream.linear.gather [hbm4b:s4+s3], $0x8000, $0x38  }
.LBB2_2:
0x24: {  	[tilespmem:$0x1FF40] =	vst v44  }
0x25: {  	[tilespmem:$0x1FF50] =	vst v39  }
0x26: {  	[tilespmem:$0x1FF60] =	vst v42  }
0x27: {  	[tilespmem:$0x1FF70] =	vst v37  }
0x28: {  	[tilespmem:$0x1FF80] =	vst v41  }
0x29: {  	[tilespmem:$0x1FF90] =	vst v35  }
0x2a: {  	[tilespmem:$0x1FFA0] =	vst v34  }
0x2b: {  	[tilespmem:$0x1FFB0] =	vst v33  }
0x2c: {  	[tilespmem:$0x1FFC0] =	vst v23  }
0x2d: {  	[tilespmem:$0x1FFD0] =	vst v19  }
0x2e: {  	[tilespmem:$0x1FFE0] =	vst v4;
	s21 =	sadd.s32 s20, s5;
	s20 =	simm.s32 $0x0  }
0x2f: {  	[tilespmem:s12], [sflag:$0x2] =	stream.linear.gather [hbm4b:s21+s20], $0x8000, $0x38;
	[tilespmem:$0x10300] =	vst v63  }
0x30: {  	s21 =	simm.s32 $0x180;
	s22 =	sand.u32 $0x7800, s20;
	_ =	swait.ge [sflag:s13], $0x8000  }
0x31: {  	s22 =	sor.u32 $0x100, s22;
	s23 =	sand.u32 $0x380, s21;
	[sflag:s13] =	ssyncset.done $0x0  }
0x32: {  	s24 =	sadd.s32 s23, s22;
	[sflag:s13] =	ssyncadd.s32 $0xFFFF8000  }
0x33: {  	v24 =	vld [tilespmem:s24+$0x0]  }
0x34: {  	v41 =	vld [tilespmem:s24+$0x10]  }
0x35: {  	v42 =	vld [tilespmem:s24+$0x20]  }
0x36: {  	s29 =	sand.u32 $0x7, s20;
	v43 =	vld [tilespmem:s24+$0x30]  }
0x37: {  	s23 =	sshll.u32 s29, $0x7;
	v44 =	vld [tilespmem:s24+$0x40]  }
0x38: {  	s23 =	sadd.s32 $0x0, s23;
	v45 =	vld [tilespmem:s24+$0x50]  }
0x39: {  	v46 =	vld [tilespmem:s24+$0x60];
	s25 =	sadd.s32 $0x180, s23  }
0x3a: {  	v47 =	vld [tilespmem:s24+$0x70];
	s30 =	sor.u32 $0x400, s25  }
0x3b: {  	s31 =	sor.u32 $0x410, s25;
	v48 =	vld [tilespmem:s30+$0x100]  }
0x3c: {  	s26 =	sor.u32 $0x420, s25;
	v49 =	vld [tilespmem:s31+$0x100]  }
0x3d: {  	s28 =	sor.u32 $0x430, s25;
	v50 =	vld [tilespmem:s26+$0x100]  }
0x3e: {  	s29 =	sor.u32 $0x440, s25;
	v51 =	vld [tilespmem:s28+$0x100]  }
0x3f: {  	v52 =	vld [tilespmem:s29+$0x100];
	s30 =	sor.u32 $0x450, s25  }
0x40: {  	s26 =	simm.s32 $0x100;
	s31 =	sor.u32 $0x460, s25;
	v53 =	vld [tilespmem:s30+$0x100]  }
0x41: {  	s25 =	sor.u32 $0x470, s25;
	s26 =	sand.u32 $0x300, s26;
	v54 =	vld [tilespmem:s31+$0x100]  }
0x42: {  	v55 =	vld [tilespmem:s25+$0x100];
	s28 =	sadd.s32 s26, s22  }
0x43: {  	v56 =	vld [tilespmem:s28+$0x0]  }
0x44: {  	v57 =	vld [tilespmem:s28+$0x10]  }
0x45: {  	v58 =	vld [tilespmem:s28+$0x20]  }
0x46: {  	s29 =	sand.u32 $0x3, s20;
	v59 =	vld [tilespmem:s28+$0x30]  }
0x47: {  	s24 =	sshll.u32 s29, $0x8;
	v60 =	vld [tilespmem:s28+$0x40]  }
0x48: {  	s24 =	sadd.s32 $0x0, s24;
	v61 =	vld [tilespmem:s28+$0x50]  }
0x49: {  	v62 =	vld [tilespmem:s28+$0x60];
	s24 =	sadd.s32 $0x100, s24  }
0x4a: {  	v63 =	vld [tilespmem:s28+$0x70];
	s30 =	sor.u32 $0x400, s24  }
0x4b: {  	s31 =	sor.u32 $0x410, s24;
	v19 =	vld [tilespmem:s30+$0x100]  }
0x4c: {  	v24 =	vmul.f32 v24, v5;
	v41 =	vmul.f32 v41, v6;
	s26 =	sor.u32 $0x420, s24;
	v22 =	vld [tilespmem:s31+$0x100]  }
0x4d: {  	v42 =	vmul.f32 v42, v7;
	v43 =	vmul.f32 v43, v8;
	s28 =	sor.u32 $0x430, s24;
	v31 =	vld [tilespmem:s26+$0x100]  }
0x4e: {  	v44 =	vmul.f32 v44, v9;
	v45 =	vmul.f32 v45, v10;
	s29 =	sor.u32 $0x440, s24;
	v32 =	vld [tilespmem:s28+$0x100]  }
0x4f: {  	v46 =	vmul.f32 v46, v11;
	v47 =	vmul.f32 v47, v12;
	v33 =	vld [tilespmem:s29+$0x100];
	s30 =	sor.u32 $0x450, s24;
	v24 =	vadd.f32 v41, v24  }
0x50: {  	s28 =	sor.u32 $0x460, s24;
	v41 =	vadd.f32 v43, v42;
	v43 =	vadd.f32 v45, v44;
	v34 =	vld [tilespmem:s30+$0x100]  }
0x51: {  	s23 =	sadd.s32 $0x80, s23;
	s31 =	simm.s32 $0x80;
	s24 =	sor.u32 $0x470, s24;
	v44 =	vadd.f32 v47, v46;
	v46 =	vmul.f32 v48, v13;
	v47 =	vmul.f32 v49, v14;
	v35 =	vld [tilespmem:s28+$0x100]  }
0x52: {  	s26 =	sand.u32 $0x280, s31;
	v36 =	vld [tilespmem:s24+$0x100];
	s30 =	sor.u32 $0x400, s23  }
0x53: {  	s29 =	sor.u32 s26, s22;
	v46 =	vadd.f32 v47, v46;
	v47 =	vld [tilespmem:s30+$0x100]  }
0x54: {  	v37 =	vld [tilespmem:s29+$0x0]  }
0x55: {  	v38 =	vld [tilespmem:s29+$0x10]  }
0x56: {  	v39 =	vld [tilespmem:s29+$0x20]  }
0x57: {  	v40 =	vld [tilespmem:s29+$0x30]  }
0x58: {  	v49 =	vmul.f32 v51, v16;
	v42 =	vld [tilespmem:s29+$0x40]  }
0x59: {  	v51 =	vmul.f32 v53, v18;
	v53 =	vmul.f32 v55, v21;
	v45 =	vld [tilespmem:s29+$0x50]  }
0x5a: {  	v24 =	vadd.f32 v41, v24;
	v41 =	vmul.f32 v50, v15;
	v50 =	vmul.f32 v52, v17;
	v48 =	vld [tilespmem:s29+$0x60]  }
0x5b: {  	s31 =	sor.u32 $0x410, s23;
	v43 =	vadd.f32 v44, v43;
	v52 =	vmul.f32 v54, v20;
	v44 =	vld [tilespmem:s29+$0x70];
	v54 =	vmul.f32 v56, v5  }
0x5c: {  	s25 =	sor.u32 $0x420, s23;
	v55 =	vmul.f32 v57, v6;
	v56 =	vmul.f32 v58, v7;
	v41 =	vadd.f32 v49, v41;
	v49 =	vld [tilespmem:s31+$0x100]  }
0x5d: {  	s28 =	sor.u32 $0x440, s23;
	v57 =	vmul.f32 v59, v8;
	v58 =	vmul.f32 v60, v9;
	v24 =	vadd.f32 v43, v24;
	v43 =	vld [tilespmem:s25+$0x100]  }
0x5e: {  	v59 =	vmul.f32 v61, v10;
	s29 =	sor.u32 $0x450, s23;
	v60 =	vmul.f32 v62, v11;
	v50 =	vadd.f32 v51, v50;
	v51 =	vld [tilespmem:s28+$0x100]  }
0x5f: {  	v61 =	vmul.f32 v63, v12;
	v52 =	vadd.f32 v53, v52;
	v53 =	vld [tilespmem:s29+$0x100];
	s31 =	sor.u32 $0x460, s23;
	v54 =	vadd.f32 v55, v54  }
0x60: {  	s26 =	sor.u32 $0x430, s23;
	s30 =	simm.s32 $0x0;
	s23 =	sor.u32 $0x470, s23;
	v55 =	vadd.f32 v57, v56;
	v56 =	vld [tilespmem:s31+$0x100];
	v62 =	vadd.f32 v59, v58  }
0x61: {  	s25 =	sand.u32 $0x200, s30;
	v63 =	vadd.f32 v61, v60;
	v59 =	vld [tilespmem:s23+$0x100];
	v19 =	vmul.f32 v19, v13;
	v22 =	vmul.f32 v22, v14  }
0x62: {  	s22 =	sor.u32 s25, s22;
	v31 =	vmul.f32 v31, v15;
	v32 =	vmul.f32 v32, v16;
	v41 =	vadd.f32 v41, v46;
	v46 =	vld [tilespmem:s26+$0x100]  }
0x63: {  	v33 =	vmul.f32 v33, v17;
	v58 =	vld [tilespmem:s22+$0x10];
	v50 =	vadd.f32 v52, v50;
	v35 =	vmul.f32 v35, v20  }
0x64: {  	v52 =	vld [tilespmem:s22+$0x20];
	v36 =	vmul.f32 v36, v21;
	v54 =	vadd.f32 v55, v54;
	v57 =	vadd.f32 v63, v62  }
0x65: {  	v34 =	vmul.f32 v34, v18;
	v55 =	vld [tilespmem:s22+$0x0];
	v19 =	vadd.f32 v22, v19;
	v22 =	vadd.f32 v32, v31  }
0x66: {  	p1 =	por $0x0, $0x0;
	s23 =	simm.s32 $0x1;
	v31 =	vld [tilespmem:s22+$0x40];
	v60 =	vadd.f32 v36, v35;
	v35 =	vmul.f32 v37, v5;
	v61 =	vmul.f32 v38, v6  }
0x67: {  	s23 =	simm.s32 @!p1 $0x0;
	v32 =	vadd.f32 v34, v33;
	v34 =	vld [tilespmem:s22+$0x50];
	v62 =	vmul.f32 v39, v7;
	v63 =	vmul.f32 v40, v8  }
0x68: {  	s23 =	sshll.u32 s23, $0x9;
	v33 =	vld [tilespmem:s22+$0x70];
	v39 =	vmul.f32 v42, v9;
	v44 =	vmul.f32 v44, v12;
	v54 =	vadd.f32 v57, v54  }
0x69: {  	s23 =	sadd.s32 $0x0, s23;
	v57 =	vld [tilespmem:s22+$0x30];
	v19 =	vadd.f32 v22, v19;
	v43 =	vmul.f32 v43, v15;
	v32 =	vadd.f32 v60, v32  }
0x6a: {  	v22 =	vld [tilespmem:s22+$0x60];
	s25 =	sor.u32 $0x400, s23;
	v60 =	vmul.f32 v45, v10;
	v35 =	vadd.f32 v61, v35;
	v61 =	vmul.f32 v48, v11  }
0x6b: {  	s26 =	sor.u32 $0x410, s23;
	v36 =	vld [tilespmem:s25+$0x100];
	v37 =	vadd.f32 v63, v62;
	v62 =	vmul.f32 v47, v13;
	v63 =	vmul.f32 v49, v14  }
0x6c: {  	s28 =	sor.u32 $0x420, s23;
	v38 =	vld [tilespmem:s26+$0x100];
	v48 =	vmul.f32 v51, v17;
	v49 =	vmul.f32 v53, v18  }
0x6d: {  	s29 =	sor.u32 $0x430, s23;
	v40 =	vld [tilespmem:s28+$0x100];
	v51 =	vmul.f32 v56, v20;
	v53 =	vmul.f32 v59, v21  }
0x6e: {  	s30 =	sor.u32 $0x440, s23;
	v46 =	vmul.f32 v46, v16;
	v39 =	vadd.f32 v60, v39;
	v42 =	vadd.f32 v44, v61;
	v44 =	vld [tilespmem:s29+$0x100]  }
0x6f: {  	s31 =	sor.u32 $0x450, s23;
	v35 =	vadd.f32 v37, v35;
	v37 =	vld [tilespmem:s30+$0x100];
	v45 =	vadd.f32 v63, v62;
	v61 =	vmul.f32 v52, v7  }
0x70: {  	s24 =	sor.u32 $0x460, s23;
	v60 =	vld [tilespmem:s31+$0x100];
	v31 =	vmul.f32 v31, v9;
	v48 =	vadd.f32 v49, v48;
	v34 =	vmul.f32 v34, v10  }
0x71: {  	s25 =	sor.u32 $0x470, s23;
	v63 =	vld [tilespmem:s24+$0x100];
	v33 =	vmul.f32 v33, v12;
	v39 =	vadd.f32 v42, v39;
	v42 =	vmul.f32 v55, v5  }
0x72: {  	v59 =	vadd.f32 v53, v51;
	v55 =	vmul.f32 v58, v6;
	v62 =	vmul.f32 v57, v8;
	v58 =	vld [tilespmem:s25+$0x100]  }
0x73: {  	v19 =	vadd.f32 v32, v19;
	v22 =	vmul.f32 v22, v11;
	v36 =	vmul.f32 v36, v13  }
0x74: {  	v43 =	vadd.f32 v46, v43;
	v38 =	vmul.f32 v38, v14;
	v40 =	vmul.f32 v40, v15  }
0x75: {  	v31 =	vadd.f32 v34, v31;
	v42 =	vadd.f32 v55, v42;
	v44 =	vmul.f32 v44, v16  }
0x76: {  	v47 =	vadd.f32 v62, v61;
	v37 =	vmul.f32 v37, v17;
	v60 =	vmul.f32 v60, v18  }
0x77: {  	v22 =	vadd.f32 v33, v22;
	v61 =	vmul.f32 v63, v20;
	v46 =	vmul.f32 v58, v21  }
0x78: {  	v62 =	vadd.f32 v38, v36;
	v63 =	vadd.f32 v44, v40  }
0x79: {  	v37 =	vadd.f32 v60, v37;
	v34 =	vadd.f32 v46, v61  }
0x7a: {  	v22 =	vadd.f32 v22, v31;
	v40 =	vadd.f32 v47, v42  }
0x7b: {  	v31 =	vadd.f32 v63, v62;
	v42 =	vadd.f32 v34, v37  }
0x7c: {  	v44 =	vadd.f32 v43, v45;
	v45 =	vadd.f32 v59, v48  }
0x7d: {  	v22 =	vadd.f32 v22, v40;
	v31 =	vadd.f32 v42, v31  }
0x7e: {  	v46 =	vadd.f32 v39, v35;
	v34 =	vadd.f32 v45, v44  }
0x7f: {  	v19 =	vadd.f32 v19, v54;
	v22 =	vadd.f32 v31, v22  }
0x80: {  	v47 =	vadd.f32 v50, v41;
	v31 =	vadd.f32 v34, v46  }
0x81: {  	v49 =	vperm.xlane v19, v0;
	v48 =	vperm.xlane v22, v0  }
0x82: {  	v24 =	vadd.f32 v47, v24;
	v34 =	vperm.xlane v31, v0  }
0x83: {  	v19 =	vadd.f32 v19, v49;
	v22 =	vadd.f32 v22, v48  }
0x84: {  	v50 =	vperm.xlane v24, v0;
	v31 =	vadd.f32 v31, v34  }
0x85: {  	v53 =	vperm.xlane v19, v1;
	v51 =	vperm.xlane v22, v1  }
0x86: {  	v24 =	vadd.f32 v24, v50;
	v52 =	vperm.xlane v31, v1  }
0x87: {  	v19 =	vadd.f32 v19, v53;
	v22 =	vadd.f32 v22, v51  }
0x88: {  	v54 =	vperm.xlane v24, v1;
	v31 =	vadd.f32 v31, v52  }
0x89: {  	v56 =	vperm.xlane v19, v2;
	v34 =	vperm.xlane v22, v2  }
0x8a: {  	v24 =	vadd.f32 v24, v54;
	v55 =	vperm.xlane v31, v2  }
0x8b: {  	v19 =	vadd.f32 v19, v56;
	v22 =	vadd.f32 v22, v34  }
0x8c: {  	s26 =	simm.s32 $0x3;
	v57 =	vperm.xlane v24, v2;
	v31 =	vadd.f32 v31, v55  }
0x8d: {  	v4 =	vlaneseq.u32;
	s29 =	simm.s32 $0x1;
	s25 =	sand.u32 $0xF, s26;
	v59 =	vperm.xlane v19, v3;
	v34 =	vperm.xlane v22, v3  }
0x8e: {  	s22 =	simm.s32 $0x0;
	s30 =	sand.u32 $0xD, s29;
	v41 =	vmov s25;
	v24 =	vadd.f32 v24, v57;
	v58 =	vperm.xlane v31, v3  }
0x8f: {  	s31 =	sand.u32 $0xC, s22;
	v61 =	vmov s30;
	v19 =	vadd.f32 v19, v59;
	v22 =	vadd.f32 v22, v34  }
0x90: {  	v63 =	vmov s31;
	v62 =	vperm.xlane v24, v3;
	v31 =	vadd.f32 v31, v58  }
0x91: {  	s28 =	simm.s32 $0x2;
	vm1 =	veq.s32 v63, v4;
	v42 =	vmul.f32 $6.250000000e-02, v19;
	v22 =	vmul.f32 $6.250000000e-02, v22  }
0x92: {  	s23 =	sand.u32 $0xE, s28;
	v19 =	vimm.f32 $0.0e+00;
	v24 =	vadd.f32 v24, v62;
	v31 =	vmul.f32 $6.250000000e-02, v31  }
0x93: {  	v60 =	vmov s23;
	vm2 =	veq.s32 v61, v4;
	v19 =	vsel vm1, v22, v19  }
0x94: {  	p0 =	por p2, p2;
	s24 =	simm.s32 $0x0;
	s23 =	simm.s32 $0x400;
	v24 =	vmul.f32 $6.250000000e-02, v24;
	vm1 =	veq.s32 v60, v4;
	v43 =	vsel vm2, v31, v19  }
.LBB2_3:
0x95: {  	s26 =	sand.u32 $0x7800, s23;
	v19 =	vsel vm1, v42, v43;
	vm1 =	veq.s32 v41, v4;
	p2 =	sne.s32 s25, $0xF;
	s21 =	sadd.s32 $0x200, s21  }
0x96: {  	s25 =	sor.u32 $0x100, s26;
	s26 =	sand.u32 $0x380, s21;
	v24 =	vsel vm1, v24, v19;
	s28 =	sand.u32 @!p2 $0x70, s22  }
0x97: {  	s29 =	sadd.s32 s26, s25;
	[tilespmem:s28+$0x10100] =	vst @!p2 v24  }
0x98: {  	v19 =	vld [tilespmem:s29+$0x0]  }
0x99: {  	v22 =	vld [tilespmem:s29+$0x10]  }
0x9a: {  	s20 =	sadd.s32 $0x4, s20;
	v31 =	vld [tilespmem:s29+$0x20]  }
0x9b: {  	s26 =	sand.u32 $0x7, s20;
	v32 =	vld [tilespmem:s29+$0x30]  }
0x9c: {  	s26 =	sshll.u32 s26, $0x7;
	v33 =	vld [tilespmem:s29+$0x40]  }
0x9d: {  	s26 =	sadd.s32 s23, s26;
	v34 =	vld [tilespmem:s29+$0x50]  }
0x9e: {  	s28 =	sadd.s32 $0x180, s26;
	v35 =	vld [tilespmem:s29+$0x60]  }
0x9f: {  	v36 =	vld [tilespmem:s29+$0x70];
	s29 =	sor.u32 $0x400, s28  }
0xa0: {  	v37 =	vld [tilespmem:s29+$0x100];
	s29 =	sor.u32 $0x410, s28  }
0xa1: {  	v38 =	vld [tilespmem:s29+$0x100];
	s29 =	sor.u32 $0x420, s28  }
0xa2: {  	v39 =	vld [tilespmem:s29+$0x100];
	s29 =	sor.u32 $0x430, s28  }
0xa3: {  	v40 =	vld [tilespmem:s29+$0x100];
	s29 =	sor.u32 $0x440, s28  }
0xa4: {  	v41 =	vld [tilespmem:s29+$0x100];
	s29 =	sor.u32 $0x450, s28  }
0xa5: {  	s30 =	sadd.s32 $0xFFFFFF80, s21;
	v42 =	vld [tilespmem:s29+$0x100];
	s29 =	sor.u32 $0x460, s28  }
0xa6: {  	s30 =	sand.u32 $0x300, s30;
	s28 =	sor.u32 $0x470, s28;
	v43 =	vld [tilespmem:s29+$0x100]  }
0xa7: {  	s29 =	sadd.s32 s30, s25;
	v44 =	vld [tilespmem:s28+$0x100]  }
0xa8: {  	v45 =	vld [tilespmem:s29+$0x0]  }
0xa9: {  	v46 =	vld [tilespmem:s29+$0x10]  }
0xaa: {  	s24 =	sadd.s32 $0x2, s24;
	v47 =	vld [tilespmem:s29+$0x20]  }
0xab: {  	s28 =	sand.u32 $0x3, s24;
	v48 =	vld [tilespmem:s29+$0x30]  }
0xac: {  	s28 =	sshll.u32 s28, $0x8;
	v49 =	vld [tilespmem:s29+$0x40]  }
0xad: {  	s28 =	sadd.s32 s23, s28;
	v50 =	vld [tilespmem:s29+$0x50]  }
0xae: {  	s28 =	sadd.s32 $0x100, s28;
	v51 =	vld [tilespmem:s29+$0x60]  }
0xaf: {  	v52 =	vld [tilespmem:s29+$0x70];
	s29 =	sor.u32 $0x400, s28  }
0xb0: {  	v53 =	vld [tilespmem:s29+$0x100];
	s29 =	sor.u32 $0x410, s28  }
0xb1: {  	v54 =	vld [tilespmem:s29+$0x100];
	s29 =	sor.u32 $0x420, s28  }
0xb2: {  	v55 =	vld [tilespmem:s29+$0x100];
	s29 =	sor.u32 $0x430, s28  }
0xb3: {  	v56 =	vld [tilespmem:s29+$0x100];
	s29 =	sor.u32 $0x440, s28  }
0xb4: {  	v57 =	vld [tilespmem:s29+$0x100];
	s29 =	sor.u32 $0x450, s28  }
0xb5: {  	s30 =	sadd.s32 $0xFFFFFF00, s21;
	v58 =	vld [tilespmem:s29+$0x100];
	s29 =	sor.u32 $0x460, s28  }
0xb6: {  	s30 =	sand.u32 $0x280, s30;
	s28 =	sor.u32 $0x470, s28;
	v59 =	vld [tilespmem:s29+$0x100]  }
0xb7: {  	v19 =	vmul.f32 v19, v5;
	v22 =	vmul.f32 v22, v6;
	s29 =	sor.u32 s30, s25;
	v60 =	vld [tilespmem:s28+$0x100]  }
0xb8: {  	v31 =	vmul.f32 v31, v7;
	v32 =	vmul.f32 v32, v8;
	v61 =	vld [tilespmem:s29+$0x0]  }
0xb9: {  	v33 =	vmul.f32 v33, v9;
	v34 =	vmul.f32 v34, v10;
	v62 =	vld [tilespmem:s29+$0x10]  }
0xba: {  	v35 =	vmul.f32 v35, v11;
	v36 =	vmul.f32 v36, v12;
	v63 =	vld [tilespmem:s29+$0x20]  }
0xbb: {  	v19 =	vadd.f32 v22, v19;
	v22 =	vadd.f32 v32, v31;
	v23 =	vld [tilespmem:s29+$0x30]  }
0xbc: {  	v32 =	vadd.f32 v34, v33;
	v33 =	vadd.f32 v36, v35;
	v31 =	vld [tilespmem:s29+$0x40]  }
0xbd: {  	v19 =	vadd.f32 v22, v19;
	v35 =	vmul.f32 v37, v13;
	v36 =	vmul.f32 v38, v14;
	v34 =	vld [tilespmem:s29+$0x50]  }
0xbe: {  	s26 =	sadd.s32 $0x80, s26;
	v37 =	vmul.f32 v39, v15;
	v38 =	vmul.f32 v40, v16;
	v32 =	vadd.f32 v33, v32;
	v22 =	vld [tilespmem:s29+$0x60]  }
0xbf: {  	v35 =	vadd.f32 v36, v35;
	v39 =	vmul.f32 v41, v17;
	v40 =	vmul.f32 v42, v18;
	s28 =	sor.u32 $0x400, s26;
	v33 =	vld [tilespmem:s29+$0x70]  }
0xc0: {  	v37 =	vadd.f32 v38, v37;
	v43 =	vmul.f32 v43, v20;
	v44 =	vmul.f32 v44, v21;
	v36 =	vld [tilespmem:s28+$0x100];
	s28 =	sor.u32 $0x410, s26  }
0xc1: {  	v41 =	vadd.f32 v32, v19;
	v45 =	vmul.f32 v45, v5;
	v46 =	vmul.f32 v46, v6;
	v38 =	vld [tilespmem:s28+$0x100];
	s28 =	sor.u32 $0x420, s26  }
0xc2: {  	v42 =	vadd.f32 v37, v35;
	v32 =	vmul.f32 v47, v7;
	v47 =	vmul.f32 v48, v8;
	v19 =	vld [tilespmem:s28+$0x100];
	s28 =	sor.u32 $0x430, s26  }
0xc3: {  	v39 =	vadd.f32 v40, v39;
	v37 =	vmul.f32 v49, v9;
	v48 =	vmul.f32 v50, v10;
	v35 =	vld [tilespmem:s28+$0x100];
	s28 =	sor.u32 $0x440, s26  }
0xc4: {  	v43 =	vadd.f32 v44, v43;
	v49 =	vmul.f32 v51, v11;
	v50 =	vmul.f32 v52, v12;
	v40 =	vld [tilespmem:s28+$0x100];
	s28 =	sor.u32 $0x450, s26  }
0xc5: {  	v45 =	vadd.f32 v46, v45;
	v32 =	vadd.f32 v47, v32;
	s29 =	sadd.s32 $0xFFFFFE80, s21;
	v44 =	vld [tilespmem:s28+$0x100];
	s28 =	sor.u32 $0x460, s26  }
0xc6: {  	v37 =	vadd.f32 v48, v37;
	v47 =	vadd.f32 v50, v49;
	s29 =	sand.u32 $0x200, s29;
	s26 =	sor.u32 $0x470, s26;
	v46 =	vld [tilespmem:s28+$0x100]  }
0xc7: {  	v32 =	vadd.f32 v32, v45;
	v49 =	vmul.f32 v53, v13;
	v50 =	vmul.f32 v54, v14;
	s25 =	sor.u32 s29, s25;
	v48 =	vld [tilespmem:s26+$0x100]  }
0xc8: {  	v51 =	vmul.f32 v55, v15;
	v52 =	vmul.f32 v56, v16;
	v37 =	vadd.f32 v47, v37;
	v45 =	vld [tilespmem:s25+$0x0]  }
0xc9: {  	v39 =	vadd.f32 v43, v39;
	v53 =	vmul.f32 v57, v17;
	v54 =	vmul.f32 v58, v18;
	v47 =	vld [tilespmem:s25+$0x10]  }
0xca: {  	v32 =	vadd.f32 v37, v32;
	v55 =	vmul.f32 v59, v20;
	v56 =	vmul.f32 v60, v21;
	v43 =	vld [tilespmem:s25+$0x20]  }
0xcb: {  	p1 =	por !p1, !p1;
	v49 =	vadd.f32 v50, v49;
	v50 =	vadd.f32 v52, v51;
	s26 =	simm.s32 $0x1;
	v37 =	vld [tilespmem:s25+$0x30]  }
0xcc: {  	v52 =	vadd.f32 v54, v53;
	v53 =	vadd.f32 v56, v55;
	s26 =	simm.s32 @!p1 $0x0;
	v51 =	vld [tilespmem:s25+$0x40]  }
0xcd: {  	v49 =	vadd.f32 v50, v49;
	v55 =	vmul.f32 v61, v5;
	v56 =	vmul.f32 v62, v6;
	s26 =	sshll.u32 s26, $0x9;
	v54 =	vld [tilespmem:s25+$0x50]  }
0xce: {  	v57 =	vmul.f32 v63, v7;
	v23 =	vmul.f32 v23, v8;
	v52 =	vadd.f32 v53, v52;
	s26 =	sadd.s32 s26, s23;
	v50 =	vld [tilespmem:s25+$0x60]  }
0xcf: {  	v55 =	vadd.f32 v56, v55;
	v31 =	vmul.f32 v31, v9;
	v34 =	vmul.f32 v34, v10;
	v53 =	vld [tilespmem:s25+$0x70];
	s25 =	sor.u32 $0x400, s26  }
0xd0: {  	v23 =	vadd.f32 v23, v57;
	v22 =	vmul.f32 v22, v11;
	v33 =	vmul.f32 v33, v12;
	v56 =	vld [tilespmem:s25+$0x100];
	s25 =	sor.u32 $0x410, s26  }
0xd1: {  	v31 =	vadd.f32 v34, v31;
	v36 =	vmul.f32 v36, v13;
	v38 =	vmul.f32 v38, v14;
	v57 =	vld [tilespmem:s25+$0x100];
	s25 =	sor.u32 $0x420, s26  }
0xd2: {  	v22 =	vadd.f32 v33, v22;
	v19 =	vmul.f32 v19, v15;
	v35 =	vmul.f32 v35, v16;
	v34 =	vld [tilespmem:s25+$0x100];
	s25 =	sor.u32 $0x430, s26  }
0xd3: {  	v23 =	vadd.f32 v23, v55;
	v40 =	vmul.f32 v40, v17;
	v44 =	vmul.f32 v44, v18;
	v33 =	vld [tilespmem:s25+$0x100];
	s25 =	sor.u32 $0x440, s26  }
0xd4: {  	v22 =	vadd.f32 v22, v31;
	v46 =	vmul.f32 v46, v20;
	v48 =	vmul.f32 v48, v21;
	v55 =	vld [tilespmem:s25+$0x100];
	s25 =	sor.u32 $0x450, s26  }
0xd5: {  	v36 =	vadd.f32 v38, v36;
	v31 =	vmul.f32 v45, v5;
	v45 =	vmul.f32 v47, v6;
	v47 =	vld [tilespmem:s25+$0x100];
	s25 =	sor.u32 $0x460, s26  }
0xd6: {  	v19 =	vadd.f32 v35, v19;
	v38 =	vmul.f32 v43, v7;
	v37 =	vmul.f32 v37, v8;
	v43 =	vld [tilespmem:s25+$0x100];
	s25 =	sor.u32 $0x470, s26  }
0xd7: {  	v40 =	vadd.f32 v44, v40;
	v35 =	vmul.f32 v51, v9;
	v51 =	vmul.f32 v54, v10;
	v54 =	vld [tilespmem:s25+$0x100]  }
0xd8: {  	v46 =	vadd.f32 v48, v46;
	v44 =	vmul.f32 v50, v11;
	v50 =	vmul.f32 v53, v12  }
0xd9: {  	v31 =	vadd.f32 v45, v31;
	v48 =	vmul.f32 v56, v13;
	v53 =	vmul.f32 v57, v14  }
0xda: {  	v37 =	vadd.f32 v37, v38;
	v34 =	vmul.f32 v34, v15;
	v33 =	vmul.f32 v33, v16  }
0xdb: {  	v35 =	vadd.f32 v51, v35;
	v38 =	vmul.f32 v55, v17;
	v45 =	vmul.f32 v47, v18  }
0xdc: {  	v44 =	vadd.f32 v50, v44;
	v43 =	vmul.f32 v43, v20;
	v47 =	vmul.f32 v54, v21  }
0xdd: {  	v48 =	vadd.f32 v53, v48;
	v33 =	vadd.f32 v33, v34  }
0xde: {  	v34 =	vadd.f32 v45, v38;
	v38 =	vadd.f32 v47, v43  }
0xdf: {  	v31 =	vadd.f32 v37, v31;
	v35 =	vadd.f32 v44, v35  }
0xe0: {  	v33 =	vadd.f32 v33, v48;
	v34 =	vadd.f32 v38, v34  }
0xe1: {  	v19 =	vadd.f32 v19, v36;
	v36 =	vadd.f32 v46, v40  }
0xe2: {  	v31 =	vadd.f32 v35, v31;
	v33 =	vadd.f32 v34, v33  }
0xe3: {  	v22 =	vadd.f32 v22, v23;
	v19 =	vadd.f32 v36, v19  }
0xe4: {  	v23 =	vadd.f32 v33, v31;
	v31 =	vadd.f32 v52, v49  }
0xe5: {  	v19 =	vadd.f32 v19, v22;
	v22 =	vadd.f32 v39, v42  }
0xe6: {  	v33 =	vperm.xlane v23, v0;
	v31 =	vadd.f32 v31, v32  }
0xe7: {  	v22 =	vadd.f32 v22, v41;
	v32 =	vperm.xlane v19, v0  }
0xe8: {  	v23 =	vadd.f32 v23, v33;
	v33 =	vperm.xlane v31, v0  }
0xe9: {  	v19 =	vadd.f32 v19, v32;
	v32 =	vperm.xlane v22, v0  }
0xea: {  	v34 =	vperm.xlane v23, v1;
	v31 =	vadd.f32 v31, v33  }
0xeb: {  	v33 =	vperm.xlane v19, v1;
	v22 =	vadd.f32 v22, v32  }
0xec: {  	v23 =	vadd.f32 v23, v34;
	v32 =	vperm.xlane v31, v1  }
0xed: {  	v19 =	vadd.f32 v19, v33;
	v33 =	vperm.xlane v22, v1  }
0xee: {  	v34 =	vperm.xlane v23, v2;
	v31 =	vadd.f32 v31, v32  }
0xef: {  	v32 =	vperm.xlane v19, v2;
	v22 =	vadd.f32 v22, v33  }
0xf0: {  	v23 =	vadd.f32 v23, v34;
	v33 =	vperm.xlane v31, v2  }
0xf1: {  	s25 =	sadd.s32 $0x7, s22;
	v19 =	vadd.f32 v19, v32;
	v32 =	vperm.xlane v22, v2  }
0xf2: {  	s26 =	sadd.s32 $0x6, s22;
	s25 =	sand.u32 $0xF, s25;
	v34 =	vperm.xlane v23, v3;
	v31 =	vadd.f32 v31, v33  }
0xf3: {  	s28 =	sadd.s32 $0x5, s22;
	s26 =	sand.u32 $0xE, s26;
	s22 =	sadd.s32 $0x4, s22;
	v41 =	vmov s25;
	v33 =	vperm.xlane v19, v3;
	v22 =	vadd.f32 v22, v32  }
0xf4: {  	p2 =	slt.u32 s22, $0x7C;
	v35 =	vmov s26;
	s26 =	sand.u32 $0xD, s28;
	v32 =	vperm.xlane v31, v3;
	v23 =	vadd.f32 v23, v34  }
.Ltmp0:
0xf5: {  	v34 =	vmov s26;
	v19 =	vadd.f32 v19, v33;
	s26 =	sand.u32 $0xC, s22;
	v33 =	vperm.xlane v22, v3;
	(pc) =	sbr.rel @p2 .LBB2_3-.Ltmp0, $4  }
0xf6: {  	v31 =	vadd.f32 v31, v32;
	v32 =	vmov s26;
	v23 =	vmul.f32 $6.250000000e-02, v23  }
0xf7: {  	v19 =	vmul.f32 $6.250000000e-02, v19;
	v22 =	vadd.f32 v22, v33;
	vm1 =	veq.s32 v32, v4  }
0xf8: {  	vm2 =	veq.s32 v34, v4;
	v42 =	vmul.f32 $6.250000000e-02, v31;
	v23 =	vsel vm1, v23, v24  }
0xf9: {  	s23 =	sadd.s32 $0x400, s23;
	vm1 =	veq.s32 v35, v4;
	v24 =	vmul.f32 $6.250000000e-02, v22;
	v43 =	vsel vm2, v19, v23  }
0xfa: {  	v19 =	vsel vm1, v42, v43;
	vm1 =	veq.s32 v41, v4;
	p1 =	sne.s32 s25, $0xF  }
0xfb: {  	v19 =	vsel vm1, v24, v19;
	s20 =	sand.u32 @!p1 $0x70, s22  }
0xfc: {  	[tilespmem:s20+$0x10100] =	vst @!p1 v19  }
0xfd: {  	v19 =	vld [tilespmem:$0x10100]  }
0xfe: {  	v22 =	vld [tilespmem:$0x10110]  }
0xff: {  	v23 =	vld [tilespmem:$0x10120]  }
0x100: {  	v31 =	vld [tilespmem:$0x10130]  }
0x101: {  	v32 =	vld [tilespmem:$0x10140]  }
0x102: {  	v33 =	vld [tilespmem:$0x10150]  }
0x103: {  	v34 =	vld [tilespmem:$0x10160];
	v24 =	vmax.f32 v19, v22  }
0x104: {  	v35 =	vld [tilespmem:$0x10170];
	v24 =	vmax.f32 v24, v23  }
0x105: {  	v24 =	vmax.f32 v24, v31  }
0x106: {  	v24 =	vmax.f32 v24, v32  }
0x107: {  	v24 =	vmax.f32 v24, v33  }
0x108: {  	v24 =	vmax.f32 v24, v34  }
0x109: {  	v24 =	vmax.f32 v24, v35  }
0x10a: {  	v36 =	vperm.xlane v24, v0;
	_ =	sdelay $0x1  }
0x10b: {  	v24 =	vmax.f32 v24, v36  }
0x10c: {  	v36 =	vperm.xlane v24, v1;
	_ =	sdelay $0x1  }
0x10d: {  	v24 =	vmax.f32 v24, v36  }
0x10e: {  	v36 =	vperm.xlane v24, v2  }
0x10f: {  	v4 =	vld [tilespmem:$0x1FFF0]  }
0x110: {  	v24 =	vmax.f32 v24, v36  }
0x111: {  	v36 =	vperm.xlane v24, v3;
	_ =	sdelay $0x1  }
0x112: {  	v24 =	vmax.f32 v24, v36  }
0x113: {  	v24 =	vmax.f32 v4, v24  }
0x114: {  	v57 =	vsub.f32 v4, v24  }
0x115: {  	v19 =	vsub.f32 v19, v24  }
0x116: {  	v36 =	vmul.f32 $1.442695020e+00, v57  }
0x117: {  	v22 =	vsub.f32 v22, v24;
	v19 =	vmul.f32 $1.442695020e+00, v19  }
0x118: {  	(erf) = vpow2.f32 v36  }
0x119: {  	(erf) = vpow2.f32 v19;
	v19 =	vmul.f32 $1.442695020e+00, v22;
	v22 =	vsub.f32 v23, v24;
	_ =	sdelay $0x1  }
0x11a: {  	(erf) = vpow2.f32 v19;
	v19 =	vmul.f32 $1.442695020e+00, v22;
	v22 =	vsub.f32 v31, v24;
	_ =	sdelay $0x1  }
0x11b: {  	(erf) = vpow2.f32 v19;
	v19 =	vmul.f32 $1.442695020e+00, v22;
	v22 =	vsub.f32 v32, v24;
	_ =	sdelay $0x1  }
0x11c: {  	(erf) = vpow2.f32 v19;
	v19 =	vmul.f32 $1.442695020e+00, v22;
	v22 =	vsub.f32 v33, v24;
	_ =	sdelay $0x1  }
0x11d: {  	v23 =	vpop (erf);
	(erf) = vpow2.f32 v19;
	v19 =	vmul.f32 $1.442695020e+00, v22;
	v22 =	vsub.f32 v34, v24;
	_ =	sdelay $0x1  }
0x11e: {  	v31 =	vpop (erf);
	(erf) = vpow2.f32 v19;
	v19 =	vmul.f32 $1.442695020e+00, v22;
	v22 =	vsub.f32 v35, v24  }
0x11f: {  	v58 =	vadd.f32 $0.0e+00, v31  }
0x120: {  	v59 =	vpop (erf);
	(erf) = vpow2.f32 v19;
	v19 =	vmul.f32 $1.442695020e+00, v22  }
0x121: {  	v32 =	vadd.f32 v58, v59  }
0x122: {  	v22 =	vpop (erf)  }
0x123: {  	(erf) = vpow2.f32 v19;
	v32 =	vadd.f32 v32, v22  }
0x124: {  	v19 =	vpop (erf)  }
0x125: {  	v32 =	vadd.f32 v32, v19  }
0x126: {  	v60 =	vpop (erf)  }
0x127: {  	v32 =	vadd.f32 v32, v60  }
0x128: {  	v61 =	vpop (erf)  }
0x129: {  	v32 =	vadd.f32 v32, v61  }
0x12a: {  	v62 =	vpop (erf)  }
0x12b: {  	v32 =	vadd.f32 v32, v62  }
0x12c: {  	v37 =	vpop (erf)  }
0x12d: {  	v32 =	vadd.f32 v32, v37;
	_ =	sdelay $0x1  }
0x12e: {  	[tilespmem:$0x10100] =	vst v31;
	v31 =	vperm.xlane v32, v0;
	_ =	sdelay $0x1  }
0x12f: {  	[tilespmem:$0x10130] =	vst v19;
	v19 =	vadd.f32 v32, v31;
	_ =	sdelay $0x1  }
0x130: {  	[tilespmem:$0x10120] =	vst v22;
	v22 =	vperm.xlane v19, v1;
	_ =	sdelay $0x1  }
0x131: {  	v19 =	vadd.f32 v19, v22;
	_ =	sdelay $0x1  }
0x132: {  	v31 =	vperm.xlane v19, v2;
	_ =	sdelay $0x1  }
0x133: {  	v4 =	vadd.f32 v19, v31;
	_ =	sdelay $0x1  }
0x134: {  	[tilespmem:$0x1FF00] =	vst v4;
	v4 =	vperm.xlane v4, v3;
	_ =	sdelay $0x1  }
0x135: {  	[tilespmem:$0x1FF10] =	vst v4;
	v4 =	vld [tilespmem:$0x1FF60];
	_ =	sdelay $0x4  }
0x136: {  	v42 =	vmul.f32 v23, v4;
	v4 =	vld [tilespmem:$0x1FF80];
	_ =	sdelay $0x4  }
0x137: {  	v4 =	vmul.f32 v23, v4;
	_ =	sdelay $0x1  }
0x138: {  	[tilespmem:$0x1FF30] =	vst v4;
	v4 =	vld [tilespmem:$0x1FF40];
	_ =	sdelay $0x3  }
0x139: {  	[tilespmem:$0x10110] =	vst v59  }
0x13a: {  	s26 =	simm.s32 $0x0;
	[tilespmem:$0x10140] =	vst v60;
	v54 =	vmul.f32 v23, v4;
	v4 =	vld [tilespmem:$0x1FF50]  }
0x13b: {  	s22 =	sand.u32 $0x7800, s26;
	s20 =	simm.s32 $0x80;
	[tilespmem:$0x10150] =	vst v61  }
0x13c: {  	s24 =	sor.u32 $0x100, s22;
	s28 =	sand.u32 $0x380, s20;
	[tilespmem:$0x10160] =	vst v62  }
0x13d: {  	s22 =	sadd.s32 s28, s24;
	[tilespmem:$0x10170] =	vst v37  }
0x13e: {  	v63 =	vld [tilespmem:s22+$0x0]  }
0x13f: {  	v53 =	vmul.f32 v23, v4;
	v4 =	vld [tilespmem:$0x1FF70]  }
0x140: {  	v34 =	vld [tilespmem:s22+$0x10]  }
0x141: {  	v35 =	vld [tilespmem:s22+$0x40]  }
0x142: {  	v45 =	vld [tilespmem:s22+$0x50]  }
0x143: {  	v46 =	vld [tilespmem:s22+$0x60]  }
0x144: {  	v36 =	vmul.f32 v23, v4;
	v4 =	vld [tilespmem:$0x1FFB0]  }
0x145: {  	v48 =	vmul.f32 v23, v28;
	v28 =	vld [tilespmem:s22+$0x70]  }
0x146: {  	v47 =	vld [tilespmem:s22+$0x400]  }
0x147: {  	v49 =	vld [tilespmem:s22+$0x410]  }
0x148: {  	v52 =	vld [tilespmem:s22+$0x420]  }
0x149: {  	v33 =	vmul.f32 v23, v4;
	v4 =	vld [tilespmem:$0x1FF90]  }
0x14a: {  	s21 =	simm.s32 $0x0;
	s26 =	simm.s32 $0x0;
	v55 =	vld [tilespmem:s22+$0x430]  }
0x14b: {  	s23 =	sand.u32 $0x70, s21;
	s31 =	sand.u32 $0x300, s26;
	v57 =	vld [tilespmem:s22+$0x440]  }
0x14c: {  	v22 =	vld [tilespmem:s23+$0x10100];
	s23 =	sadd.s32 s31, s24  }
0x14d: {  	v58 =	vld [tilespmem:s23+$0x0]  }
0x14e: {  	v43 =	vmul.f32 v23, v4;
	v4 =	vld [tilespmem:$0x1FFA0]  }
0x14f: {  	s29 =	simm.s32 $0x1;
	v29 =	vmul.f32 v23, v29;
	v61 =	vld [tilespmem:s23+$0x10]  }
0x150: {  	s30 =	sand.u32 $0xE, s21;
	v39 =	vmov s29;
	[tilespmem:$0x1FEF0] =	vst v24;
	v27 =	vmul.f32 v23, v27;
	v26 =	vmul.f32 v23, v26;
	v24 =	vld [tilespmem:s23+$0x30]  }
0x151: {  	v44 =	vmov s30;
	v25 =	vmul.f32 v23, v25;
	v19 =	vld [tilespmem:s22+$0x20];
	v40 =	vperm.xlane v22, v39  }
0x152: {  	v50 =	vmul.f32 v23, v30;
	v31 =	vld [tilespmem:s22+$0x30];
	v44 =	vperm.xlane v22, v44  }
0x153: {  	v59 =	vmul.f32 v63, v40;
	v37 =	vmul.f32 v23, v4;
	v4 =	vld [tilespmem:$0x1FFC0]  }
0x154: {  	v22 =	vld [tilespmem:s22+$0x450];
	v60 =	vmul.f32 v34, v40;
	v51 =	vmul.f32 v35, v40  }
0x155: {  	v63 =	vld [tilespmem:s23+$0x20];
	v30 =	vmul.f32 v45, v40;
	v32 =	vmul.f32 v28, v40  }
0x156: {  	v28 =	vld [tilespmem:s23+$0x40];
	v56 =	vmul.f32 v47, v40;
	v34 =	vmul.f32 v49, v40  }
0x157: {  	v47 =	vld [tilespmem:s23+$0x50];
	v35 =	vmul.f32 v52, v40;
	v55 =	vmul.f32 v55, v40  }
0x158: {  	v52 =	vmul.f32 v61, v44;
	v38 =	vmul.f32 v23, v4;
	v4 =	vld [tilespmem:$0x1FFD0]  }
0x159: {  	v49 =	vld [tilespmem:s23+$0x60];
	v24 =	vmul.f32 v24, v44;
	v19 =	vmul.f32 v19, v40  }
0x15a: {  	v61 =	vld [tilespmem:s23+$0x400];
	v62 =	vmul.f32 v31, v40;
	v31 =	vmul.f32 v46, v40  }
0x15b: {  	v27 =	vadd.f32 v52, v27;
	v52 =	vld [tilespmem:s23+$0x410];
	v45 =	vmul.f32 v22, v40;
	v22 =	vmul.f32 v58, v44  }
0x15c: {  	v46 =	vmul.f32 v57, v40;
	v58 =	vld [tilespmem:s23+$0x70];
	v41 =	vmul.f32 v63, v44  }
0x15d: {  	[tilespmem:$0x1FF20] =	vst v23;
	v24 =	vadd.f32 v24, v25;
	v22 =	vadd.f32 v22, v29;
	v39 =	vmul.f32 v23, v4;
	v23 =	vld [tilespmem:s23+$0x420]  }
0x15e: {  	v29 =	vmul.f32 v28, v44;
	v63 =	vmul.f32 v47, v44;
	v28 =	vadd.f32 v41, v26;
	v4 =	vld [tilespmem:$0x1FF30]  }
0x15f: {  	v57 =	vld [tilespmem:s23+$0x430];
	v41 =	vmul.f32 v49, v44;
	v25 =	vadd.f32 v59, v22;
	v26 =	vadd.f32 v60, v27  }
0x160: {  	v47 =	vld [tilespmem:s23+$0x440];
	v60 =	vmul.f32 v52, v44;
	v27 =	vadd.f32 v19, v28;
	v19 =	vadd.f32 v29, v50  }
0x161: {  	v49 =	vld [tilespmem:s23+$0x450];
	v22 =	vmul.f32 v58, v44;
	v28 =	vadd.f32 v62, v24;
	v24 =	vadd.f32 v63, v48  }
0x162: {  	v58 =	vmul.f32 v61, v44;
	v62 =	vadd.f32 v41, v42;
	v50 =	vld [tilespmem:s23+$0x460];
	v29 =	vadd.f32 v51, v19  }
0x163: {  	v48 =	vld [tilespmem:s23+$0x470];
	v30 =	vadd.f32 v30, v24;
	s23 =	simm.s32 $0x200;
	v61 =	vadd.f32 v22, v4;
	v59 =	vmul.f32 v23, v44  }
.LBB2_5:
0x164: {  	s24 =	sand.u32 $0x7800, s23  }
0x165: {  	v19 =	vmul.f32 v57, v44;
	v51 =	vadd.f32 v31, v62;
	v52 =	vadd.f32 v32, v61;
	v22 =	vld [tilespmem:s22+$0x460];
	s20 =	sadd.s32 $0x100, s20;
	s25 =	smov.u32 s21;
	s21 =	sadd.s32 $0x2, s21  }
0x166: {  	v23 =	vadd.f32 v58, v54;
	v24 =	vadd.f32 v60, v53;
	s26 =	sand.u32 $0x70, s21;
	s24 =	sor.u32 $0x100, s24;
	s28 =	sand.u32 $0x380, s20;
	v31 =	vmul.f32 v47, v44;
	v32 =	vld [tilespmem:s22+$0x470]  }
0x167: {  	p1 =	slt.u32 s21, $0x7E;
	v36 =	vadd.f32 v59, v36;
	v41 =	vld [tilespmem:s26+$0x10100];
	s22 =	sadd.s32 s28, s24;
	v19 =	vadd.f32 v19, v33;
	v47 =	vmul.f32 v49, v44  }
0x168: {  	v54 =	vadd.f32 v56, v23;
	v53 =	vadd.f32 v34, v24;
	v49 =	vld [tilespmem:s22+$0x0];
	v50 =	vmul.f32 v50, v44  }
0x169: {  	v36 =	vadd.f32 v35, v36;
	v23 =	vld [tilespmem:s22+$0x10];
	v24 =	vmul.f32 v48, v44;
	v33 =	vadd.f32 v55, v19  }
0x16a: {  	v31 =	vadd.f32 v31, v43;
	v34 =	vadd.f32 v47, v37;
	v19 =	vld [tilespmem:s22+$0x20];
	v22 =	vmul.f32 v22, v40  }
0x16b: {  	v38 =	vadd.f32 v50, v38;
	v35 =	vld [tilespmem:s22+$0x30];
	v24 =	vadd.f32 v24, v39;
	v32 =	vmul.f32 v32, v40  }
0x16c: {  	v43 =	vadd.f32 v46, v31;
	v37 =	vadd.f32 v45, v34;
	v47 =	vld [tilespmem:s22+$0x40]  }
0x16d: {  	v38 =	vadd.f32 v22, v38;
	v31 =	vld [tilespmem:s22+$0x50];
	v39 =	vadd.f32 v32, v24  }
0x16e: {  	v22 =	vld [tilespmem:s22+$0x60]  }
0x16f: {  	v24 =	vld [tilespmem:s22+$0x70]  }
0x170: {  	v34 =	vld [tilespmem:s22+$0x400]  }
0x171: {  	v45 =	vld [tilespmem:s22+$0x410]  }
0x172: {  	s25 =	sadd.s32 $0x3, s25;
	v46 =	vld [tilespmem:s22+$0x420]  }
0x173: {  	s26 =	sand.u32 $0xE, s21;
	s28 =	sadd.s32 $0xFFFFFF80, s20;
	v32 =	vmov s25;
	v48 =	vld [tilespmem:s22+$0x430]  }
0x174: {  	v44 =	vmov s26;
	s25 =	sand.u32 $0x300, s28;
	v40 =	vperm.xlane v41, v32;
	v50 =	vld [tilespmem:s22+$0x440]  }
0x175: {  	v44 =	vperm.xlane v41, v44;
	s24 =	sadd.s32 s25, s24;
	v41 =	vld [tilespmem:s22+$0x450]  }
0x176: {  	v49 =	vmul.f32 v49, v40;
	v23 =	vmul.f32 v23, v40;
	v57 =	vld [tilespmem:s24+$0x0]  }
0x177: {  	v19 =	vmul.f32 v19, v40;
	v59 =	vmul.f32 v35, v40;
	v58 =	vld [tilespmem:s24+$0x10]  }
0x178: {  	v63 =	vmul.f32 v47, v40;
	v42 =	vmul.f32 v31, v40;
	v60 =	vld [tilespmem:s24+$0x20]  }
0x179: {  	v31 =	vmul.f32 v22, v40;
	v32 =	vmul.f32 v24, v40;
	v47 =	vld [tilespmem:s24+$0x30]  }
0x17a: {  	v56 =	vmul.f32 v34, v40;
	v34 =	vmul.f32 v45, v40;
	v22 =	vld [tilespmem:s24+$0x40]  }
0x17b: {  	v35 =	vmul.f32 v46, v40;
	v55 =	vmul.f32 v48, v40;
	v24 =	vld [tilespmem:s24+$0x50]  }
0x17c: {  	v46 =	vmul.f32 v50, v40;
	v45 =	vmul.f32 v41, v40;
	v48 =	vld [tilespmem:s24+$0x60]  }
0x17d: {  	v41 =	vmul.f32 v57, v44;
	v50 =	vmul.f32 v58, v44;
	v58 =	vld [tilespmem:s24+$0x70]  }
0x17e: {  	v57 =	vmul.f32 v60, v44;
	v47 =	vmul.f32 v47, v44;
	v60 =	vld [tilespmem:s24+$0x400]  }
0x17f: {  	v25 =	vadd.f32 v41, v25;
	v26 =	vadd.f32 v50, v26;
	v22 =	vmul.f32 v22, v44;
	v41 =	vld [tilespmem:s24+$0x410]  }
0x180: {  	v27 =	vadd.f32 v57, v27;
	v28 =	vadd.f32 v47, v28;
	v24 =	vmul.f32 v24, v44;
	v4 =	vld [tilespmem:s24+$0x420]  }
.Ltmp1:
0x181: {  	v25 =	vadd.f32 v49, v25;
	v26 =	vadd.f32 v23, v26;
	v48 =	vmul.f32 v48, v44;
	v57 =	vld [tilespmem:s24+$0x430];
	(pc) =	sbr.rel @p1 .LBB2_5-.Ltmp1, $4  }
0x182: {  	v27 =	vadd.f32 v19, v27;
	v23 =	vmul.f32 v58, v44;
	v47 =	vld [tilespmem:s24+$0x440];
	v28 =	vadd.f32 v59, v28  }
0x183: {  	v19 =	vadd.f32 v22, v29;
	v22 =	vadd.f32 v24, v30;
	v58 =	vmul.f32 v60, v44;
	v49 =	vld [tilespmem:s24+$0x450]  }
0x184: {  	v62 =	vadd.f32 v48, v51;
	v61 =	vadd.f32 v23, v52;
	v60 =	vmul.f32 v41, v44;
	v50 =	vld [tilespmem:s24+$0x460]  }
0x185: {  	s23 =	sadd.s32 $0x200, s23;
	v29 =	vadd.f32 v63, v19;
	v30 =	vadd.f32 v42, v22;
	v59 =	vmul.f32 v4, v44;
	v48 =	vld [tilespmem:s24+$0x470]  }
0x186: {  	v4 =	vld [tilespmem:s22+$0x460];
	_ =	sdelay $0x4  }
0x187: {  	s20 =	simm.s32 @p0 $0x0;
	s21 =	simm.s32 @p0 $0x100;
	[tilespmem:$0x1FEA0] =	vst v4;
	v4 =	vld [tilespmem:s22+$0x470]  }
0x188: {  	[tilespmem:s21], [sflag:$0x1] =	stream.linear.gather @p0 [hbm4b:s6+s20], $0x8000, $0x38;
	[tilespmem:$0x10300] =	vst v63  }
0x189: {  	s20 =	simm.s32 $0x0  }
0x18a: {  	s21 =	simm.s32 $0x180;
	s28 =	sand.u32 $0x7800, s20  }
0x18b: {  	s23 =	sand.u32 $0x380, s21;
	s29 =	sand.u32 $0x7, s20;
	s22 =	sor.u32 $0x8100, s28  }
0x18c: {  	s24 =	sadd.s32 s23, s22;
	s23 =	sshll.u32 s29, $0x7;
	[tilespmem:$0x1FEB0] =	vst v4  }
0x18d: {  	s23 =	sadd.s32 $0x0, s23;
	_ =	swait.ge [sflag:s14], $0x8000  }
0x18e: {  	s25 =	sadd.s32 $0x180, s23;
	[sflag:s14] =	ssyncset.done $0x0  }
0x18f: {  	s26 =	sor.u32 $0x420, s25;
	[sflag:s14] =	ssyncadd.s32 $0xFFFF8000  }
0x190: {  	v52 =	vld [tilespmem:s26+$0x8100];
	_ =	sdelay $0x3  }
0x191: {  	s28 =	sor.u32 $0x430, s25  }
0x192: {  	[tilespmem:$0x1FCD0] =	vst v52;
	v52 =	vld [tilespmem:s28+$0x8100];
	_ =	sdelay $0x3  }
0x193: {  	s29 =	sor.u32 $0x440, s25  }
0x194: {  	[tilespmem:$0x1FCE0] =	vst v52;
	v52 =	vld [tilespmem:s29+$0x8100];
	_ =	sdelay $0x2  }
0x195: {  	s30 =	sor.u32 $0x400, s25  }
0x196: {  	v51 =	vld [tilespmem:s30+$0x8100];
	s30 =	sor.u32 $0x450, s25  }
0x197: {  	[tilespmem:$0x1FCF0] =	vst v52;
	v52 =	vld [tilespmem:s30+$0x8100];
	_ =	sdelay $0x2  }
0x198: {  	s31 =	sor.u32 $0x410, s25  }
0x199: {  	[tilespmem:$0x1FCC0] =	vst v51;
	v51 =	vld [tilespmem:s31+$0x8100];
	s31 =	sor.u32 $0x460, s25  }
0x19a: {  	[tilespmem:$0x1FD00] =	vst v52;
	v52 =	vld [tilespmem:s31+$0x8100];
	_ =	sdelay $0x3  }
0x19b: {  	s25 =	sor.u32 $0x470, s25  }
0x19c: {  	[tilespmem:$0x1FD10] =	vst v52;
	v52 =	vld [tilespmem:s25+$0x8100];
	_ =	sdelay $0x1  }
0x19d: {  	s26 =	simm.s32 $0x100  }
0x19e: {  	s26 =	sand.u32 $0x300, s26  }
0x19f: {  	s28 =	sadd.s32 s26, s22  }
0x1a0: {  	[tilespmem:$0x1FD20] =	vst v52;
	v52 =	vld [tilespmem:s28+$0x0];
	_ =	sdelay $0x4  }
0x1a1: {  	[tilespmem:$0x1FD30] =	vst v52;
	v52 =	vld [tilespmem:s28+$0x10];
	_ =	sdelay $0x4  }
0x1a2: {  	[tilespmem:$0x1FD40] =	vst v52;
	v52 =	vld [tilespmem:s28+$0x20];
	_ =	sdelay $0x4  }
0x1a3: {  	[tilespmem:$0x1FD50] =	vst v52;
	v52 =	vld [tilespmem:s28+$0x30];
	_ =	sdelay $0x4  }
0x1a4: {  	[tilespmem:$0x1FD60] =	vst v52;
	v52 =	vld [tilespmem:s28+$0x40]  }
0x1a5: {  	v4 =	vld [tilespmem:s24+$0x0]  }
0x1a6: {  	v19 =	vld [tilespmem:s24+$0x10]  }
0x1a7: {  	v22 =	vld [tilespmem:s24+$0x20]  }
0x1a8: {  	v23 =	vld [tilespmem:s24+$0x30]  }
0x1a9: {  	[tilespmem:$0x1FD70] =	vst v52;
	v52 =	vld [tilespmem:s28+$0x50]  }
0x1aa: {  	v24 =	vld [tilespmem:s24+$0x40]  }
0x1ab: {  	v41 =	vld [tilespmem:s24+$0x50]  }
0x1ac: {  	v42 =	vld [tilespmem:s24+$0x60]  }
0x1ad: {  	v63 =	vld [tilespmem:s24+$0x70];
	s29 =	sand.u32 $0x3, s20  }
0x1ae: {  	s24 =	sshll.u32 s29, $0x8;
	[tilespmem:$0x1FD80] =	vst v52;
	v52 =	vld [tilespmem:s28+$0x60]  }
0x1af: {  	s24 =	sadd.s32 $0x0, s24  }
0x1b0: {  	v31 =	vadd.f32 v31, v62;
	s24 =	sadd.s32 $0x100, s24  }
0x1b1: {  	s29 =	sor.u32 $0x440, s24  }
0x1b2: {  	[tilespmem:$0x1FC60] =	vst v31;
	v31 =	vld [tilespmem:s29+$0x8100]  }
0x1b3: {  	[tilespmem:$0x1FD90] =	vst v52;
	v52 =	vld [tilespmem:s28+$0x70];
	_ =	sdelay $0x1  }
0x1b4: {  	v4 =	vmul.f32 v4, v5;
	v19 =	vmul.f32 v19, v6  }
0x1b5: {  	v22 =	vmul.f32 v22, v7;
	v23 =	vmul.f32 v23, v8  }
0x1b6: {  	v36 =	vadd.f32 v59, v36;
	v24 =	vmul.f32 v24, v9;
	v41 =	vmul.f32 v41, v10;
	s30 =	sor.u32 $0x400, s24;
	[tilespmem:$0x1FDF0] =	vst v31  }
0x1b7: {  	v42 =	vmul.f32 v42, v11;
	v59 =	vmul.f32 v63, v12;
	v31 =	vadd.f32 v32, v61;
	[tilespmem:$0x1FDA0] =	vst v52;
	v52 =	vld [tilespmem:s30+$0x8100]  }
0x1b8: {  	v4 =	vadd.f32 v19, v4;
	v22 =	vadd.f32 v23, v22;
	v19 =	vld [tilespmem:$0x1FCC0];
	s30 =	sor.u32 $0x450, s24  }
0x1b9: {  	v23 =	vadd.f32 v41, v24;
	v32 =	vadd.f32 v59, v42;
	[tilespmem:$0x1FC70] =	vst v31;
	v31 =	vld [tilespmem:s30+$0x8100];
	_ =	sdelay $0x1  }
0x1ba: {  	v57 =	vmul.f32 v57, v44;
	v4 =	vadd.f32 v22, v4;
	s31 =	sor.u32 $0x410, s24;
	v23 =	vadd.f32 v32, v23  }
0x1bb: {  	v54 =	vadd.f32 v58, v54;
	[tilespmem:$0x1FDB0] =	vst v52;
	v52 =	vld [tilespmem:s31+$0x8100]  }
0x1bc: {  	v57 =	vadd.f32 v57, v33;
	v33 =	vmul.f32 v19, v13;
	v19 =	vld [tilespmem:$0x1FCD0];
	v4 =	vadd.f32 v23, v4  }
0x1bd: {  	[tilespmem:$0x1FE00] =	vst v31;
	v31 =	vadd.f32 v56, v54  }
0x1be: {  	v53 =	vadd.f32 v60, v53;
	[tilespmem:$0x1FE70] =	vst v4  }
0x1bf: {  	s26 =	sor.u32 $0x420, s24;
	v4 =	vld [tilespmem:$0x1FD30];
	s31 =	simm.s32 $0x80;
	[tilespmem:$0x1FC80] =	vst v31  }
0x1c0: {  	v31 =	vadd.f32 v34, v53;
	[tilespmem:$0x1FDC0] =	vst v52;
	v52 =	vld [tilespmem:s26+$0x8100];
	s26 =	sand.u32 $0x280, s31  }
0x1c1: {  	v34 =	vmul.f32 v19, v15;
	v19 =	vld [tilespmem:$0x1FCE0];
	s29 =	sor.u32 s26, s22  }
0x1c2: {  	[tilespmem:$0x1FC90] =	vst v31;
	v31 =	vld [tilespmem:s29+$0x0];
	_ =	sdelay $0x3  }
0x1c3: {  	v23 =	vmul.f32 v4, v5;
	v4 =	vld [tilespmem:$0x1FD40]  }
0x1c4: {  	v51 =	vmul.f32 v51, v14;
	[tilespmem:$0x1FE10] =	vst v31;
	v31 =	vadd.f32 v35, v36;
	v35 =	vmul.f32 v19, v16;
	_ =	sdelay $0x1  }
0x1c5: {  	v41 =	vadd.f32 v51, v33;
	v54 =	vadd.f32 v35, v34;
	_ =	sdelay $0x1  }
0x1c6: {  	v33 =	vmul.f32 v4, v6;
	v4 =	vadd.f32 v54, v41;
	_ =	sdelay $0x1  }
0x1c7: {  	[tilespmem:$0x1FE50] =	vst v4;
	v4 =	vld [tilespmem:$0x1FD50];
	_ =	sdelay $0x1  }
0x1c8: {  	s28 =	sor.u32 $0x430, s24  }
0x1c9: {  	[tilespmem:$0x1FDD0] =	vst v52;
	v52 =	vld [tilespmem:s28+$0x8100]  }
0x1ca: {  	v19 =	vld [tilespmem:$0x1FCF0]  }
0x1cb: {  	v34 =	vmul.f32 v4, v7;
	v4 =	vld [tilespmem:$0x1FD60]  }
0x1cc: {  	[tilespmem:$0x1FCA0] =	vst v31;
	v31 =	vld [tilespmem:s29+$0x10];
	_ =	sdelay $0x2  }
0x1cd: {  	[tilespmem:$0x1FDE0] =	vst v52;
	v52 =	vmul.f32 v19, v17;
	v19 =	vld [tilespmem:$0x1FD00]  }
0x1ce: {  	v35 =	vmul.f32 v4, v8;
	v4 =	vld [tilespmem:$0x1FD70]  }
0x1cf: {  	[tilespmem:$0x1FE20] =	vst v31;
	v31 =	vadd.f32 v55, v57;
	_ =	sdelay $0x1  }
0x1d0: {  	[tilespmem:$0x1FCB0] =	vst v31;
	v31 =	vld [tilespmem:s29+$0x20]  }
0x1d1: {  	v36 =	vmul.f32 v19, v18;
	v19 =	vld [tilespmem:$0x1FD10]  }
0x1d2: {  	v54 =	vmul.f32 v4, v9;
	v4 =	vld [tilespmem:$0x1FD80];
	_ =	sdelay $0x3  }
0x1d3: {  	[tilespmem:$0x1FE30] =	vst v31;
	v31 =	vmul.f32 v19, v20;
	v19 =	vld [tilespmem:$0x1FD20]  }
0x1d4: {  	v22 =	vmul.f32 v4, v10;
	v4 =	vld [tilespmem:$0x1FD90];
	_ =	sdelay $0x4  }
0x1d5: {  	v42 =	vmul.f32 v19, v21;
	v19 =	vmul.f32 v4, v11;
	v4 =	vld [tilespmem:$0x1FDA0];
	_ =	sdelay $0x4  }
0x1d6: {  	v4 =	vmul.f32 v4, v12;
	_ =	sdelay $0x1  }
0x1d7: {  	v4 =	vadd.f32 v4, v19;
	v19 =	vld [tilespmem:$0x1FDB0];
	_ =	sdelay $0x4  }
0x1d8: {  	v52 =	vadd.f32 v36, v52;
	v36 =	vmul.f32 v19, v13;
	v19 =	vld [tilespmem:$0x1FDC0]  }
0x1d9: {  	s23 =	sadd.s32 $0x80, s23  }
0x1da: {  	s25 =	sor.u32 $0x420, s23  }
0x1db: {  	v51 =	vld [tilespmem:s25+$0x8100];
	v23 =	vadd.f32 v33, v23;
	s30 =	sor.u32 $0x400, s23;
	v34 =	vadd.f32 v35, v34  }
0x1dc: {  	v63 =	vld [tilespmem:s30+$0x8100];
	s31 =	sor.u32 $0x410, s23  }
0x1dd: {  	v53 =	vld [tilespmem:s31+$0x8100];
	v24 =	vmul.f32 v19, v14;
	v19 =	vadd.f32 v34, v23  }
0x1de: {  	v60 =	vld [tilespmem:s29+$0x30]  }
0x1df: {  	[tilespmem:$0x1FE40] =	vst v19;
	v19 =	vld [tilespmem:$0x1FDD0]  }
0x1e0: {  	s30 =	simm.s32 $0x0;
	v62 =	vld [tilespmem:s29+$0x40]  }
0x1e1: {  	s25 =	sand.u32 $0x200, s30;
	v59 =	vld [tilespmem:s29+$0x50]  }
0x1e2: {  	s22 =	sor.u32 s25, s22;
	v58 =	vld [tilespmem:s29+$0x60]  }
0x1e3: {  	v32 =	vld [tilespmem:s22+$0x10]  }
0x1e4: {  	s28 =	sor.u32 $0x460, s24;
	v22 =	vadd.f32 v22, v54;
	v23 =	vmul.f32 v19, v15;
	v19 =	vld [tilespmem:$0x1FDE0]  }
0x1e5: {  	v61 =	vld [tilespmem:s28+$0x8100]  }
0x1e6: {  	v54 =	vadd.f32 v4, v22;
	v4 =	vld [tilespmem:$0x1FDF0]  }
0x1e7: {  	s26 =	sor.u32 $0x430, s23;
	s31 =	sor.u32 $0x460, s23;
	v55 =	vld [tilespmem:s29+$0x70]  }
0x1e8: {  	s28 =	sor.u32 $0x440, s23;
	v57 =	vld [tilespmem:s26+$0x8100];
	s29 =	sor.u32 $0x450, s23;
	s23 =	sor.u32 $0x470, s23;
	v31 =	vadd.f32 v42, v31  }
0x1e9: {  	p1 =	por $0x0, $0x0;
	s24 =	sor.u32 $0x470, s24;
	v33 =	vld [tilespmem:s23+$0x8100];
	s23 =	simm.s32 $0x1;
	v19 =	vmul.f32 v19, v16  }
0x1ea: {  	v51 =	vmul.f32 v51, v15;
	v56 =	vld [tilespmem:s24+$0x8100];
	s23 =	simm.s32 @!p1 $0x0;
	v31 =	vadd.f32 v31, v52  }
0x1eb: {  	s23 =	sshll.u32 s23, $0x9;
	v22 =	vmul.f32 v4, v17;
	v4 =	vld [tilespmem:$0x1FE00];
	v24 =	vadd.f32 v24, v36;
	v19 =	vadd.f32 v19, v23  }
0x1ec: {  	v58 =	vmul.f32 v58, v11;
	v41 =	vld [tilespmem:s29+$0x8100];
	v55 =	vmul.f32 v55, v12;
	s23 =	sadd.s32 $0x0, s23  }
0x1ed: {  	v63 =	vmul.f32 v63, v13;
	v53 =	vmul.f32 v53, v14;
	s29 =	sor.u32 $0x420, s23;
	[tilespmem:$0x1FE60] =	vst v31;
	v31 =	vadd.f32 v19, v24;
	v19 =	vld [tilespmem:$0x1FE10]  }
0x1ee: {  	v62 =	vmul.f32 v62, v9;
	v57 =	vmul.f32 v57, v16;
	v55 =	vadd.f32 v55, v58;
	s24 =	sor.u32 $0x450, s23;
	v58 =	vld [tilespmem:s29+$0x8100]  }
0x1ef: {  	v59 =	vmul.f32 v59, v10;
	v53 =	vadd.f32 v53, v63;
	v61 =	vmul.f32 v61, v20;
	s25 =	sor.u32 $0x460, s23;
	v63 =	vld [tilespmem:s24+$0x8100]  }
0x1f0: {  	v56 =	vmul.f32 v56, v21;
	v51 =	vadd.f32 v57, v51;
	v57 =	vld [tilespmem:s25+$0x8100];
	v4 =	vmul.f32 v4, v18  }
0x1f1: {  	v59 =	vadd.f32 v59, v62;
	v35 =	vld [tilespmem:s31+$0x8100]  }
0x1f2: {  	s31 =	sor.u32 $0x440, s23;
	v4 =	vadd.f32 v4, v22;
	v22 =	vadd.f32 v56, v61;
	v56 =	vmul.f32 v19, v5;
	v19 =	vld [tilespmem:$0x1FE20]  }
0x1f3: {  	v55 =	vadd.f32 v55, v59;
	v59 =	vld [tilespmem:s31+$0x8100]  }
0x1f4: {  	v42 =	vld [tilespmem:s28+$0x8100]  }
0x1f5: {  	v52 =	vld [tilespmem:s22+$0x20]  }
0x1f6: {  	v34 =	vld [tilespmem:s22+$0x0]  }
0x1f7: {  	v61 =	vmul.f32 v19, v6;
	v19 =	vadd.f32 v22, v4;
	v4 =	vld [tilespmem:$0x1FE30]  }
0x1f8: {  	v36 =	vld [tilespmem:s22+$0x40]  }
0x1f9: {  	v23 =	vld [tilespmem:s22+$0x30]  }
0x1fa: {  	v60 =	vmul.f32 v60, v8;
	v32 =	vmul.f32 v32, v6;
	s28 =	sor.u32 $0x410, s23;
	v24 =	vld [tilespmem:s22+$0x50]  }
0x1fb: {  	v41 =	vmul.f32 v41, v18;
	v33 =	vmul.f32 v33, v21;
	v62 =	vld [tilespmem:s28+$0x8100]  }
0x1fc: {  	v35 =	vmul.f32 v35, v20;
	v22 =	vld [tilespmem:s22+$0x60];
	v4 =	vmul.f32 v4, v7  }
0x1fd: {  	s26 =	sor.u32 $0x400, s23;
	v42 =	vmul.f32 v42, v17;
	v52 =	vmul.f32 v52, v7;
	v56 =	vadd.f32 v61, v56;
	v61 =	vld [tilespmem:s22+$0x70]  }
0x1fe: {  	v34 =	vmul.f32 v34, v5;
	v23 =	vmul.f32 v23, v8;
	v4 =	vadd.f32 v60, v4;
	v60 =	vld [tilespmem:s26+$0x8100];
	s26 =	sor.u32 $0x470, s23  }
0x1ff: {  	s30 =	sor.u32 $0x430, s23;
	v41 =	vadd.f32 v41, v42;
	v36 =	vmul.f32 v36, v9;
	v24 =	vmul.f32 v24, v10;
	v42 =	vld [tilespmem:s26+$0x8100]  }
0x200: {  	v23 =	vadd.f32 v23, v52;
	v52 =	vmul.f32 v58, v15;
	v4 =	vadd.f32 v4, v56;
	v56 =	vld [tilespmem:s30+$0x8100]  }
0x201: {  	v24 =	vadd.f32 v24, v36;
	v36 =	vmul.f32 v59, v17;
	v22 =	vmul.f32 v22, v11  }
0x202: {  	v33 =	vadd.f32 v33, v35;
	v35 =	vmul.f32 v61, v12;
	v61 =	vmul.f32 v63, v18  }
0x203: {  	v32 =	vadd.f32 v32, v34;
	v34 =	vmul.f32 v60, v13;
	v60 =	vmul.f32 v62, v14  }
0x204: {  	v33 =	vadd.f32 v33, v41;
	v62 =	vmul.f32 v57, v20;
	v42 =	vmul.f32 v42, v21  }
0x205: {  	v23 =	vadd.f32 v23, v32;
	v22 =	vadd.f32 v35, v22;
	v56 =	vmul.f32 v56, v16  }
0x206: {  	v36 =	vadd.f32 v61, v36;
	v35 =	vadd.f32 v42, v62  }
0x207: {  	v34 =	vadd.f32 v60, v34;
	v52 =	vadd.f32 v56, v52  }
0x208: {  	v22 =	vadd.f32 v22, v24;
	v63 =	vadd.f32 v35, v36  }
0x209: {  	v36 =	vadd.f32 v51, v53;
	v24 =	vadd.f32 v52, v34  }
0x20a: {  	v4 =	vadd.f32 v55, v4;
	v22 =	vadd.f32 v22, v23  }
0x20b: {  	v23 =	vadd.f32 v63, v24;
	v24 =	vadd.f32 v33, v36  }
0x20c: {  	v19 =	vadd.f32 v19, v31;
	v31 =	vld [tilespmem:$0x1FE60]  }
0x20d: {  	v4 =	vadd.f32 v24, v4;
	v24 =	vld [tilespmem:$0x1FE50]  }
0x20e: {  	v41 =	vld [tilespmem:$0x1FE40];
	_ =	sdelay $0x3  }
0x20f: {  	v24 =	vadd.f32 v31, v24;
	v31 =	vmul.f32 v49, v44;
	v49 =	vld [tilespmem:$0x1FE70]  }
0x210: {  	v32 =	vadd.f32 v54, v41;
	v59 =	vld [tilespmem:$0x1FEB0];
	v22 =	vadd.f32 v23, v22;
	v23 =	vmul.f32 v47, v44;
	_ =	sdelay $0x1  }
0x211: {  	v19 =	vadd.f32 v19, v32;
	v23 =	vadd.f32 v23, v43;
	v43 =	vperm.xlane v4, v0  }
0x212: {  	v47 =	vmul.f32 v50, v44;
	v42 =	vperm.xlane v22, v0  }
0x213: {  	v58 =	vld [tilespmem:$0x1FEA0];
	v50 =	vperm.xlane v19, v0;
	v4 =	vadd.f32 v4, v43;
	v24 =	vadd.f32 v24, v49  }
0x214: {  	v51 =	vmul.f32 v48, v44;
	v35 =	vmul.f32 v59, v40;
	v22 =	vadd.f32 v22, v42  }
0x215: {  	v19 =	vadd.f32 v19, v50;
	v55 =	vperm.xlane v4, v1;
	v52 =	vperm.xlane v24, v0  }
0x216: {  	v23 =	vadd.f32 v46, v23;
	v54 =	vperm.xlane v22, v1;
	v31 =	vadd.f32 v31, v37  }
0x217: {  	v56 =	vperm.xlane v19, v1;
	v4 =	vadd.f32 v4, v55;
	v24 =	vadd.f32 v24, v52  }
0x218: {  	v34 =	vmul.f32 v58, v40;
	v22 =	vadd.f32 v22, v54;
	v31 =	vadd.f32 v45, v31  }
0x219: {  	v61 =	vld [tilespmem:$0x1FF10];
	[tilespmem:$0x1FE80] =	vst v23;
	v19 =	vadd.f32 v19, v56;
	v57 =	vperm.xlane v4, v2;
	v23 =	vperm.xlane v24, v1  }
0x21a: {  	v60 =	vld [tilespmem:$0x1FF00];
	v36 =	vadd.f32 v51, v39;
	v53 =	vadd.f32 v47, v38;
	[tilespmem:$0x1FE90] =	vst v31;
	v31 =	vperm.xlane v22, v2  }
0x21b: {  	v62 =	vld [tilespmem:$0x1FFE0];
	v4 =	vadd.f32 v4, v57;
	v23 =	vadd.f32 v24, v23;
	v24 =	vperm.xlane v19, v2  }
0x21c: {  	v63 =	vld [tilespmem:$0x1FF20];
	v22 =	vadd.f32 v22, v31;
	v31 =	vadd.f32 v34, v53  }
0x21d: {  	v19 =	vadd.f32 v19, v24;
	v24 =	vadd.f32 v35, v36  }
0x21e: {  	[tilespmem:$0x1FEC0] =	vst v31;
	v31 =	vperm.xlane v23, v2  }
0x21f: {  	v40 =	vlaneseq.u32;
	v32 =	vperm.xlane v4, v3;
	[tilespmem:$0x1FED0] =	vst v24;
	v24 =	vperm.xlane v22, v3  }
0x220: {  	s22 =	simm.s32 $0x0;
	v33 =	vadd.f32 v60, v61;
	v23 =	vadd.f32 v23, v31;
	v31 =	vperm.xlane v19, v3  }
0x221: {  	s28 =	sand.u32 $0xC, s22;
	v34 =	vmul.f32 v63, v62;
	v4 =	vadd.f32 v4, v32;
	v22 =	vadd.f32 v22, v24  }
0x222: {  	s29 =	simm.s32 $0x1;
	v24 =	vperm.xlane v23, v3;
	v19 =	vadd.f32 v19, v31;
	v31 =	vmov s28  }
0x223: {  	s24 =	sand.u32 $0xD, s29;
	v4 =	vmul.f32 $6.250000000e-02, v4;
	vm1 =	veq.s32 v31, v40;
	v22 =	vmul.f32 $6.250000000e-02, v22  }
0x224: {  	s31 =	simm.s32 $0x3;
	s30 =	simm.s32 $0x2;
	v31 =	vimm.f32 $0.0e+00;
	v23 =	vadd.f32 v23, v24;
	v24 =	vmov s24  }
0x225: {  	s25 =	sand.u32 $0xF, s31;
	s23 =	sand.u32 $0xE, s30;
	vm2 =	veq.s32 v24, v40;
	v24 =	vsel vm1, v22, v31;
	v22 =	vadd.f32 v33, v34  }
0x226: {  	v41 =	vmov s25;
	v42 =	vmul.f32 $6.250000000e-02, v19;
	v31 =	vmov s23  }
0x227: {  	s24 =	simm.s32 $0x0;
	v23 =	vmul.f32 $6.250000000e-02, v23;
	s23 =	simm.s32 $0x400;
	vm1 =	veq.s32 v31, v40;
	v43 =	vsel vm2, v4, v24;
	[tilespmem:$0x1FEE0] =	vst v22  }
.LBB2_7:
0x228: {  	s26 =	sand.u32 $0x7800, s23;
	v4 =	vsel vm1, v42, v43;
	vm1 =	veq.s32 v41, v40;
	p2 =	sne.s32 s25, $0xF;
	s21 =	sadd.s32 $0x200, s21  }
0x229: {  	s25 =	sor.u32 $0x8100, s26;
	s26 =	sand.u32 $0x380, s21;
	v23 =	vsel vm1, v23, v4;
	s28 =	sand.u32 @!p2 $0x70, s22  }
0x22a: {  	s29 =	sadd.s32 s26, s25;
	[tilespmem:s28+$0x10100] =	vst @!p2 v23  }
0x22b: {  	v4 =	vld [tilespmem:s29+$0x0]  }
0x22c: {  	v19 =	vld [tilespmem:s29+$0x10]  }
0x22d: {  	s20 =	sadd.s32 $0x4, s20;
	v24 =	vld [tilespmem:s29+$0x20]  }
0x22e: {  	s26 =	sand.u32 $0x7, s20;
	v31 =	vld [tilespmem:s29+$0x30]  }
0x22f: {  	s26 =	sshll.u32 s26, $0x7;
	v32 =	vld [tilespmem:s29+$0x40]  }
0x230: {  	s26 =	sadd.s32 s23, s26;
	v33 =	vld [tilespmem:s29+$0x50]  }
0x231: {  	s28 =	sadd.s32 $0x180, s26;
	v34 =	vld [tilespmem:s29+$0x60]  }
0x232: {  	v35 =	vld [tilespmem:s29+$0x70];
	s29 =	sor.u32 $0x400, s28  }
0x233: {  	v36 =	vld [tilespmem:s29+$0x8100];
	s29 =	sor.u32 $0x410, s28  }
0x234: {  	v41 =	vld [tilespmem:s29+$0x8100];
	s29 =	sor.u32 $0x420, s28  }
0x235: {  	v42 =	vld [tilespmem:s29+$0x8100];
	s29 =	sor.u32 $0x430, s28  }
0x236: {  	v43 =	vld [tilespmem:s29+$0x8100];
	s29 =	sor.u32 $0x440, s28  }
0x237: {  	v44 =	vld [tilespmem:s29+$0x8100];
	s29 =	sor.u32 $0x450, s28  }
0x238: {  	s30 =	sadd.s32 $0xFFFFFF80, s21;
	v45 =	vld [tilespmem:s29+$0x8100];
	s29 =	sor.u32 $0x460, s28  }
0x239: {  	s30 =	sand.u32 $0x300, s30;
	s28 =	sor.u32 $0x470, s28;
	v46 =	vld [tilespmem:s29+$0x8100]  }
0x23a: {  	s29 =	sadd.s32 s30, s25;
	v47 =	vld [tilespmem:s28+$0x8100]  }
0x23b: {  	v48 =	vld [tilespmem:s29+$0x0]  }
0x23c: {  	v49 =	vld [tilespmem:s29+$0x10]  }
0x23d: {  	s24 =	sadd.s32 $0x2, s24;
	v50 =	vld [tilespmem:s29+$0x20]  }
0x23e: {  	s28 =	sand.u32 $0x3, s24;
	v51 =	vld [tilespmem:s29+$0x30]  }
0x23f: {  	s28 =	sshll.u32 s28, $0x8;
	v52 =	vld [tilespmem:s29+$0x40]  }
0x240: {  	s28 =	sadd.s32 s23, s28;
	v53 =	vld [tilespmem:s29+$0x50]  }
0x241: {  	s28 =	sadd.s32 $0x100, s28;
	v54 =	vld [tilespmem:s29+$0x60]  }
0x242: {  	v55 =	vld [tilespmem:s29+$0x70];
	s29 =	sor.u32 $0x400, s28  }
0x243: {  	v56 =	vld [tilespmem:s29+$0x8100];
	s29 =	sor.u32 $0x410, s28  }
0x244: {  	v57 =	vld [tilespmem:s29+$0x8100];
	s29 =	sor.u32 $0x420, s28  }
0x245: {  	v58 =	vld [tilespmem:s29+$0x8100];
	s29 =	sor.u32 $0x430, s28  }
0x246: {  	v59 =	vld [tilespmem:s29+$0x8100];
	s29 =	sor.u32 $0x440, s28  }
0x247: {  	v60 =	vld [tilespmem:s29+$0x8100];
	s29 =	sor.u32 $0x450, s28  }
0x248: {  	s30 =	sadd.s32 $0xFFFFFF00, s21;
	v61 =	vld [tilespmem:s29+$0x8100];
	s29 =	sor.u32 $0x460, s28  }
0x249: {  	s30 =	sand.u32 $0x280, s30;
	s28 =	sor.u32 $0x470, s28;
	v62 =	vld [tilespmem:s29+$0x8100]  }
0x24a: {  	v4 =	vmul.f32 v4, v5;
	v19 =	vmul.f32 v19, v6;
	s29 =	sor.u32 s30, s25;
	v63 =	vld [tilespmem:s28+$0x8100]  }
0x24b: {  	v24 =	vmul.f32 v24, v7;
	v31 =	vmul.f32 v31, v8;
	v22 =	vld [tilespmem:s29+$0x0]  }
0x24c: {  	v32 =	vmul.f32 v32, v9;
	v33 =	vmul.f32 v33, v10;
	v37 =	vld [tilespmem:s29+$0x10]  }
0x24d: {  	v34 =	vmul.f32 v34, v11;
	v35 =	vmul.f32 v35, v12;
	v38 =	vld [tilespmem:s29+$0x20]  }
0x24e: {  	v4 =	vadd.f32 v19, v4;
	v19 =	vadd.f32 v31, v24;
	v39 =	vld [tilespmem:s29+$0x30]  }
0x24f: {  	v31 =	vadd.f32 v33, v32;
	v32 =	vadd.f32 v35, v34;
	v24 =	vld [tilespmem:s29+$0x40]  }
0x250: {  	v4 =	vadd.f32 v19, v4;
	v34 =	vmul.f32 v36, v13;
	v35 =	vmul.f32 v41, v14;
	v33 =	vld [tilespmem:s29+$0x50]  }
0x251: {  	s26 =	sadd.s32 $0x80, s26;
	v36 =	vmul.f32 v42, v15;
	v41 =	vmul.f32 v43, v16;
	v31 =	vadd.f32 v32, v31;
	v19 =	vld [tilespmem:s29+$0x60]  }
0x252: {  	v34 =	vadd.f32 v35, v34;
	v43 =	vmul.f32 v44, v17;
	v44 =	vmul.f32 v45, v18;
	s28 =	sor.u32 $0x400, s26;
	v32 =	vld [tilespmem:s29+$0x70]  }
0x253: {  	v36 =	vadd.f32 v41, v36;
	v45 =	vmul.f32 v46, v20;
	v46 =	vmul.f32 v47, v21;
	v35 =	vld [tilespmem:s28+$0x8100];
	s28 =	sor.u32 $0x410, s26  }
0x254: {  	v41 =	vadd.f32 v31, v4;
	v48 =	vmul.f32 v48, v5;
	v49 =	vmul.f32 v49, v6;
	v47 =	vld [tilespmem:s28+$0x8100];
	s28 =	sor.u32 $0x420, s26  }
0x255: {  	v42 =	vadd.f32 v36, v34;
	v31 =	vmul.f32 v50, v7;
	v50 =	vmul.f32 v51, v8;
	v4 =	vld [tilespmem:s28+$0x8100];
	s28 =	sor.u32 $0x430, s26  }
0x256: {  	v43 =	vadd.f32 v44, v43;
	v36 =	vmul.f32 v52, v9;
	v51 =	vmul.f32 v53, v10;
	v34 =	vld [tilespmem:s28+$0x8100];
	s28 =	sor.u32 $0x440, s26  }
0x257: {  	v45 =	vadd.f32 v46, v45;
	v52 =	vmul.f32 v54, v11;
	v53 =	vmul.f32 v55, v12;
	v44 =	vld [tilespmem:s28+$0x8100];
	s28 =	sor.u32 $0x450, s26  }
0x258: {  	v48 =	vadd.f32 v49, v48;
	v31 =	vadd.f32 v50, v31;
	s29 =	sadd.s32 $0xFFFFFE80, s21;
	v46 =	vld [tilespmem:s28+$0x8100];
	s28 =	sor.u32 $0x460, s26  }
0x259: {  	v36 =	vadd.f32 v51, v36;
	v50 =	vadd.f32 v53, v52;
	s29 =	sand.u32 $0x200, s29;
	s26 =	sor.u32 $0x470, s26;
	v49 =	vld [tilespmem:s28+$0x8100]  }
0x25a: {  	v31 =	vadd.f32 v31, v48;
	v52 =	vmul.f32 v56, v13;
	v53 =	vmul.f32 v57, v14;
	s25 =	sor.u32 s29, s25;
	v51 =	vld [tilespmem:s26+$0x8100]  }
0x25b: {  	v54 =	vmul.f32 v58, v15;
	v55 =	vmul.f32 v59, v16;
	v36 =	vadd.f32 v50, v36;
	v48 =	vld [tilespmem:s25+$0x0]  }
0x25c: {  	v43 =	vadd.f32 v45, v43;
	v56 =	vmul.f32 v60, v17;
	v57 =	vmul.f32 v61, v18;
	v50 =	vld [tilespmem:s25+$0x10]  }
0x25d: {  	v31 =	vadd.f32 v36, v31;
	v58 =	vmul.f32 v62, v20;
	v59 =	vmul.f32 v63, v21;
	v45 =	vld [tilespmem:s25+$0x20]  }
0x25e: {  	p1 =	por !p1, !p1;
	v52 =	vadd.f32 v53, v52;
	v53 =	vadd.f32 v55, v54;
	s26 =	simm.s32 $0x1;
	v36 =	vld [tilespmem:s25+$0x30]  }
0x25f: {  	v55 =	vadd.f32 v57, v56;
	v56 =	vadd.f32 v59, v58;
	s26 =	simm.s32 @!p1 $0x0;
	v54 =	vld [tilespmem:s25+$0x40]  }
0x260: {  	v52 =	vadd.f32 v53, v52;
	v22 =	vmul.f32 v22, v5;
	v37 =	vmul.f32 v37, v6;
	s26 =	sshll.u32 s26, $0x9;
	v57 =	vld [tilespmem:s25+$0x50]  }
0x261: {  	v38 =	vmul.f32 v38, v7;
	v39 =	vmul.f32 v39, v8;
	v55 =	vadd.f32 v56, v55;
	s26 =	sadd.s32 s26, s23;
	v53 =	vld [tilespmem:s25+$0x60]  }
0x262: {  	v22 =	vadd.f32 v37, v22;
	v24 =	vmul.f32 v24, v9;
	v33 =	vmul.f32 v33, v10;
	v56 =	vld [tilespmem:s25+$0x70];
	s25 =	sor.u32 $0x400, s26  }
0x263: {  	v38 =	vadd.f32 v39, v38;
	v19 =	vmul.f32 v19, v11;
	v32 =	vmul.f32 v32, v12;
	v37 =	vld [tilespmem:s25+$0x8100];
	s25 =	sor.u32 $0x410, s26  }
0x264: {  	v24 =	vadd.f32 v33, v24;
	v35 =	vmul.f32 v35, v13;
	v47 =	vmul.f32 v47, v14;
	v39 =	vld [tilespmem:s25+$0x8100];
	s25 =	sor.u32 $0x420, s26  }
0x265: {  	v19 =	vadd.f32 v32, v19;
	v4 =	vmul.f32 v4, v15;
	v34 =	vmul.f32 v34, v16;
	v33 =	vld [tilespmem:s25+$0x8100];
	s25 =	sor.u32 $0x430, s26  }
0x266: {  	v22 =	vadd.f32 v38, v22;
	v44 =	vmul.f32 v44, v17;
	v46 =	vmul.f32 v46, v18;
	v32 =	vld [tilespmem:s25+$0x8100];
	s25 =	sor.u32 $0x440, s26  }
0x267: {  	v19 =	vadd.f32 v19, v24;
	v49 =	vmul.f32 v49, v20;
	v51 =	vmul.f32 v51, v21;
	v38 =	vld [tilespmem:s25+$0x8100];
	s25 =	sor.u32 $0x450, s26  }
0x268: {  	v35 =	vadd.f32 v47, v35;
	v24 =	vmul.f32 v48, v5;
	v48 =	vmul.f32 v50, v6;
	v50 =	vld [tilespmem:s25+$0x8100];
	s25 =	sor.u32 $0x460, s26  }
0x269: {  	v4 =	vadd.f32 v34, v4;
	v45 =	vmul.f32 v45, v7;
	v36 =	vmul.f32 v36, v8;
	v47 =	vld [tilespmem:s25+$0x8100];
	s25 =	sor.u32 $0x470, s26  }
0x26a: {  	v44 =	vadd.f32 v46, v44;
	v34 =	vmul.f32 v54, v9;
	v54 =	vmul.f32 v57, v10;
	v57 =	vld [tilespmem:s25+$0x8100]  }
0x26b: {  	v49 =	vadd.f32 v51, v49;
	v46 =	vmul.f32 v53, v11;
	v53 =	vmul.f32 v56, v12  }
0x26c: {  	v24 =	vadd.f32 v48, v24;
	v37 =	vmul.f32 v37, v13;
	v39 =	vmul.f32 v39, v14  }
0x26d: {  	v36 =	vadd.f32 v36, v45;
	v33 =	vmul.f32 v33, v15;
	v32 =	vmul.f32 v32, v16  }
0x26e: {  	v34 =	vadd.f32 v54, v34;
	v38 =	vmul.f32 v38, v17;
	v45 =	vmul.f32 v50, v18  }
0x26f: {  	v46 =	vadd.f32 v53, v46;
	v47 =	vmul.f32 v47, v20;
	v48 =	vmul.f32 v57, v21  }
0x270: {  	v37 =	vadd.f32 v39, v37;
	v32 =	vadd.f32 v32, v33  }
0x271: {  	v33 =	vadd.f32 v45, v38;
	v38 =	vadd.f32 v48, v47  }
0x272: {  	v24 =	vadd.f32 v36, v24;
	v34 =	vadd.f32 v46, v34  }
0x273: {  	v32 =	vadd.f32 v32, v37;
	v33 =	vadd.f32 v38, v33  }
0x274: {  	v4 =	vadd.f32 v4, v35;
	v35 =	vadd.f32 v49, v44  }
0x275: {  	v24 =	vadd.f32 v34, v24;
	v32 =	vadd.f32 v33, v32  }
0x276: {  	v19 =	vadd.f32 v19, v22;
	v4 =	vadd.f32 v35, v4  }
0x277: {  	v22 =	vadd.f32 v32, v24;
	v24 =	vadd.f32 v55, v52  }
0x278: {  	v4 =	vadd.f32 v4, v19;
	v19 =	vadd.f32 v43, v42  }
0x279: {  	v32 =	vperm.xlane v22, v0;
	v24 =	vadd.f32 v24, v31  }
0x27a: {  	v19 =	vadd.f32 v19, v41;
	v31 =	vperm.xlane v4, v0  }
0x27b: {  	v22 =	vadd.f32 v22, v32;
	v32 =	vperm.xlane v24, v0  }
0x27c: {  	v4 =	vadd.f32 v4, v31;
	v31 =	vperm.xlane v19, v0  }
0x27d: {  	v33 =	vperm.xlane v22, v1;
	v24 =	vadd.f32 v24, v32  }
0x27e: {  	v32 =	vperm.xlane v4, v1;
	v19 =	vadd.f32 v19, v31  }
0x27f: {  	v22 =	vadd.f32 v22, v33;
	v31 =	vperm.xlane v24, v1  }
0x280: {  	v4 =	vadd.f32 v4, v32;
	v32 =	vperm.xlane v19, v1  }
0x281: {  	v33 =	vperm.xlane v22, v2;
	v24 =	vadd.f32 v24, v31  }
0x282: {  	v31 =	vperm.xlane v4, v2;
	v19 =	vadd.f32 v19, v32  }
0x283: {  	v22 =	vadd.f32 v22, v33;
	v32 =	vperm.xlane v24, v2  }
0x284: {  	s25 =	sadd.s32 $0x7, s22;
	v4 =	vadd.f32 v4, v31;
	v31 =	vperm.xlane v19, v2  }
0x285: {  	s26 =	sadd.s32 $0x6, s22;
	s25 =	sand.u32 $0xF, s25;
	v33 =	vperm.xlane v22, v3;
	v24 =	vadd.f32 v24, v32  }
0x286: {  	s28 =	sadd.s32 $0x5, s22;
	s26 =	sand.u32 $0xE, s26;
	s22 =	sadd.s32 $0x4, s22;
	v41 =	vmov s25;
	v32 =	vperm.xlane v4, v3;
	v19 =	vadd.f32 v19, v31  }
0x287: {  	p2 =	slt.u32 s22, $0x7C;
	v34 =	vmov s26;
	s26 =	sand.u32 $0xD, s28;
	v31 =	vperm.xlane v24, v3;
	v22 =	vadd.f32 v22, v33  }
.Ltmp2:
0x288: {  	v33 =	vmov s26;
	v4 =	vadd.f32 v4, v32;
	s26 =	sand.u32 $0xC, s22;
	v32 =	vperm.xlane v19, v3;
	(pc) =	sbr.rel @p2 .LBB2_7-.Ltmp2, $4  }
0x289: {  	v24 =	vadd.f32 v24, v31;
	v31 =	vmov s26;
	v22 =	vmul.f32 $6.250000000e-02, v22  }
0x28a: {  	v4 =	vmul.f32 $6.250000000e-02, v4;
	v19 =	vadd.f32 v19, v32;
	vm1 =	veq.s32 v31, v40  }
0x28b: {  	vm2 =	veq.s32 v33, v40;
	v42 =	vmul.f32 $6.250000000e-02, v24;
	v22 =	vsel vm1, v22, v23  }
0x28c: {  	s23 =	sadd.s32 $0x400, s23;
	vm1 =	veq.s32 v34, v40;
	v23 =	vmul.f32 $6.250000000e-02, v19;
	v43 =	vsel vm2, v4, v22  }
0x28d: {  	v4 =	vsel vm1, v42, v43;
	vm1 =	veq.s32 v41, v40;
	p1 =	sne.s32 s25, $0xF  }
0x28e: {  	v4 =	vsel vm1, v23, v4;
	s20 =	sand.u32 @!p1 $0x70, s22  }
0x28f: {  	[tilespmem:s20+$0x10100] =	vst @!p1 v4  }
0x290: {  	v4 =	vld [tilespmem:$0x10100]  }
0x291: {  	v19 =	vld [tilespmem:$0x10110]  }
0x292: {  	v22 =	vld [tilespmem:$0x10120]  }
0x293: {  	v23 =	vld [tilespmem:$0x10130]  }
0x294: {  	v24 =	vld [tilespmem:$0x10140]  }
0x295: {  	v31 =	vld [tilespmem:$0x10150]  }
0x296: {  	v32 =	vld [tilespmem:$0x10160];
	v33 =	vmax.f32 v4, v19  }
0x297: {  	v34 =	vld [tilespmem:$0x10170];
	v33 =	vmax.f32 v33, v22  }
0x298: {  	v33 =	vmax.f32 v33, v23  }
0x299: {  	v33 =	vmax.f32 v33, v24  }
0x29a: {  	v33 =	vmax.f32 v33, v31  }
0x29b: {  	v33 =	vmax.f32 v33, v32  }
0x29c: {  	v33 =	vmax.f32 v33, v34  }
0x29d: {  	v35 =	vperm.xlane v33, v0;
	_ =	sdelay $0x1  }
0x29e: {  	v33 =	vmax.f32 v33, v35  }
0x29f: {  	v35 =	vperm.xlane v33, v1;
	_ =	sdelay $0x1  }
0x2a0: {  	v33 =	vmax.f32 v33, v35  }
0x2a1: {  	v35 =	vperm.xlane v33, v2  }
0x2a2: {  	v36 =	vld [tilespmem:$0x1FEF0]  }
0x2a3: {  	v33 =	vmax.f32 v33, v35  }
0x2a4: {  	v35 =	vperm.xlane v33, v3;
	_ =	sdelay $0x1  }
0x2a5: {  	v33 =	vmax.f32 v33, v35  }
0x2a6: {  	v35 =	vmax.f32 v36, v33  }
0x2a7: {  	v33 =	vsub.f32 v36, v35  }
0x2a8: {  	v4 =	vsub.f32 v4, v35  }
0x2a9: {  	v33 =	vmul.f32 $1.442695020e+00, v33  }
0x2aa: {  	v19 =	vsub.f32 v19, v35;
	v4 =	vmul.f32 $1.442695020e+00, v4  }
0x2ab: {  	(erf) = vpow2.f32 v33  }
0x2ac: {  	(erf) = vpow2.f32 v4;
	v4 =	vmul.f32 $1.442695020e+00, v19;
	v19 =	vsub.f32 v22, v35;
	_ =	sdelay $0x1  }
0x2ad: {  	(erf) = vpow2.f32 v4;
	v4 =	vmul.f32 $1.442695020e+00, v19;
	v19 =	vsub.f32 v23, v35;
	_ =	sdelay $0x1  }
0x2ae: {  	(erf) = vpow2.f32 v4;
	v4 =	vmul.f32 $1.442695020e+00, v19;
	v19 =	vsub.f32 v24, v35;
	_ =	sdelay $0x1  }
0x2af: {  	(erf) = vpow2.f32 v4;
	v4 =	vmul.f32 $1.442695020e+00, v19;
	v19 =	vsub.f32 v31, v35;
	_ =	sdelay $0x1  }
0x2b0: {  	v24 =	vpop (erf);
	(erf) = vpow2.f32 v4;
	v4 =	vmul.f32 $1.442695020e+00, v19;
	v19 =	vsub.f32 v32, v35;
	_ =	sdelay $0x1  }
0x2b1: {  	v22 =	vpop (erf);
	(erf) = vpow2.f32 v4;
	v4 =	vmul.f32 $1.442695020e+00, v19;
	v19 =	vsub.f32 v34, v35  }
0x2b2: {  	v23 =	vadd.f32 $0.0e+00, v22  }
0x2b3: {  	v31 =	vpop (erf);
	(erf) = vpow2.f32 v4;
	v4 =	vmul.f32 $1.442695020e+00, v19  }
0x2b4: {  	v23 =	vadd.f32 v23, v31  }
0x2b5: {  	v19 =	vpop (erf)  }
0x2b6: {  	(erf) = vpow2.f32 v4;
	v23 =	vadd.f32 v23, v19  }
0x2b7: {  	v4 =	vpop (erf)  }
0x2b8: {  	v23 =	vadd.f32 v23, v4  }
0x2b9: {  	v56 =	vpop (erf)  }
0x2ba: {  	v23 =	vadd.f32 v23, v56  }
0x2bb: {  	v57 =	vpop (erf)  }
0x2bc: {  	v23 =	vadd.f32 v23, v57  }
0x2bd: {  	v58 =	vpop (erf)  }
0x2be: {  	v23 =	vadd.f32 v23, v58  }
0x2bf: {  	v59 =	vpop (erf)  }
0x2c0: {  	v23 =	vadd.f32 v23, v59;
	_ =	sdelay $0x1  }
0x2c1: {  	[tilespmem:$0x10100] =	vst v22;
	v22 =	vperm.xlane v23, v0;
	_ =	sdelay $0x1  }
0x2c2: {  	[tilespmem:$0x10130] =	vst v4;
	v4 =	vadd.f32 v23, v22;
	_ =	sdelay $0x1  }
0x2c3: {  	[tilespmem:$0x10120] =	vst v19;
	v19 =	vperm.xlane v4, v1;
	_ =	sdelay $0x1  }
0x2c4: {  	v4 =	vadd.f32 v4, v19  }
0x2c5: {  	[tilespmem:$0x10110] =	vst v31  }
0x2c6: {  	s26 =	simm.s32 $0x0;
	[tilespmem:$0x10140] =	vst v56;
	v22 =	vperm.xlane v4, v2  }
0x2c7: {  	v61 =	vld [tilespmem:$0x1FE90];
	s22 =	sand.u32 $0x7800, s26;
	s20 =	simm.s32 $0x80;
	[tilespmem:$0x10150] =	vst v57  }
0x2c8: {  	v62 =	vld [tilespmem:$0x1FEC0];
	s24 =	sor.u32 $0x8100, s22;
	s28 =	sand.u32 $0x380, s20;
	[tilespmem:$0x10160] =	vst v58;
	v31 =	vadd.f32 v4, v22  }
0x2c9: {  	v41 =	vld [tilespmem:$0x1FED0];
	s22 =	sadd.s32 s28, s24;
	[tilespmem:$0x10170] =	vst v59  }
0x2ca: {  	v60 =	vld [tilespmem:s22+$0x10];
	[tilespmem:$0x1FC40] =	vst v31;
	v31 =	vperm.xlane v31, v3  }
0x2cb: {  	v38 =	vld [tilespmem:s22+$0x40]  }
0x2cc: {  	[tilespmem:$0x1FC50] =	vst v31;
	v31 =	vld [tilespmem:$0x1FC60]  }
0x2cd: {  	v39 =	vld [tilespmem:s22+$0x50]  }
0x2ce: {  	v47 =	vld [tilespmem:s22+$0x60]  }
0x2cf: {  	v54 =	vmul.f32 v24, v29;
	v29 =	vld [tilespmem:s22+$0x70]  }
0x2d0: {  	v48 =	vld [tilespmem:s22+$0x400]  }
0x2d1: {  	v55 =	vmul.f32 v24, v31;
	v31 =	vld [tilespmem:$0x1FC70]  }
0x2d2: {  	v49 =	vld [tilespmem:s22+$0x410]  }
0x2d3: {  	v50 =	vld [tilespmem:s22+$0x420]  }
0x2d4: {  	v53 =	vld [tilespmem:s22+$0x430]  }
0x2d5: {  	s21 =	simm.s32 $0x0;
	v57 =	vld [tilespmem:s22+$0x440]  }
0x2d6: {  	s23 =	sand.u32 $0x70, s21;
	s26 =	simm.s32 $0x0;
	v56 =	vmul.f32 v24, v31;
	v31 =	vld [tilespmem:$0x1FC80]  }
0x2d7: {  	s31 =	sand.u32 $0x300, s26;
	v19 =	vld [tilespmem:s23+$0x10100]  }
0x2d8: {  	v23 =	vld [tilespmem:s22+$0x0];
	s23 =	sadd.s32 s31, s24  }
0x2d9: {  	v25 =	vmul.f32 v24, v25;
	v26 =	vmul.f32 v24, v26;
	v58 =	vld [tilespmem:s23+$0x0]  }
0x2da: {  	s29 =	simm.s32 $0x1;
	v27 =	vmul.f32 v24, v27;
	v28 =	vmul.f32 v24, v28;
	v59 =	vld [tilespmem:s23+$0x10]  }
0x2db: {  	v37 =	vmov s29;
	v30 =	vmul.f32 v24, v30;
	v44 =	vmul.f32 v24, v31;
	v31 =	vld [tilespmem:$0x1FC90]  }
0x2dc: {  	s30 =	sand.u32 $0xE, s21;
	v32 =	vmul.f32 v24, v61;
	v61 =	vld [tilespmem:s23+$0x30];
	v46 =	vperm.xlane v19, v37  }
0x2dd: {  	v63 =	vmov s30;
	v43 =	vmul.f32 v24, v41;
	v34 =	vmul.f32 v24, v62;
	v41 =	vld [tilespmem:s23+$0x410]  }
0x2de: {  	v4 =	vld [tilespmem:s22+$0x20];
	v37 =	vperm.xlane v19, v63;
	v23 =	vmul.f32 v23, v46  }
0x2df: {  	v22 =	vld [tilespmem:s22+$0x30];
	v36 =	vmul.f32 v60, v46;
	v62 =	vmul.f32 v39, v46  }
0x2e0: {  	v40 =	vmul.f32 v47, v46;
	v45 =	vmul.f32 v24, v31;
	v31 =	vld [tilespmem:$0x1FCA0]  }
0x2e1: {  	v19 =	vld [tilespmem:s22+$0x450];
	v52 =	vmul.f32 v29, v46;
	v39 =	vmul.f32 v48, v46  }
0x2e2: {  	v60 =	vld [tilespmem:s23+$0x20];
	v51 =	vmul.f32 v49, v46;
	v49 =	vmul.f32 v50, v46  }
0x2e3: {  	v29 =	vld [tilespmem:s23+$0x40];
	v50 =	vmul.f32 v53, v46;
	v48 =	vmul.f32 v57, v46  }
0x2e4: {  	v63 =	vld [tilespmem:s23+$0x50];
	v42 =	vmul.f32 v59, v37;
	v4 =	vmul.f32 v4, v46  }
0x2e5: {  	v22 =	vmul.f32 v22, v46;
	v33 =	vmul.f32 v24, v31;
	v31 =	vld [tilespmem:$0x1FCB0]  }
0x2e6: {  	v53 =	vld [tilespmem:s23+$0x60];
	v47 =	vmul.f32 v19, v46;
	v19 =	vmul.f32 v58, v37  }
0x2e7: {  	v58 =	vld [tilespmem:s23+$0x70];
	v59 =	vmul.f32 v60, v37;
	v60 =	vmul.f32 v61, v37  }
0x2e8: {  	v61 =	vld [tilespmem:s23+$0x400];
	v19 =	vadd.f32 v19, v25;
	v25 =	vadd.f32 v42, v26;
	v42 =	vmul.f32 v29, v37  }
0x2e9: {  	v26 =	vadd.f32 v59, v27;
	v28 =	vadd.f32 v60, v28;
	v59 =	vmul.f32 v63, v37;
	v63 =	vld [tilespmem:s23+$0x420]  }
0x2ea: {  	[tilespmem:$0x1FFF0] =	vst v35;
	v29 =	vadd.f32 v23, v19;
	v27 =	vadd.f32 v36, v25;
	v35 =	vmul.f32 v24, v31;
	v31 =	vld [tilespmem:$0x1FE80]  }
0x2eb: {  	v57 =	vld [tilespmem:s23+$0x430];
	v60 =	vmul.f32 v53, v37;
	v26 =	vadd.f32 v4, v26;
	v25 =	vadd.f32 v22, v28  }
0x2ec: {  	v38 =	vmul.f32 v38, v46;
	v53 =	vld [tilespmem:s23+$0x440];
	v4 =	vadd.f32 v42, v54;
	v22 =	vadd.f32 v59, v30  }
0x2ed: {  	v19 =	vmul.f32 v58, v37;
	v54 =	vld [tilespmem:s23+$0x450];
	v36 =	vadd.f32 v60, v55;
	v60 =	vmul.f32 v41, v37  }
0x2ee: {  	v55 =	vld [tilespmem:s23+$0x470];
	v58 =	vmul.f32 v61, v37;
	v30 =	vadd.f32 v38, v4;
	v28 =	vadd.f32 v62, v22  }
0x2ef: {  	v59 =	vmul.f32 v63, v37;
	v61 =	vadd.f32 v19, v56;
	v56 =	vld [tilespmem:s23+$0x460];
	s23 =	simm.s32 $0x200;
	v31 =	vmul.f32 v24, v31  }
.LBB2_9:
0x2f0: {  	s24 =	sand.u32 $0x7800, s23  }
0x2f1: {  	v4 =	vmul.f32 v57, v37;
	v36 =	vadd.f32 v40, v36;
	v38 =	vadd.f32 v52, v61;
	v19 =	vld [tilespmem:s22+$0x460];
	s20 =	sadd.s32 $0x100, s20;
	s25 =	smov.u32 s21;
	s21 =	sadd.s32 $0x2, s21  }
0x2f2: {  	v22 =	vadd.f32 v58, v44;
	v23 =	vadd.f32 v60, v45;
	s26 =	sand.u32 $0x70, s21;
	s24 =	sor.u32 $0x8100, s24;
	s28 =	sand.u32 $0x380, s20;
	v40 =	vmul.f32 v53, v37;
	v41 =	vld [tilespmem:s22+$0x470]  }
0x2f3: {  	p1 =	slt.u32 s21, $0x7E;
	v33 =	vadd.f32 v59, v33;
	v42 =	vld [tilespmem:s26+$0x10100];
	s22 =	sadd.s32 s28, s24;
	v4 =	vadd.f32 v4, v35;
	v52 =	vmul.f32 v54, v37  }
0x2f4: {  	v44 =	vadd.f32 v39, v22;
	v45 =	vadd.f32 v51, v23;
	v53 =	vld [tilespmem:s22+$0x0];
	v54 =	vmul.f32 v56, v37  }
0x2f5: {  	v33 =	vadd.f32 v49, v33;
	v22 =	vld [tilespmem:s22+$0x10];
	v23 =	vmul.f32 v55, v37;
	v35 =	vadd.f32 v50, v4  }
0x2f6: {  	v31 =	vadd.f32 v40, v31;
	v32 =	vadd.f32 v52, v32;
	v4 =	vld [tilespmem:s22+$0x20];
	v19 =	vmul.f32 v19, v46  }
0x2f7: {  	v34 =	vadd.f32 v54, v34;
	v39 =	vld [tilespmem:s22+$0x30];
	v23 =	vadd.f32 v23, v43;
	v37 =	vmul.f32 v41, v46  }
0x2f8: {  	v31 =	vadd.f32 v48, v31;
	v32 =	vadd.f32 v47, v32;
	v40 =	vld [tilespmem:s22+$0x40]  }
0x2f9: {  	v34 =	vadd.f32 v19, v34;
	v41 =	vld [tilespmem:s22+$0x50];
	v43 =	vadd.f32 v37, v23  }
0x2fa: {  	v19 =	vld [tilespmem:s22+$0x60]  }
0x2fb: {  	v23 =	vld [tilespmem:s22+$0x70]  }
0x2fc: {  	v47 =	vld [tilespmem:s22+$0x400]  }
0x2fd: {  	v48 =	vld [tilespmem:s22+$0x410]  }
0x2fe: {  	s25 =	sadd.s32 $0x3, s25;
	v49 =	vld [tilespmem:s22+$0x420]  }
0x2ff: {  	s26 =	sand.u32 $0xE, s21;
	s28 =	sadd.s32 $0xFFFFFF80, s20;
	v37 =	vmov s25;
	v50 =	vld [tilespmem:s22+$0x430]  }
0x300: {  	v51 =	vmov s26;
	s25 =	sand.u32 $0x300, s28;
	v46 =	vperm.xlane v42, v37;
	v54 =	vld [tilespmem:s22+$0x440]  }
0x301: {  	v37 =	vperm.xlane v42, v51;
	s24 =	sadd.s32 s25, s24;
	v42 =	vld [tilespmem:s22+$0x450]  }
0x302: {  	v53 =	vmul.f32 v53, v46;
	v22 =	vmul.f32 v22, v46;
	v55 =	vld [tilespmem:s24+$0x0]  }
0x303: {  	v4 =	vmul.f32 v4, v46;
	v58 =	vmul.f32 v39, v46;
	v56 =	vld [tilespmem:s24+$0x10]  }
0x304: {  	v62 =	vmul.f32 v40, v46;
	v41 =	vmul.f32 v41, v46;
	v57 =	vld [tilespmem:s24+$0x20]  }
0x305: {  	v40 =	vmul.f32 v19, v46;
	v52 =	vmul.f32 v23, v46;
	v59 =	vld [tilespmem:s24+$0x30]  }
0x306: {  	v39 =	vmul.f32 v47, v46;
	v51 =	vmul.f32 v48, v46;
	v19 =	vld [tilespmem:s24+$0x40]  }
0x307: {  	v49 =	vmul.f32 v49, v46;
	v50 =	vmul.f32 v50, v46;
	v23 =	vld [tilespmem:s24+$0x50]  }
0x308: {  	v48 =	vmul.f32 v54, v46;
	v47 =	vmul.f32 v42, v46;
	v60 =	vld [tilespmem:s24+$0x60]  }
0x309: {  	v42 =	vmul.f32 v55, v37;
	v54 =	vmul.f32 v56, v37;
	v55 =	vld [tilespmem:s24+$0x70]  }
0x30a: {  	v56 =	vmul.f32 v57, v37;
	v57 =	vmul.f32 v59, v37;
	v59 =	vld [tilespmem:s24+$0x400]  }
0x30b: {  	v29 =	vadd.f32 v42, v29;
	v27 =	vadd.f32 v54, v27;
	v19 =	vmul.f32 v19, v37;
	v42 =	vld [tilespmem:s24+$0x410]  }
0x30c: {  	v26 =	vadd.f32 v56, v26;
	v25 =	vadd.f32 v57, v25;
	v23 =	vmul.f32 v23, v37;
	v63 =	vld [tilespmem:s24+$0x420]  }
.Ltmp3:
0x30d: {  	v29 =	vadd.f32 v53, v29;
	v27 =	vadd.f32 v22, v27;
	v56 =	vmul.f32 v60, v37;
	v57 =	vld [tilespmem:s24+$0x430];
	(pc) =	sbr.rel @p1 .LBB2_9-.Ltmp3, $4  }
0x30e: {  	v26 =	vadd.f32 v4, v26;
	v22 =	vmul.f32 v55, v37;
	v53 =	vld [tilespmem:s24+$0x440];
	v25 =	vadd.f32 v58, v25  }
0x30f: {  	v4 =	vadd.f32 v19, v30;
	v19 =	vadd.f32 v23, v28;
	v58 =	vmul.f32 v59, v37;
	v54 =	vld [tilespmem:s24+$0x450]  }
0x310: {  	v36 =	vadd.f32 v56, v36;
	v61 =	vadd.f32 v22, v38;
	v60 =	vmul.f32 v42, v37;
	v56 =	vld [tilespmem:s24+$0x460]  }
0x311: {  	s23 =	sadd.s32 $0x200, s23;
	v30 =	vadd.f32 v62, v4;
	v28 =	vadd.f32 v41, v19;
	v59 =	vmul.f32 v63, v37;
	v55 =	vld [tilespmem:s24+$0x470]  }
0x312: {  	_ = 	snop  }
0x313: {  	v4 =	vmul.f32 v57, v37;
	v41 =	vadd.f32 v52, v61;
	v22 =	vadd.f32 v58, v44  }
0x314: {  	v23 =	vadd.f32 v60, v45;
	v58 =	vmul.f32 v53, v37;
	v33 =	vadd.f32 v59, v33  }
0x315: {  	v4 =	vadd.f32 v4, v35;
	v60 =	vmul.f32 v54, v37;
	v44 =	vadd.f32 v39, v22  }
0x316: {  	v61 =	vmul.f32 v56, v37;
	v22 =	vmul.f32 v55, v37;
	v37 =	vadd.f32 v49, v33  }
0x317: {  	v33 =	vadd.f32 v50, v4;
	v4 =	vadd.f32 v58, v31;
	_ =	sdelay $0x1  }
0x318: {  	v35 =	vadd.f32 v48, v4;
	v4 =	vld [tilespmem:$0x1FEE0];
	_ =	sdelay $0x1  }
0x319: {  	v19 =	vld [tilespmem:s22+$0x460]  }
0x31a: {  	v38 =	vld [tilespmem:s22+$0x470]  }
0x31b: {  	v63 =	vld [tilespmem:$0x1FC50]  }
0x31c: {  	v4 =	vmul.f32 v24, v4;
	v24 =	vld [tilespmem:$0x1FC40];
	_ =	sdelay $0x2  }
.Ltmp4:
0x31d: {  	v42 =	vadd.f32 v40, v36;
	v39 =	vadd.f32 v51, v23;
	(pc) =	sbr.rel @p0 .LBB2_2-.Ltmp4, $4  }
0x31e: {  	v23 =	vadd.f32 v60, v32;
	v19 =	vmul.f32 v19, v46;
	v31 =	vadd.f32 v61, v34  }
0x31f: {  	v62 =	vmul.f32 v38, v46;
	v22 =	vadd.f32 v22, v43;
	v24 =	vadd.f32 v24, v63  }
0x320: {  	v34 =	vadd.f32 v47, v23;
	v23 =	vadd.f32 v19, v31  }
0x321: {  	s20 =	simm.s32 $0x2000;
	p2 =	por $0x0, $0x0;
	v19 =	vadd.f32 v62, v22;
	v4 =	vadd.f32 v24, v4  }
0x322: {  	[tilespmem:$0x10180] =	vst v29  }
0x323: {  	[tilespmem:$0x10190] =	vst v27  }
0x324: {  	[tilespmem:$0x101A0] =	vst v26  }
0x325: {  	[tilespmem:$0x101B0] =	vst v25  }
0x326: {  	[tilespmem:$0x101C0] =	vst v30  }
0x327: {  	[tilespmem:$0x101D0] =	vst v28  }
0x328: {  	[tilespmem:$0x101E0] =	vst v42  }
0x329: {  	[tilespmem:$0x101F0] =	vst v41  }
0x32a: {  	[tilespmem:$0x10200] =	vst v44  }
0x32b: {  	[tilespmem:$0x10210] =	vst v39  }
0x32c: {  	[tilespmem:$0x10220] =	vst v37;
	v5 =	vld [tilespmem:$0x1FFF0]  }
0x32d: {  	[tilespmem:$0x10230] =	vst v33  }
0x32e: {  	[tilespmem:$0x10240] =	vst v35  }
0x32f: {  	[tilespmem:$0x10250] =	vst v34  }
0x330: {  	[tilespmem:$0x10260] =	vst v23;
	vm1 =	vmmov $0x1;
	v4 =	vsel vm0, $0x0, v4  }
0x331: {  	[tilespmem:$0x10270] =	vst v19;
	v4 =	vsel vm1, v5, v4  }
0x332: {  	[tilespmem:$0x10280] =	vst v4  }
0x333: {  	[hbm4b:s7+s15] =	stream.strided.scatter [tilespmem:s17], [sflag:$0x3], $0x100, s16, s15, $0x38;
	[tilespmem:$0x10300] =	vst v63  }
0x334: {  	s19 =	sadd.s32 $0x1, s19;
	_ =	swait.ge [sflag:s10], $0x100  }
0x335: {  	p0 =	sne.s32 s19, s9;
	[sflag:s10] =	ssyncset.done $0x0  }
.Ltmp5:
0x336: {  	[sflag:s10] =	ssyncadd.s32 $0xFFFFFF00;
	(pc) =	sbr.rel @p0 .LBB2_1-.Ltmp5, $4  }
0x337: {  	[hbm4b:s8+s3] =	stream.linear.scatter [tilespmem:s18], [sflag:$0x3], $0x80, $0x38;
	[tilespmem:$0x10300] =	vst v63  }
0x338: {  	_ =	swait.ge [sflag:s10], $0x80  }
0x339: {  	[sflag:s10] =	ssyncset.done $0x0  }
0x33a: {  	[sflag:s10] =	ssyncadd.s32 $0xFFFFFF80  }
0x33b: {  	_ =	sfence.sel $0x180000  }
0x33c: {  	[bflag:$0x0] =	sbarrier.arrive $0xFFFF  }
0x33d: {  	p0 =	sne.s32 s0, $0x0;
	_ =	strace $0x90000047  }
0x33e: {  	s0 =	sadd.s32 @!p0 $0x100000, s2;
	[bflag:$0x2] =	sbarrier.arrive $0xFFFF  }
0x33f: {  	[sflag:s0] =	ssyncadd.tile.s32 @!p0 $0x1;
	_ =	shalt  }
.Lfunc_end2:
_tile_overlayer_lowered:
.L_overlay_start_2:
0x340: {  	(tag) =	ssettag $0x2  }
0x341: {  	s0 =	rddreg [dreg:$0x0];
	s2 =	stileid.u32  }
0x342: {  	s1 =	rddreg [dreg:$0x1];
	p0 =	sne.s32 s2, $0x0  }
0x343: {  	s3 =	rddreg [dreg:$0x2];
	[bflag:$0x3] =	sbarrier.arrive $0xFFFF;
	s2 =	simm.s32 @!p0 $0x1C03  }
0x344: {  	[timem:s3], [sflag:s2] =	dma.local @!p0 [hbm:s0], s1  }
0x345: {  	s0 =	simm.s32 @!p0 $0x3  }
0x346: {  	_ =	swait.ge @!p0 [sflag:s0], s1  }
0x347: {  	s1 =	ssub.s32 @!p0 $0x0, s1;
	[sflag:s0] =	ssyncset.done @!p0 $0x0  }
0x348: {  	[sflag:s0] =	ssyncadd.s32 @!p0 s1  }
0x349: {  	[bflag:$0x3] =	sbarrier.arrive $0xFFFF  }
0x34a: {  	_ =	shalt  }

</sc_bundles>
